<compile_context>
chip_gen: v7x
topology: tpu7x:2x2x1
jax: 0.10.2.dev20260603
libtpu: 0.0.44.dev20260713+nightly
codegen_flags: <defaults>
</compile_context>

<pallas_src>
import functools

import jax
import jax.numpy as jnp
from jax import lax
from jax.experimental import pallas as pl
from jax.experimental.pallas import tpu as pltpu
from jax.experimental.pallas import tpu_sc as plsc






def _make_sc_seg_sum(n, d, e_pad, k, ngrp, gchunk):
    info = plsc.get_sparse_core_info()
    nc, ns = info.num_cores, info.num_subcores
    nw = nc * ns
    assert e_pad == nw * ngrp * gchunk * k
    rows_per_tile = (-(-n // ns) + 7) // 8 * 8
    npad = rows_per_tile * ns

    mesh = plsc.VectorSubcoreMesh(core_axis_name="c", subcore_axis_name="s")

    @functools.partial(
        pl.kernel,
        out_type=jax.ShapeDtypeStruct((nc, npad, d), jnp.float32),
        mesh=mesh,
        scratch_types=[
            pltpu.VMEM((gchunk, k), jnp.int32),
            pltpu.VMEM((gchunk, k), jnp.int32),
            pltpu.VMEM((k, d), jnp.float32),
            pltpu.VMEM((k, d), jnp.float32),
            pltpu.VMEM((k, d), jnp.float32),
            pltpu.VMEM((k, d), jnp.float32),
            pltpu.VMEM_SHARED((npad, d), jnp.float32),
            pltpu.SemaphoreType.DMA,
            pltpu.SemaphoreType.DMA,
            pltpu.SemaphoreType.DMA,
            pltpu.SemaphoreType.DMA,
            pltpu.SemaphoreType.DMA,
            pltpu.SemaphoreType.DMA,
            pltpu.SemaphoreType.DMA,
            pltpu.SemaphoreType.DMA,
        ],
    )
    def seg_sum(m_hbm, src_hbm, dst_hbm, out_hbm,
                src_g, dst_g, buf0, buf1, buf2, buf3, agg_sh,
                semg0, semg1, semg2, semg3, sems0, sems1, sems2, sems3):
        cid = lax.axis_index("c")
        sid = lax.axis_index("s")
        wid = sid * nc + cid
        bufs = (buf0, buf1, buf2, buf3)
        semg = (semg0, semg1, semg2, semg3)
        sems = (sems0, sems1, sems2, sems3)

        def g_start(c, b):
            pltpu.async_copy(m_hbm.at[src_g.at[c]], bufs[b], semg[b])

        def g_wait(c, b):
            pltpu.make_async_copy(m_hbm.at[src_g.at[c]], bufs[b],
                                  semg[b]).wait()

        def s_start(c, b):
            pltpu.async_copy(bufs[b], agg_sh.at[dst_g.at[c]], sems[b],
                             add=True)

        def s_wait(c, b):
            pltpu.make_async_copy(bufs[b], agg_sh.at[dst_g.at[c]],
                                  sems[b]).wait()

        row0 = sid * rows_per_tile

        for g in range(ngrp):
            cp_s = pltpu.async_copy(src_hbm.at[wid, g], src_g, sems[2])
            cp_d = pltpu.async_copy(dst_hbm.at[wid, g], dst_g, sems[3])
            cp_s.wait()

            g_start(0, 0)
            g_start(1, 1)
            g_start(2, 2)
            if g == 0:
                def zrow(i, carry):
                    for j in range(8):
                        buf3[i, pl.ds(j * 16, 16)] = jnp.zeros(
                            (16,), jnp.float32)
                    return carry

                lax.fori_loop(0, k, zrow, 0)
                nfull = rows_per_tile // k
                rem = rows_per_tile - nfull * k
                zcps = [
                    pltpu.async_copy(
                        buf3, agg_sh.at[pl.ds(row0 + t * k, k)], sems[2])
                    for t in range(nfull)
                ]
                if rem:
                    zcps.append(pltpu.async_copy(
                        buf3.at[pl.ds(0, rem)],
                        agg_sh.at[pl.ds(row0 + nfull * k, rem)], sems[2]))
                for cp in zcps:
                    cp.wait()
                plsc.subcore_barrier()
            cp_d.wait()
            g_wait(0, 0)
            s_start(0, 0)
            g_start(3, 3)

            def slot(c, b):
                bf = (b + 3) % 4
                g_wait(c, b)
                s_wait(c - 1, bf)
                s_start(c, b)

                @pl.when(c + 3 < gchunk)
                def _():
                    g_start(c + 3, bf)

            def quad(t, carry):
                c0 = 1 + t * 4
                for o in range(4):
                    slot(c0 + o, (1 + o) % 4)
                return carry

            n_quads = (gchunk - 1) // 4
            lax.fori_loop(0, n_quads, quad, 0)
            for c in range(1 + 4 * n_quads, gchunk):
                slot(c, c % 4)
            s_wait(gchunk - 1, (gchunk - 1) % 4)

        plsc.subcore_barrier()
        pltpu.sync_copy(
            agg_sh.at[pl.ds(row0, rows_per_tile)],
            out_hbm.at[cid, pl.ds(row0, rows_per_tile)],
        )

    return seg_sum




def _post_body(p0_ref, p1_ref, x_ref, w_ref, wih_ref, whh_ref, bih_ref,
               bhh_ref, out_ref):
    d = x_ref.shape[1]
    xb = x_ref[...]
    w2 = lax.dot_general(w_ref[...], wih_ref[...], (((1,), (1,)), ((), ())),
                         preferred_element_type=jnp.float32)
    sx = p0_ref[0] + p1_ref[0]
    gi = (
        jnp.dot(sx, w2, preferred_element_type=jnp.float32)
        + bih_ref[...]
    )
    gh = (
        lax.dot_general(xb, whh_ref[...], (((1,), (1,)), ((), ())),
                        preferred_element_type=jnp.float32)
        + bhh_ref[...]
    )
    r = jax.nn.sigmoid(gi[:, :d] + gh[:, :d])
    z = jax.nn.sigmoid(gi[:, d:2 * d] + gh[:, d:2 * d])
    nn = jnp.tanh(gi[:, 2 * d:] + r * gh[:, 2 * d:])
    h = (1.0 - z) * nn + z * xb
    out_ref[...] = xb + jnp.maximum(h, 0.0)


def _post_call(part, x, w, wih, whh, bih, bhh, bn):
    n, d = x.shape
    d3 = wih.shape[0]
    grid = n // bn
    return pl.pallas_call(
        _post_body,
        grid=(grid,),
        in_specs=[
            pl.BlockSpec((1, bn, d), lambda i: (0, i, 0)),
            pl.BlockSpec((1, bn, d), lambda i: (1, i, 0)),
            pl.BlockSpec((bn, d), lambda i: (i, 0)),
            pl.BlockSpec((d, d), lambda i: (0, 0)),
            pl.BlockSpec((d3, d), lambda i: (0, 0)),
            pl.BlockSpec((d3, d), lambda i: (0, 0)),
            pl.BlockSpec((1, d3), lambda i: (0, 0)),
            pl.BlockSpec((1, d3), lambda i: (0, 0)),
        ],
        out_specs=pl.BlockSpec((bn, d), lambda i: (i, 0)),
        out_shape=jax.ShapeDtypeStruct((n, d), jnp.float32),
    )(part, part, x, w, wih, whh, bih, bhh)




def kernel(x, edge_index, W, W_ih, W_hh, b_ih, b_hh):
    n, d = x.shape
    e = edge_index.shape[1]
    src = edge_index[0]
    dst = edge_index[1]

    bn = 2000
    rows_per_tile = (-(-n // 16) + 7) // 8 * 8

    nw, k, ngrp = 32, 80, 5
    e_pad = -(-e // (nw * ngrp * k)) * (nw * ngrp * k)
    gchunk = e_pad // (nw * ngrp * k)
    npad_rows = rows_per_tile * 16
    pad = e_pad - e
    if pad:
        pad_dst = n + jnp.arange(pad, dtype=jnp.int32) % (npad_rows - n)
        src_p = jnp.concatenate([src, jnp.zeros((pad,), jnp.int32)])
        dst_p = jnp.concatenate([dst, pad_dst])
    else:
        src_p, dst_p = src, dst
    src4 = src_p.reshape(nw, ngrp, gchunk, k)
    dst4 = dst_p.reshape(nw, ngrp, gchunk, k)
    part = _make_sc_seg_sum(n, d, e_pad, k, ngrp, gchunk)(x, src4, dst4)

    return _post_call(part, x, W, W_ih, W_hh, b_ih.reshape(1, -1),
                      b_hh.reshape(1, -1), bn)

# --- scband reference (transcript-rebuilt; emitter-appended) ---
"""Pipeline reference for scband-gated-graph-conv-83330955477202 (READ-ONLY COPY).

The authoritative reference and input builder live on the scoring server;
editing this copy changes nothing except your own understanding.
"""

import jax, jax.numpy as jnp
import numpy as np

N = 10000
E = 320000
D = 128


def setup_inputs(seed: int = 0) -> dict:
    key = jax.random.key(seed)
    ks = jax.random.split(key, 8)
    x = jax.random.normal(ks[0], (N, D), dtype=jnp.float32)
    edge_index = jax.random.randint(ks[1], (2, E), 0, N, dtype=jnp.int32)
    s = 1.0 / np.sqrt(D)
    # GatedGraphConv layer weight (num_layers=1), applied as x @ W
    W = jax.random.uniform(ks[2], (D, D), minval=-s, maxval=s, dtype=jnp.float32)
    # GRUCell parameters (PyTorch layout: gates ordered r, z, n)
    W_ih = jax.random.uniform(ks[3], (3 * D, D), minval=-s, maxval=s, dtype=jnp.float32)
    W_hh = jax.random.uniform(ks[4], (3 * D, D), minval=-s, maxval=s, dtype=jnp.float32)
    b_ih = jax.random.uniform(ks[5], (3 * D,), minval=-s, maxval=s, dtype=jnp.float32)
    b_hh = jax.random.uniform(ks[6], (3 * D,), minval=-s, maxval=s, dtype=jnp.float32)
    return {"x": x, "edge_index": edge_index, "W": W, "W_ih": W_ih, "W_hh": W_hh, "b_ih": b_ih, "b_hh": b_hh}


def reference(x, edge_index, W, W_ih, W_hh, b_ih, b_hh):
    # PyG GatedGraphConv with num_layers=1, aggr='add':
    #   m = x @ weight[0]
    #   agg[dst] = sum over incoming edges of m[src]
    #   h = GRUCell(agg, x)
    src = edge_index[0]
    dst = edge_index[1]
    m = x @ W
    agg = jax.ops.segment_sum(jnp.take(m, src, axis=0), dst, num_segments=N)
    gi = agg @ W_ih.T + b_ih
    gh = x @ W_hh.T + b_hh
    i_r, i_z, i_n = jnp.split(gi, 3, axis=-1)
    h_r, h_z, h_n = jnp.split(gh, 3, axis=-1)
    r = jax.nn.sigmoid(i_r + h_r)
    z = jax.nn.sigmoid(i_z + h_z)
    n = jnp.tanh(i_n + r * h_n)
    h = (1.0 - z) * n + z * x
    # Wrapper module: x = x + relu(gatedgraph(x, edge_index))
    return x + jax.nn.relu(h)

if __name__ == "__main__":
    import jax
    _d = setup_inputs()
    print(jax.jit(kernel)(*tuple(_d.values())))

</pallas_src>

<mosaic_0001>
#map = affine_map<(d0, d1) -> (0, 0)>
#map1 = affine_map<(d0, d1) -> (0, 0, 0, 0)>
#map2 = affine_map<(d0, d1) -> (0, 0, 0)>
module attributes {stable_mosaic.version = 14 : i64} {
  func.func @seg_sum(%arg0: i32, %arg1: i32, %arg2: memref<10000x128xf32, #tpu.memory_space<hbm>>, %arg3: memref<32x5x25x80xi32, #tpu.memory_space<hbm>>, %arg4: memref<32x5x25x80xi32, #tpu.memory_space<hbm>>, %arg5: memref<2x10112x128xf32, #tpu.memory_space<hbm>>, %arg6: memref<25x80xi32, #tpu.memory_space<vmem>>, %arg7: memref<25x80xi32, #tpu.memory_space<vmem>>, %arg8: memref<80x128xf32, #tpu.memory_space<vmem>>, %arg9: memref<80x128xf32, #tpu.memory_space<vmem>>, %arg10: memref<80x128xf32, #tpu.memory_space<vmem>>, %arg11: memref<80x128xf32, #tpu.memory_space<vmem>>, %arg12: memref<10112x128xf32, #tpu.memory_space<vmem_shared>>, %arg13: memref<!tpu.dma_semaphore, #tpu.memory_space<semaphore_mem>>, %arg14: memref<!tpu.dma_semaphore, #tpu.memory_space<semaphore_mem>>, %arg15: memref<!tpu.dma_semaphore, #tpu.memory_space<semaphore_mem>>, %arg16: memref<!tpu.dma_semaphore, #tpu.memory_space<semaphore_mem>>, %arg17: memref<!tpu.dma_semaphore, #tpu.memory_space<semaphore_mem>>, %arg18: memref<!tpu.dma_semaphore, #tpu.memory_space<semaphore_mem>>, %arg19: memref<!tpu.dma_semaphore, #tpu.memory_space<semaphore_mem>>, %arg20: memref<!tpu.dma_semaphore, #tpu.memory_space<semaphore_mem>>) attributes {dimension_semantics = [#tpu.dimension_semantics<core_parallel>, #tpu.dimension_semantics<subcore_parallel>], iteration_bounds = array<i64: 2, 16>, scalar_prefetch = 0 : i64, scratch_operands = 15 : i64, tpu.core_type = #tpu.core_type<sc_vector_subcore>, window_params = [{transform_indices = #map}, {transform_indices = #map1}, {transform_indices = #map1}, {transform_indices = #map2}]} {
    %mul3A = arith.constant 2 : i32
    %mul3A_0 = arith.muli %arg1, %mul3A : i32
    %add3A = arith.addi %mul3A_0, %arg0 : i32
    %mul3A_1 = arith.constant 632 : i32
    %mul3A_2 = arith.muli %arg1, %mul3A_1 : i32
    %dma_start3A = arith.constant 0 : i32
    %dma_start3A_3 = arith.constant 0 : i32
    %dma_start3A_4 = arith.constant 0 : i32
    %dma_start3A_5 = tpu.memref_slice %arg3[%add3A, %dma_start3A, %dma_start3A_3, %dma_start3A_4] : memref<32x5x25x80xi32, #tpu.memory_space<hbm>> -> memref<1x1x25x80xi32, #tpu.memory_space<hbm>>
    %dma_start3A_6 = tpu.memref_squeeze %dma_start3A_5 : memref<1x1x25x80xi32, #tpu.memory_space<hbm>> -> memref<25x80xi32, #tpu.memory_space<hbm>>
    %dma_start3A_7 = arith.constant 0 : i32
    %dma_start3A_8 = arith.constant 0 : i32
    %dma_start3A_9 = tpu.memref_slice %arg3[%add3A, %dma_start3A, %dma_start3A_7, %dma_start3A_8] : memref<32x5x25x80xi32, #tpu.memory_space<hbm>> -> memref<1x1x25x80xi32, #tpu.memory_space<hbm>>
    %dma_start3A_10 = tpu.memref_squeeze %dma_start3A_9 : memref<1x1x25x80xi32, #tpu.memory_space<hbm>> -> memref<25x80xi32, #tpu.memory_space<hbm>>
    tpu.enqueue_dma source(%dma_start3A_10 : memref<25x80xi32, #tpu.memory_space<hbm>>) target(%arg6 : memref<25x80xi32, #tpu.memory_space<vmem>>) target_semaphore(%arg19 : memref<!tpu.dma_semaphore, #tpu.memory_space<semaphore_mem>>)
    %dma_start3A_11 = arith.constant 0 : i32
    %dma_start3A_12 = arith.constant 0 : i32
    %dma_start3A_13 = arith.constant 0 : i32
    %dma_start3A_14 = tpu.memref_slice %arg4[%add3A, %dma_start3A_11, %dma_start3A_12, %dma_start3A_13] : memref<32x5x25x80xi32, #tpu.memory_space<hbm>> -> memref<1x1x25x80xi32, #tpu.memory_space<hbm>>
    %dma_start3A_15 = tpu.memref_squeeze %dma_start3A_14 : memref<1x1x25x80xi32, #tpu.memory_space<hbm>> -> memref<25x80xi32, #tpu.memory_space<hbm>>
    %dma_start3A_16 = arith.constant 0 : i32
    %dma_start3A_17 = arith.constant 0 : i32
    %dma_start3A_18 = tpu.memref_slice %arg4[%add3A, %dma_start3A_11, %dma_start3A_16, %dma_start3A_17] : memref<32x5x25x80xi32, #tpu.memory_space<hbm>> -> memref<1x1x25x80xi32, #tpu.memory_space<hbm>>
    %dma_start3A_19 = tpu.memref_squeeze %dma_start3A_18 : memref<1x1x25x80xi32, #tpu.memory_space<hbm>> -> memref<25x80xi32, #tpu.memory_space<hbm>>
    tpu.enqueue_dma source(%dma_start3A_19 : memref<25x80xi32, #tpu.memory_space<hbm>>) target(%arg7 : memref<25x80xi32, #tpu.memory_space<vmem>>) target_semaphore(%arg20 : memref<!tpu.dma_semaphore, #tpu.memory_space<semaphore_mem>>)
    %dma_wait3A = arith.constant 0 : i32
    %dma_wait3A_20 = arith.constant 0 : i32
    %dma_wait3A_21 = arith.constant 0 : i32
    %dma_wait3A_22 = tpu.memref_slice %arg3[%add3A, %dma_wait3A, %dma_wait3A_20, %dma_wait3A_21] : memref<32x5x25x80xi32, #tpu.memory_space<hbm>> -> memref<1x1x25x80xi32, #tpu.memory_space<hbm>>
    %dma_wait3A_23 = tpu.memref_squeeze %dma_wait3A_22 : memref<1x1x25x80xi32, #tpu.memory_space<hbm>> -> memref<25x80xi32, #tpu.memory_space<hbm>>
    %dma_wait3A_24 = arith.constant 0 : i32
    %dma_wait3A_25 = arith.constant 0 : i32
    %dma_wait3A_26 = tpu.memref_slice %arg3[%add3A, %dma_wait3A, %dma_wait3A_24, %dma_wait3A_25] : memref<32x5x25x80xi32, #tpu.memory_space<hbm>> -> memref<1x1x25x80xi32, #tpu.memory_space<hbm>>
    %dma_wait3A_27 = tpu.memref_squeeze %dma_wait3A_26 : memref<1x1x25x80xi32, #tpu.memory_space<hbm>> -> memref<25x80xi32, #tpu.memory_space<hbm>>
    tpu.wait_dma2 semaphore(%arg19 : memref<!tpu.dma_semaphore, #tpu.memory_space<semaphore_mem>>) src(%dma_wait3A_27 : memref<25x80xi32, #tpu.memory_space<hbm>>) dst(%arg6 : memref<25x80xi32, #tpu.memory_space<vmem>>)
    %dma_start3A_28 = arith.constant 0 : i32
    %dma_start3A_29 = arith.constant 0 : i32
    %dma_start3A_30 = tpu.memref_slice %arg6[%dma_start3A_28, %dma_start3A_29] : memref<25x80xi32, #tpu.memory_space<vmem>> -> memref<1x80xi32, #tpu.memory_space<vmem>>
    %dma_start3A_31 = tpu.memref_squeeze %dma_start3A_30 : memref<1x80xi32, #tpu.memory_space<vmem>> -> memref<80xi32, #tpu.memory_space<vmem>>
    %dma_start3A_32 = arith.constant 0 : i32
    %dma_start3A_33 = arith.constant 0 : i32
    %dma_start3A_34 = tpu.memref_slice %arg2[%dma_start3A_32, %dma_start3A_33] : memref<10000x128xf32, #tpu.memory_space<hbm>> -> memref<10000x128xf32, #tpu.memory_space<hbm>>
    tpu.enqueue_indirect_dma source(%dma_start3A_34 : memref<10000x128xf32, #tpu.memory_space<hbm>>) target(%arg8 : memref<80x128xf32, #tpu.memory_space<vmem>>) offsets(%dma_start3A_31 : memref<80xi32, #tpu.memory_space<vmem>>) semaphore(%arg13 : memref<!tpu.dma_semaphore, #tpu.memory_space<semaphore_mem>>)
    %dma_start3A_35 = arith.constant 1 : i32
    %dma_start3A_36 = arith.constant 0 : i32
    %dma_start3A_37 = tpu.memref_slice %arg6[%dma_start3A_35, %dma_start3A_36] : memref<25x80xi32, #tpu.memory_space<vmem>> -> memref<1x80xi32, #tpu.memory_space<vmem>>
    %dma_start3A_38 = tpu.memref_squeeze %dma_start3A_37 : memref<1x80xi32, #tpu.memory_space<vmem>> -> memref<80xi32, #tpu.memory_space<vmem>>
    %dma_start3A_39 = arith.constant 0 : i32
    %dma_start3A_40 = arith.constant 0 : i32
    %dma_start3A_41 = tpu.memref_slice %arg2[%dma_start3A_39, %dma_start3A_40] : memref<10000x128xf32, #tpu.memory_space<hbm>> -> memref<10000x128xf32, #tpu.memory_space<hbm>>
    tpu.enqueue_indirect_dma source(%dma_start3A_41 : memref<10000x128xf32, #tpu.memory_space<hbm>>) target(%arg9 : memref<80x128xf32, #tpu.memory_space<vmem>>) offsets(%dma_start3A_38 : memref<80xi32, #tpu.memory_space<vmem>>) semaphore(%arg14 : memref<!tpu.dma_semaphore, #tpu.memory_space<semaphore_mem>>)
    %dma_start3A_42 = arith.constant 2 : i32
    %dma_start3A_43 = arith.constant 0 : i32
    %dma_start3A_44 = tpu.memref_slice %arg6[%dma_start3A_42, %dma_start3A_43] : memref<25x80xi32, #tpu.memory_space<vmem>> -> memref<1x80xi32, #tpu.memory_space<vmem>>
    %dma_start3A_45 = tpu.memref_squeeze %dma_start3A_44 : memref<1x80xi32, #tpu.memory_space<vmem>> -> memref<80xi32, #tpu.memory_space<vmem>>
    %dma_start3A_46 = arith.constant 0 : i32
    %dma_start3A_47 = arith.constant 0 : i32
    %dma_start3A_48 = tpu.memref_slice %arg2[%dma_start3A_46, %dma_start3A_47] : memref<10000x128xf32, #tpu.memory_space<hbm>> -> memref<10000x128xf32, #tpu.memory_space<hbm>>
    tpu.enqueue_indirect_dma source(%dma_start3A_48 : memref<10000x128xf32, #tpu.memory_space<hbm>>) target(%arg10 : memref<80x128xf32, #tpu.memory_space<vmem>>) offsets(%dma_start3A_45 : memref<80xi32, #tpu.memory_space<vmem>>) semaphore(%arg15 : memref<!tpu.dma_semaphore, #tpu.memory_space<semaphore_mem>>)
    %scan3A = arith.constant 0 : i32
    %scan3A_49 = arith.constant 0 : i32
    %scan3A_50 = arith.constant 80 : i32
    %scan3A_51 = arith.addi %scan3A_49, %scan3A_50 : i32
    %scan3A_52 = arith.constant 1 : i32
    scf.for %scan3A_554 = %scan3A_49 to %scan3A_51 step %scan3A_52  : i32 {
      %broadcast_in_dim3A = arith.constant 0.000000e+00 : f32
      %broadcast_in_dim3A_555 = vector.broadcast %broadcast_in_dim3A : f32 to vector<16xf32>
      %swap3A = arith.index_cast %scan3A_554 : i32 to index
      %swap3A_556 = arith.constant 0 : index
      %swap3A_557 = tpu.vector_load %arg11[%swap3A, %swap3A_556] {strides = array<i32>} : memref<80x128xf32, #tpu.memory_space<vmem>>, vector<1x16xf32>,
      %swap3A_558 = vector.shape_cast %swap3A_557 : vector<1x16xf32> to vector<16xf32>
      %swap3A_559 = vector.shape_cast %broadcast_in_dim3A_555 : vector<16xf32> to vector<1x16xf32>
      tpu.vector_store %arg11[%swap3A, %swap3A_556], %swap3A_559 {strides = array<i32>} : memref<80x128xf32, #tpu.memory_space<vmem>>, vector<1x16xf32>,
      %broadcast_in_dim3A_560 = arith.constant 0.000000e+00 : f32
      %broadcast_in_dim3A_561 = vector.broadcast %broadcast_in_dim3A_560 : f32 to vector<16xf32>
      %swap3A_562 = arith.index_cast %scan3A_554 : i32 to index
      %swap3A_563 = arith.constant 16 : index
      %swap3A_564 = tpu.vector_load %arg11[%swap3A_562, %swap3A_563] {strides = array<i32>} : memref<80x128xf32, #tpu.memory_space<vmem>>, vector<1x16xf32>,
      %swap3A_565 = vector.shape_cast %swap3A_564 : vector<1x16xf32> to vector<16xf32>
      %swap3A_566 = vector.shape_cast %broadcast_in_dim3A_561 : vector<16xf32> to vector<1x16xf32>
      tpu.vector_store %arg11[%swap3A_562, %swap3A_563], %swap3A_566 {strides = array<i32>} : memref<80x128xf32, #tpu.memory_space<vmem>>, vector<1x16xf32>,
      %broadcast_in_dim3A_567 = arith.constant 0.000000e+00 : f32
      %broadcast_in_dim3A_568 = vector.broadcast %broadcast_in_dim3A_567 : f32 to vector<16xf32>
      %swap3A_569 = arith.index_cast %scan3A_554 : i32 to index
      %swap3A_570 = arith.constant 32 : index
      %swap3A_571 = tpu.vector_load %arg11[%swap3A_569, %swap3A_570] {strides = array<i32>} : memref<80x128xf32, #tpu.memory_space<vmem>>, vector<1x16xf32>,
      %swap3A_572 = vector.shape_cast %swap3A_571 : vector<1x16xf32> to vector<16xf32>
      %swap3A_573 = vector.shape_cast %broadcast_in_dim3A_568 : vector<16xf32> to vector<1x16xf32>
      tpu.vector_store %arg11[%swap3A_569, %swap3A_570], %swap3A_573 {strides = array<i32>} : memref<80x128xf32, #tpu.memory_space<vmem>>, vector<1x16xf32>,
      %broadcast_in_dim3A_574 = arith.constant 0.000000e+00 : f32
      %broadcast_in_dim3A_575 = vector.broadcast %broadcast_in_dim3A_574 : f32 to vector<16xf32>
      %swap3A_576 = arith.index_cast %scan3A_554 : i32 to index
      %swap3A_577 = arith.constant 48 : index
      %swap3A_578 = tpu.vector_load %arg11[%swap3A_576, %swap3A_577] {strides = array<i32>} : memref<80x128xf32, #tpu.memory_space<vmem>>, vector<1x16xf32>,
      %swap3A_579 = vector.shape_cast %swap3A_578 : vector<1x16xf32> to vector<16xf32>
      %swap3A_580 = vector.shape_cast %broadcast_in_dim3A_575 : vector<16xf32> to vector<1x16xf32>
      tpu.vector_store %arg11[%swap3A_576, %swap3A_577], %swap3A_580 {strides = array<i32>} : memref<80x128xf32, #tpu.memory_space<vmem>>, vector<1x16xf32>,
      %broadcast_in_dim3A_581 = arith.constant 0.000000e+00 : f32
      %broadcast_in_dim3A_582 = vector.broadcast %broadcast_in_dim3A_581 : f32 to vector<16xf32>
      %swap3A_583 = arith.index_cast %scan3A_554 : i32 to index
      %swap3A_584 = arith.constant 64 : index
      %swap3A_585 = tpu.vector_load %arg11[%swap3A_583, %swap3A_584] {strides = array<i32>} : memref<80x128xf32, #tpu.memory_space<vmem>>, vector<1x16xf32>,
      %swap3A_586 = vector.shape_cast %swap3A_585 : vector<1x16xf32> to vector<16xf32>
      %swap3A_587 = vector.shape_cast %broadcast_in_dim3A_582 : vector<16xf32> to vector<1x16xf32>
      tpu.vector_store %arg11[%swap3A_583, %swap3A_584], %swap3A_587 {strides = array<i32>} : memref<80x128xf32, #tpu.memory_space<vmem>>, vector<1x16xf32>,
      %broadcast_in_dim3A_588 = arith.constant 0.000000e+00 : f32
      %broadcast_in_dim3A_589 = vector.broadcast %broadcast_in_dim3A_588 : f32 to vector<16xf32>
      %swap3A_590 = arith.index_cast %scan3A_554 : i32 to index
      %swap3A_591 = arith.constant 80 : index
      %swap3A_592 = tpu.vector_load %arg11[%swap3A_590, %swap3A_591] {strides = array<i32>} : memref<80x128xf32, #tpu.memory_space<vmem>>, vector<1x16xf32>,
      %swap3A_593 = vector.shape_cast %swap3A_592 : vector<1x16xf32> to vector<16xf32>
      %swap3A_594 = vector.shape_cast %broadcast_in_dim3A_589 : vector<16xf32> to vector<1x16xf32>
      tpu.vector_store %arg11[%swap3A_590, %swap3A_591], %swap3A_594 {strides = array<i32>} : memref<80x128xf32, #tpu.memory_space<vmem>>, vector<1x16xf32>,
      %broadcast_in_dim3A_595 = arith.constant 0.000000e+00 : f32
      %broadcast_in_dim3A_596 = vector.broadcast %broadcast_in_dim3A_595 : f32 to vector<16xf32>
      %swap3A_597 = arith.index_cast %scan3A_554 : i32 to index
      %swap3A_598 = arith.constant 96 : index
      %swap3A_599 = tpu.vector_load %arg11[%swap3A_597, %swap3A_598] {strides = array<i32>} : memref<80x128xf32, #tpu.memory_space<vmem>>, vector<1x16xf32>,
      %swap3A_600 = vector.shape_cast %swap3A_599 : vector<1x16xf32> to vector<16xf32>
      %swap3A_601 = vector.shape_cast %broadcast_in_dim3A_596 : vector<16xf32> to vector<1x16xf32>
      tpu.vector_store %arg11[%swap3A_597, %swap3A_598], %swap3A_601 {strides = array<i32>} : memref<80x128xf32, #tpu.memory_space<vmem>>, vector<1x16xf32>,
      %broadcast_in_dim3A_602 = arith.constant 0.000000e+00 : f32
      %broadcast_in_dim3A_603 = vector.broadcast %broadcast_in_dim3A_602 : f32 to vector<16xf32>
      %swap3A_604 = arith.index_cast %scan3A_554 : i32 to index
      %swap3A_605 = arith.constant 112 : index
      %swap3A_606 = tpu.vector_load %arg11[%swap3A_604, %swap3A_605] {strides = array<i32>} : memref<80x128xf32, #tpu.memory_space<vmem>>, vector<1x16xf32>,
      %swap3A_607 = vector.shape_cast %swap3A_606 : vector<1x16xf32> to vector<16xf32>
      %swap3A_608 = vector.shape_cast %broadcast_in_dim3A_603 : vector<16xf32> to vector<1x16xf32>
      tpu.vector_store %arg11[%swap3A_604, %swap3A_605], %swap3A_608 {strides = array<i32>} : memref<80x128xf32, #tpu.memory_space<vmem>>, vector<1x16xf32>,
    }
    %scan3A_53 = arith.constant 80 : i32
    %add3A_54 = arith.constant 0 : i32
    %add3A_55 = arith.addi %mul3A_2, %add3A_54 : i32
    %dma_start3A_56 = arith.constant 0 : i32
    %dma_start3A_57 = tpu.memref_slice %arg12[%add3A_55, %dma_start3A_56] : memref<10112x128xf32, #tpu.memory_space<vmem_shared>> -> memref<80x128xf32, #tpu.memory_space<vmem_shared>>
    %dma_start3A_58 = arith.constant 0 : i32
    %dma_start3A_59 = tpu.memref_slice %arg12[%add3A_55, %dma_start3A_58] : memref<10112x128xf32, #tpu.memory_space<vmem_shared>> -> memref<80x128xf32, #tpu.memory_space<vmem_shared>>
    tpu.enqueue_dma source(%arg11 : memref<80x128xf32, #tpu.memory_space<vmem>>) target(%dma_start3A_59 : memref<80x128xf32, #tpu.memory_space<vmem_shared>>) target_semaphore(%arg19 : memref<!tpu.dma_semaphore, #tpu.memory_space<semaphore_mem>>)
    %add3A_60 = arith.constant 80 : i32
    %add3A_61 = arith.addi %mul3A_2, %add3A_60 : i32
    %dma_start3A_62 = arith.constant 0 : i32
    %dma_start3A_63 = tpu.memref_slice %arg12[%add3A_61, %dma_start3A_62] : memref<10112x128xf32, #tpu.memory_space<vmem_shared>> -> memref<80x128xf32, #tpu.memory_space<vmem_shared>>
    %dma_start3A_64 = arith.constant 0 : i32
    %dma_start3A_65 = tpu.memref_slice %arg12[%add3A_61, %dma_start3A_64] : memref<10112x128xf32, #tpu.memory_space<vmem_shared>> -> memref<80x128xf32, #tpu.memory_space<vmem_shared>>
    tpu.enqueue_dma source(%arg11 : memref<80x128xf32, #tpu.memory_space<vmem>>) target(%dma_start3A_65 : memref<80x128xf32, #tpu.memory_space<vmem_shared>>) target_semaphore(%arg19 : memref<!tpu.dma_semaphore, #tpu.memory_space<semaphore_mem>>)
    %add3A_66 = arith.constant 160 : i32
    %add3A_67 = arith.addi %mul3A_2, %add3A_66 : i32
    %dma_start3A_68 = arith.constant 0 : i32
    %dma_start3A_69 = tpu.memref_slice %arg12[%add3A_67, %dma_start3A_68] : memref<10112x128xf32, #tpu.memory_space<vmem_shared>> -> memref<80x128xf32, #tpu.memory_space<vmem_shared>>
    %dma_start3A_70 = arith.constant 0 : i32
    %dma_start3A_71 = tpu.memref_slice %arg12[%add3A_67, %dma_start3A_70] : memref<10112x128xf32, #tpu.memory_space<vmem_shared>> -> memref<80x128xf32, #tpu.memory_space<vmem_shared>>
    tpu.enqueue_dma source(%arg11 : memref<80x128xf32, #tpu.memory_space<vmem>>) target(%dma_start3A_71 : memref<80x128xf32, #tpu.memory_space<vmem_shared>>) target_semaphore(%arg19 : memref<!tpu.dma_semaphore, #tpu.memory_space<semaphore_mem>>)
    %add3A_72 = arith.constant 240 : i32
    %add3A_73 = arith.addi %mul3A_2, %add3A_72 : i32
    %dma_start3A_74 = arith.constant 0 : i32
    %dma_start3A_75 = tpu.memref_slice %arg12[%add3A_73, %dma_start3A_74] : memref<10112x128xf32, #tpu.memory_space<vmem_shared>> -> memref<80x128xf32, #tpu.memory_space<vmem_shared>>
    %dma_start3A_76 = arith.constant 0 : i32
    %dma_start3A_77 = tpu.memref_slice %arg12[%add3A_73, %dma_start3A_76] : memref<10112x128xf32, #tpu.memory_space<vmem_shared>> -> memref<80x128xf32, #tpu.memory_space<vmem_shared>>
    tpu.enqueue_dma source(%arg11 : memref<80x128xf32, #tpu.memory_space<vmem>>) target(%dma_start3A_77 : memref<80x128xf32, #tpu.memory_space<vmem_shared>>) target_semaphore(%arg19 : memref<!tpu.dma_semaphore, #tpu.memory_space<semaphore_mem>>)
    %add3A_78 = arith.constant 320 : i32
    %add3A_79 = arith.addi %mul3A_2, %add3A_78 : i32
    %dma_start3A_80 = arith.constant 0 : i32
    %dma_start3A_81 = tpu.memref_slice %arg12[%add3A_79, %dma_start3A_80] : memref<10112x128xf32, #tpu.memory_space<vmem_shared>> -> memref<80x128xf32, #tpu.memory_space<vmem_shared>>
    %dma_start3A_82 = arith.constant 0 : i32
    %dma_start3A_83 = tpu.memref_slice %arg12[%add3A_79, %dma_start3A_82] : memref<10112x128xf32, #tpu.memory_space<vmem_shared>> -> memref<80x128xf32, #tpu.memory_space<vmem_shared>>
    tpu.enqueue_dma source(%arg11 : memref<80x128xf32, #tpu.memory_space<vmem>>) target(%dma_start3A_83 : memref<80x128xf32, #tpu.memory_space<vmem_shared>>) target_semaphore(%arg19 : memref<!tpu.dma_semaphore, #tpu.memory_space<semaphore_mem>>)
    %add3A_84 = arith.constant 400 : i32
    %add3A_85 = arith.addi %mul3A_2, %add3A_84 : i32
    %dma_start3A_86 = arith.constant 0 : i32
    %dma_start3A_87 = tpu.memref_slice %arg12[%add3A_85, %dma_start3A_86] : memref<10112x128xf32, #tpu.memory_space<vmem_shared>> -> memref<80x128xf32, #tpu.memory_space<vmem_shared>>
    %dma_start3A_88 = arith.constant 0 : i32
    %dma_start3A_89 = tpu.memref_slice %arg12[%add3A_85, %dma_start3A_88] : memref<10112x128xf32, #tpu.memory_space<vmem_shared>> -> memref<80x128xf32, #tpu.memory_space<vmem_shared>>
    tpu.enqueue_dma source(%arg11 : memref<80x128xf32, #tpu.memory_space<vmem>>) target(%dma_start3A_89 : memref<80x128xf32, #tpu.memory_space<vmem_shared>>) target_semaphore(%arg19 : memref<!tpu.dma_semaphore, #tpu.memory_space<semaphore_mem>>)
    %add3A_90 = arith.constant 480 : i32
    %add3A_91 = arith.addi %mul3A_2, %add3A_90 : i32
    %dma_start3A_92 = arith.constant 0 : i32
    %dma_start3A_93 = tpu.memref_slice %arg12[%add3A_91, %dma_start3A_92] : memref<10112x128xf32, #tpu.memory_space<vmem_shared>> -> memref<80x128xf32, #tpu.memory_space<vmem_shared>>
    %dma_start3A_94 = arith.constant 0 : i32
    %dma_start3A_95 = tpu.memref_slice %arg12[%add3A_91, %dma_start3A_94] : memref<10112x128xf32, #tpu.memory_space<vmem_shared>> -> memref<80x128xf32, #tpu.memory_space<vmem_shared>>
    tpu.enqueue_dma source(%arg11 : memref<80x128xf32, #tpu.memory_space<vmem>>) target(%dma_start3A_95 : memref<80x128xf32, #tpu.memory_space<vmem_shared>>) target_semaphore(%arg19 : memref<!tpu.dma_semaphore, #tpu.memory_space<semaphore_mem>>)
    %add3A_96 = arith.constant 560 : i32
    %add3A_97 = arith.addi %mul3A_2, %add3A_96 : i32
    %dma_start3A_98 = arith.constant 0 : i32
    %dma_start3A_99 = arith.constant 0 : i32
    %dma_start3A_100 = tpu.memref_slice %arg11[%dma_start3A_98, %dma_start3A_99] : memref<80x128xf32, #tpu.memory_space<vmem>> -> memref<72x128xf32, #tpu.memory_space<vmem>>
    %dma_start3A_101 = arith.constant 0 : i32
    %dma_start3A_102 = tpu.memref_slice %arg12[%add3A_97, %dma_start3A_101] : memref<10112x128xf32, #tpu.memory_space<vmem_shared>> -> memref<72x128xf32, #tpu.memory_space<vmem_shared>>
    %dma_start3A_103 = arith.constant 0 : i32
    %dma_start3A_104 = tpu.memref_slice %arg12[%add3A_97, %dma_start3A_103] : memref<10112x128xf32, #tpu.memory_space<vmem_shared>> -> memref<72x128xf32, #tpu.memory_space<vmem_shared>>
    %dma_start3A_105 = arith.constant 0 : i32
    %dma_start3A_106 = arith.constant 0 : i32
    %dma_start3A_107 = tpu.memref_slice %arg11[%dma_start3A_105, %dma_start3A_106] : memref<80x128xf32, #tpu.memory_space<vmem>> -> memref<72x128xf32, #tpu.memory_space<vmem>>
    tpu.enqueue_dma source(%dma_start3A_107 : memref<72x128xf32, #tpu.memory_space<vmem>>) target(%dma_start3A_104 : memref<72x128xf32, #tpu.memory_space<vmem_shared>>) target_semaphore(%arg19 : memref<!tpu.dma_semaphore, #tpu.memory_space<semaphore_mem>>)
    %dma_wait3A_108 = arith.constant 0 : i32
    %dma_wait3A_109 = tpu.memref_slice %arg12[%add3A_55, %dma_wait3A_108] : memref<10112x128xf32, #tpu.memory_space<vmem_shared>> -> memref<80x128xf32, #tpu.memory_space<vmem_shared>>
    %dma_wait3A_110 = arith.constant 0 : i32
    %dma_wait3A_111 = tpu.memref_slice %arg12[%add3A_55, %dma_wait3A_110] : memref<10112x128xf32, #tpu.memory_space<vmem_shared>> -> memref<80x128xf32, #tpu.memory_space<vmem_shared>>
    tpu.wait_dma2 semaphore(%arg19 : memref<!tpu.dma_semaphore, #tpu.memory_space<semaphore_mem>>) src(%arg11 : memref<80x128xf32, #tpu.memory_space<vmem>>) dst(%dma_wait3A_111 : memref<80x128xf32, #tpu.memory_space<vmem_shared>>)
    %dma_wait3A_112 = arith.constant 0 : i32
    %dma_wait3A_113 = tpu.memref_slice %arg12[%add3A_61, %dma_wait3A_112] : memref<10112x128xf32, #tpu.memory_space<vmem_shared>> -> memref<80x128xf32, #tpu.memory_space<vmem_shared>>
    %dma_wait3A_114 = arith.constant 0 : i32
    %dma_wait3A_115 = tpu.memref_slice %arg12[%add3A_61, %dma_wait3A_114] : memref<10112x128xf32, #tpu.memory_space<vmem_shared>> -> memref<80x128xf32, #tpu.memory_space<vmem_shared>>
    tpu.wait_dma2 semaphore(%arg19 : memref<!tpu.dma_semaphore, #tpu.memory_space<semaphore_mem>>) src(%arg11 : memref<80x128xf32, #tpu.memory_space<vmem>>) dst(%dma_wait3A_115 : memref<80x128xf32, #tpu.memory_space<vmem_shared>>)
    %dma_wait3A_116 = arith.constant 0 : i32
    %dma_wait3A_117 = tpu.memref_slice %arg12[%add3A_67, %dma_wait3A_116] : memref<10112x128xf32, #tpu.memory_space<vmem_shared>> -> memref<80x128xf32, #tpu.memory_space<vmem_shared>>
    %dma_wait3A_118 = arith.constant 0 : i32
    %dma_wait3A_119 = tpu.memref_slice %arg12[%add3A_67, %dma_wait3A_118] : memref<10112x128xf32, #tpu.memory_space<vmem_shared>> -> memref<80x128xf32, #tpu.memory_space<vmem_shared>>
    tpu.wait_dma2 semaphore(%arg19 : memref<!tpu.dma_semaphore, #tpu.memory_space<semaphore_mem>>) src(%arg11 : memref<80x128xf32, #tpu.memory_space<vmem>>) dst(%dma_wait3A_119 : memref<80x128xf32, #tpu.memory_space<vmem_shared>>)
    %dma_wait3A_120 = arith.constant 0 : i32
    %dma_wait3A_121 = tpu.memref_slice %arg12[%add3A_73, %dma_wait3A_120] : memref<10112x128xf32, #tpu.memory_space<vmem_shared>> -> memref<80x128xf32, #tpu.memory_space<vmem_shared>>
    %dma_wait3A_122 = arith.constant 0 : i32
    %dma_wait3A_123 = tpu.memref_slice %arg12[%add3A_73, %dma_wait3A_122] : memref<10112x128xf32, #tpu.memory_space<vmem_shared>> -> memref<80x128xf32, #tpu.memory_space<vmem_shared>>
    tpu.wait_dma2 semaphore(%arg19 : memref<!tpu.dma_semaphore, #tpu.memory_space<semaphore_mem>>) src(%arg11 : memref<80x128xf32, #tpu.memory_space<vmem>>) dst(%dma_wait3A_123 : memref<80x128xf32, #tpu.memory_space<vmem_shared>>)
    %dma_wait3A_124 = arith.constant 0 : i32
    %dma_wait3A_125 = tpu.memref_slice %arg12[%add3A_79, %dma_wait3A_124] : memref<10112x128xf32, #tpu.memory_space<vmem_shared>> -> memref<80x128xf32, #tpu.memory_space<vmem_shared>>
    %dma_wait3A_126 = arith.constant 0 : i32
    %dma_wait3A_127 = tpu.memref_slice %arg12[%add3A_79, %dma_wait3A_126] : memref<10112x128xf32, #tpu.memory_space<vmem_shared>> -> memref<80x128xf32, #tpu.memory_space<vmem_shared>>
    tpu.wait_dma2 semaphore(%arg19 : memref<!tpu.dma_semaphore, #tpu.memory_space<semaphore_mem>>) src(%arg11 : memref<80x128xf32, #tpu.memory_space<vmem>>) dst(%dma_wait3A_127 : memref<80x128xf32, #tpu.memory_space<vmem_shared>>)
    %dma_wait3A_128 = arith.constant 0 : i32
    %dma_wait3A_129 = tpu.memref_slice %arg12[%add3A_85, %dma_wait3A_128] : memref<10112x128xf32, #tpu.memory_space<vmem_shared>> -> memref<80x128xf32, #tpu.memory_space<vmem_shared>>
    %dma_wait3A_130 = arith.constant 0 : i32
    %dma_wait3A_131 = tpu.memref_slice %arg12[%add3A_85, %dma_wait3A_130] : memref<10112x128xf32, #tpu.memory_space<vmem_shared>> -> memref<80x128xf32, #tpu.memory_space<vmem_shared>>
    tpu.wait_dma2 semaphore(%arg19 : memref<!tpu.dma_semaphore, #tpu.memory_space<semaphore_mem>>) src(%arg11 : memref<80x128xf32, #tpu.memory_space<vmem>>) dst(%dma_wait3A_131 : memref<80x128xf32, #tpu.memory_space<vmem_shared>>)
    %dma_wait3A_132 = arith.constant 0 : i32
    %dma_wait3A_133 = tpu.memref_slice %arg12[%add3A_91, %dma_wait3A_132] : memref<10112x128xf32, #tpu.memory_space<vmem_shared>> -> memref<80x128xf32, #tpu.memory_space<vmem_shared>>
    %dma_wait3A_134 = arith.constant 0 : i32
    %dma_wait3A_135 = tpu.memref_slice %arg12[%add3A_91, %dma_wait3A_134] : memref<10112x128xf32, #tpu.memory_space<vmem_shared>> -> memref<80x128xf32, #tpu.memory_space<vmem_shared>>
    tpu.wait_dma2 semaphore(%arg19 : memref<!tpu.dma_semaphore, #tpu.memory_space<semaphore_mem>>) src(%arg11 : memref<80x128xf32, #tpu.memory_space<vmem>>) dst(%dma_wait3A_135 : memref<80x128xf32, #tpu.memory_space<vmem_shared>>)
    %dma_wait3A_136 = arith.constant 0 : i32
    %dma_wait3A_137 = arith.constant 0 : i32
    %dma_wait3A_138 = tpu.memref_slice %arg11[%dma_wait3A_136, %dma_wait3A_137] : memref<80x128xf32, #tpu.memory_space<vmem>> -> memref<72x128xf32, #tpu.memory_space<vmem>>
    %dma_wait3A_139 = arith.constant 0 : i32
    %dma_wait3A_140 = tpu.memref_slice %arg12[%add3A_97, %dma_wait3A_139] : memref<10112x128xf32, #tpu.memory_space<vmem_shared>> -> memref<72x128xf32, #tpu.memory_space<vmem_shared>>
    %dma_wait3A_141 = arith.constant 0 : i32
    %dma_wait3A_142 = tpu.memref_slice %arg12[%add3A_97, %dma_wait3A_141] : memref<10112x128xf32, #tpu.memory_space<vmem_shared>> -> memref<72x128xf32, #tpu.memory_space<vmem_shared>>
    %dma_wait3A_143 = arith.constant 0 : i32
    %dma_wait3A_144 = arith.constant 0 : i32
    %dma_wait3A_145 = tpu.memref_slice %arg11[%dma_wait3A_143, %dma_wait3A_144] : memref<80x128xf32, #tpu.memory_space<vmem>> -> memref<72x128xf32, #tpu.memory_space<vmem>>
    tpu.wait_dma2 semaphore(%arg19 : memref<!tpu.dma_semaphore, #tpu.memory_space<semaphore_mem>>) src(%dma_wait3A_145 : memref<72x128xf32, #tpu.memory_space<vmem>>) dst(%dma_wait3A_142 : memref<72x128xf32, #tpu.memory_space<vmem_shared>>)
    %barrier3A = arith.constant 0 : index
    tpu.barrier barrier_id(%barrier3A)
    %dma_wait3A_146 = arith.constant 0 : i32
    %dma_wait3A_147 = arith.constant 0 : i32
    %dma_wait3A_148 = arith.constant 0 : i32
    %dma_wait3A_149 = tpu.memref_slice %arg4[%add3A, %dma_wait3A_146, %dma_wait3A_147, %dma_wait3A_148] : memref<32x5x25x80xi32, #tpu.memory_space<hbm>> -> memref<1x1x25x80xi32, #tpu.memory_space<hbm>>
    %dma_wait3A_150 = tpu.memref_squeeze %dma_wait3A_149 : memref<1x1x25x80xi32, #tpu.memory_space<hbm>> -> memref<25x80xi32, #tpu.memory_space<hbm>>
    %dma_wait3A_151 = arith.constant 0 : i32
    %dma_wait3A_152 = arith.constant 0 : i32
    %dma_wait3A_153 = tpu.memref_slice %arg4[%add3A, %dma_wait3A_146, %dma_wait3A_151, %dma_wait3A_152] : memref<32x5x25x80xi32, #tpu.memory_space<hbm>> -> memref<1x1x25x80xi32, #tpu.memory_space<hbm>>
    %dma_wait3A_154 = tpu.memref_squeeze %dma_wait3A_153 : memref<1x1x25x80xi32, #tpu.memory_space<hbm>> -> memref<25x80xi32, #tpu.memory_space<hbm>>
    tpu.wait_dma2 semaphore(%arg20 : memref<!tpu.dma_semaphore, #tpu.memory_space<semaphore_mem>>) src(%dma_wait3A_154 : memref<25x80xi32, #tpu.memory_space<hbm>>) dst(%arg7 : memref<25x80xi32, #tpu.memory_space<vmem>>)
    %dma_wait3A_155 = arith.constant 0 : i32
    %dma_wait3A_156 = arith.constant 0 : i32
    %dma_wait3A_157 = tpu.memref_slice %arg6[%dma_wait3A_155, %dma_wait3A_156] : memref<25x80xi32, #tpu.memory_space<vmem>> -> memref<1x80xi32, #tpu.memory_space<vmem>>
    %dma_wait3A_158 = tpu.memref_squeeze %dma_wait3A_157 : memref<1x80xi32, #tpu.memory_space<vmem>> -> memref<80xi32, #tpu.memory_space<vmem>>
    %dma_wait3A_159 = arith.constant 0 : i32
    %dma_wait3A_160 = arith.constant 0 : i32
    %dma_wait3A_161 = tpu.memref_slice %arg2[%dma_wait3A_159, %dma_wait3A_160] : memref<10000x128xf32, #tpu.memory_space<hbm>> -> memref<10000x128xf32, #tpu.memory_space<hbm>>
    tpu.wait_indirect_dma semaphore(%arg13 : memref<!tpu.dma_semaphore, #tpu.memory_space<semaphore_mem>>) src(%dma_wait3A_161 : memref<10000x128xf32, #tpu.memory_space<hbm>>) dst(%arg8 : memref<80x128xf32, #tpu.memory_space<vmem>>)
    %dma_start3A_162 = arith.constant 0 : i32
    %dma_start3A_163 = arith.constant 0 : i32
    %dma_start3A_164 = tpu.memref_slice %arg7[%dma_start3A_162, %dma_start3A_163] : memref<25x80xi32, #tpu.memory_space<vmem>> -> memref<1x80xi32, #tpu.memory_space<vmem>>
    %dma_start3A_165 = tpu.memref_squeeze %dma_start3A_164 : memref<1x80xi32, #tpu.memory_space<vmem>> -> memref<80xi32, #tpu.memory_space<vmem>>
    %dma_start3A_166 = arith.constant 0 : i32
    %dma_start3A_167 = arith.constant 0 : i32
    %dma_start3A_168 = tpu.memref_slice %arg12[%dma_start3A_166, %dma_start3A_167] : memref<10112x128xf32, #tpu.memory_space<vmem_shared>> -> memref<10112x128xf32, #tpu.memory_space<vmem_shared>>
    tpu.enqueue_indirect_dma source(%arg8 : memref<80x128xf32, #tpu.memory_space<vmem>>) target(%dma_start3A_168 : memref<10112x128xf32, #tpu.memory_space<vmem_shared>>) offsets(%dma_start3A_165 : memref<80xi32, #tpu.memory_space<vmem>>) semaphore(%arg17 : memref<!tpu.dma_semaphore, #tpu.memory_space<semaphore_mem>>) {add = true}
    %dma_start3A_169 = arith.constant 3 : i32
    %dma_start3A_170 = arith.constant 0 : i32
    %dma_start3A_171 = tpu.memref_slice %arg6[%dma_start3A_169, %dma_start3A_170] : memref<25x80xi32, #tpu.memory_space<vmem>> -> memref<1x80xi32, #tpu.memory_space<vmem>>
    %dma_start3A_172 = tpu.memref_squeeze %dma_start3A_171 : memref<1x80xi32, #tpu.memory_space<vmem>> -> memref<80xi32, #tpu.memory_space<vmem>>
    %dma_start3A_173 = arith.constant 0 : i32
    %dma_start3A_174 = arith.constant 0 : i32
    %dma_start3A_175 = tpu.memref_slice %arg2[%dma_start3A_173, %dma_start3A_174] : memref<10000x128xf32, #tpu.memory_space<hbm>> -> memref<10000x128xf32, #tpu.memory_space<hbm>>
    tpu.enqueue_indirect_dma source(%dma_start3A_175 : memref<10000x128xf32, #tpu.memory_space<hbm>>) target(%arg11 : memref<80x128xf32, #tpu.memory_space<vmem>>) offsets(%dma_start3A_172 : memref<80xi32, #tpu.memory_space<vmem>>) semaphore(%arg16 : memref<!tpu.dma_semaphore, #tpu.memory_space<semaphore_mem>>)
    %scan3A_176 = arith.constant 0 : i32
    %scan3A_177 = arith.constant 0 : i32
    %scan3A_178 = arith.constant 6 : i32
    %scan3A_179 = arith.addi %scan3A_177, %scan3A_178 : i32
    %scan3A_180 = arith.constant 1 : i32
    scf.for %scan3A_554 = %scan3A_177 to %scan3A_179 step %scan3A_180  : i32 {
      %mul3A_555 = arith.constant 4 : i32
      %mul3A_556 = arith.muli %scan3A_554, %mul3A_555 : i32
      %add3A_557 = arith.constant 1 : i32
      %add3A_558 = arith.addi %add3A_557, %mul3A_556 : i32
      %add3A_559 = arith.constant 0 : i32
      %add3A_560 = arith.addi %add3A_558, %add3A_559 : i32
      %dma_wait3A_561 = arith.constant 0 : i32
      %dma_wait3A_562 = tpu.memref_slice %arg6[%add3A_560, %dma_wait3A_561] : memref<25x80xi32, #tpu.memory_space<vmem>> -> memref<1x80xi32, #tpu.memory_space<vmem>>
      %dma_wait3A_563 = tpu.memref_squeeze %dma_wait3A_562 : memref<1x80xi32, #tpu.memory_space<vmem>> -> memref<80xi32, #tpu.memory_space<vmem>>
      %dma_wait3A_564 = arith.constant 0 : i32
      %dma_wait3A_565 = arith.constant 0 : i32
      %dma_wait3A_566 = tpu.memref_slice %arg2[%dma_wait3A_564, %dma_wait3A_565] : memref<10000x128xf32, #tpu.memory_space<hbm>> -> memref<10000x128xf32, #tpu.memory_space<hbm>>
      tpu.wait_indirect_dma semaphore(%arg14 : memref<!tpu.dma_semaphore, #tpu.memory_space<semaphore_mem>>) src(%dma_wait3A_566 : memref<10000x128xf32, #tpu.memory_space<hbm>>) dst(%arg9 : memref<80x128xf32, #tpu.memory_space<vmem>>)
      %sub3A = arith.constant 1 : i32
      %sub3A_567 = arith.subi %add3A_560, %sub3A : i32
      %dma_wait3A_568 = arith.constant 0 : i32
      %dma_wait3A_569 = tpu.memref_slice %arg7[%sub3A_567, %dma_wait3A_568] : memref<25x80xi32, #tpu.memory_space<vmem>> -> memref<1x80xi32, #tpu.memory_space<vmem>>
      %dma_wait3A_570 = tpu.memref_squeeze %dma_wait3A_569 : memref<1x80xi32, #tpu.memory_space<vmem>> -> memref<80xi32, #tpu.memory_space<vmem>>
      %dma_wait3A_571 = arith.constant 0 : i32
      %dma_wait3A_572 = arith.constant 0 : i32
      %dma_wait3A_573 = tpu.memref_slice %arg12[%dma_wait3A_571, %dma_wait3A_572] : memref<10112x128xf32, #tpu.memory_space<vmem_shared>> -> memref<10112x128xf32, #tpu.memory_space<vmem_shared>>
      tpu.wait_indirect_dma semaphore(%arg17 : memref<!tpu.dma_semaphore, #tpu.memory_space<semaphore_mem>>) src(%arg8 : memref<80x128xf32, #tpu.memory_space<vmem>>) dst(%dma_wait3A_573 : memref<10112x128xf32, #tpu.memory_space<vmem_shared>>)
      %dma_start3A_574 = arith.constant 0 : i32
      %dma_start3A_575 = tpu.memref_slice %arg7[%add3A_560, %dma_start3A_574] : memref<25x80xi32, #tpu.memory_space<vmem>> -> memref<1x80xi32, #tpu.memory_space<vmem>>
      %dma_start3A_576 = tpu.memref_squeeze %dma_start3A_575 : memref<1x80xi32, #tpu.memory_space<vmem>> -> memref<80xi32, #tpu.memory_space<vmem>>
      %dma_start3A_577 = arith.constant 0 : i32
      %dma_start3A_578 = arith.constant 0 : i32
      %dma_start3A_579 = tpu.memref_slice %arg12[%dma_start3A_577, %dma_start3A_578] : memref<10112x128xf32, #tpu.memory_space<vmem_shared>> -> memref<10112x128xf32, #tpu.memory_space<vmem_shared>>
      tpu.enqueue_indirect_dma source(%arg9 : memref<80x128xf32, #tpu.memory_space<vmem>>) target(%dma_start3A_579 : memref<10112x128xf32, #tpu.memory_space<vmem_shared>>) offsets(%dma_start3A_576 : memref<80xi32, #tpu.memory_space<vmem>>) semaphore(%arg18 : memref<!tpu.dma_semaphore, #tpu.memory_space<semaphore_mem>>) {add = true}
      %add3A_580 = arith.constant 3 : i32
      %add3A_581 = arith.addi %add3A_560, %add3A_580 : i32
      %lt3A = arith.constant 25 : i32
      %lt3A_582 = arith.cmpi slt, %add3A_581, %lt3A : i32
      %convert_element_type3A = arith.extui %lt3A_582 : i1 to i32
      %cond3A = arith.constant 0 : i32
      %cond3A_583 = arith.cmpi ne, %convert_element_type3A, %cond3A : i32
      scf.if %cond3A_583 {
        %add3A_671 = arith.constant 3 : i32
        %add3A_672 = arith.addi %add3A_560, %add3A_671 : i32
        %dma_start3A_673 = arith.constant 0 : i32
        %dma_start3A_674 = tpu.memref_slice %arg6[%add3A_672, %dma_start3A_673] : memref<25x80xi32, #tpu.memory_space<vmem>> -> memref<1x80xi32, #tpu.memory_space<vmem>>
        %dma_start3A_675 = tpu.memref_squeeze %dma_start3A_674 : memref<1x80xi32, #tpu.memory_space<vmem>> -> memref<80xi32, #tpu.memory_space<vmem>>
        %dma_start3A_676 = arith.constant 0 : i32
        %dma_start3A_677 = arith.constant 0 : i32
        %dma_start3A_678 = tpu.memref_slice %arg2[%dma_start3A_676, %dma_start3A_677] : memref<10000x128xf32, #tpu.memory_space<hbm>> -> memref<10000x128xf32, #tpu.memory_space<hbm>>
        tpu.enqueue_indirect_dma source(%dma_start3A_678 : memref<10000x128xf32, #tpu.memory_space<hbm>>) target(%arg8 : memref<80x128xf32, #tpu.memory_space<vmem>>) offsets(%dma_start3A_675 : memref<80xi32, #tpu.memory_space<vmem>>) semaphore(%arg13 : memref<!tpu.dma_semaphore, #tpu.memory_space<semaphore_mem>>)
      } else {
      }
      %add3A_584 = arith.constant 1 : i32
      %add3A_585 = arith.addi %add3A_558, %add3A_584 : i32
      %dma_wait3A_586 = arith.constant 0 : i32
      %dma_wait3A_587 = tpu.memref_slice %arg6[%add3A_585, %dma_wait3A_586] : memref<25x80xi32, #tpu.memory_space<vmem>> -> memref<1x80xi32, #tpu.memory_space<vmem>>
      %dma_wait3A_588 = tpu.memref_squeeze %dma_wait3A_587 : memref<1x80xi32, #tpu.memory_space<vmem>> -> memref<80xi32, #tpu.memory_space<vmem>>
      %dma_wait3A_589 = arith.constant 0 : i32
      %dma_wait3A_590 = arith.constant 0 : i32
      %dma_wait3A_591 = tpu.memref_slice %arg2[%dma_wait3A_589, %dma_wait3A_590] : memref<10000x128xf32, #tpu.memory_space<hbm>> -> memref<10000x128xf32, #tpu.memory_space<hbm>>
      tpu.wait_indirect_dma semaphore(%arg15 : memref<!tpu.dma_semaphore, #tpu.memory_space<semaphore_mem>>) src(%dma_wait3A_591 : memref<10000x128xf32, #tpu.memory_space<hbm>>) dst(%arg10 : memref<80x128xf32, #tpu.memory_space<vmem>>)
      %sub3A_592 = arith.constant 1 : i32
      %sub3A_593 = arith.subi %add3A_585, %sub3A_592 : i32
      %dma_wait3A_594 = arith.constant 0 : i32
      %dma_wait3A_595 = tpu.memref_slice %arg7[%sub3A_593, %dma_wait3A_594] : memref<25x80xi32, #tpu.memory_space<vmem>> -> memref<1x80xi32, #tpu.memory_space<vmem>>
      %dma_wait3A_596 = tpu.memref_squeeze %dma_wait3A_595 : memref<1x80xi32, #tpu.memory_space<vmem>> -> memref<80xi32, #tpu.memory_space<vmem>>
      %dma_wait3A_597 = arith.constant 0 : i32
      %dma_wait3A_598 = arith.constant 0 : i32
      %dma_wait3A_599 = tpu.memref_slice %arg12[%dma_wait3A_597, %dma_wait3A_598] : memref<10112x128xf32, #tpu.memory_space<vmem_shared>> -> memref<10112x128xf32, #tpu.memory_space<vmem_shared>>
      tpu.wait_indirect_dma semaphore(%arg18 : memref<!tpu.dma_semaphore, #tpu.memory_space<semaphore_mem>>) src(%arg9 : memref<80x128xf32, #tpu.memory_space<vmem>>) dst(%dma_wait3A_599 : memref<10112x128xf32, #tpu.memory_space<vmem_shared>>)
      %dma_start3A_600 = arith.constant 0 : i32
      %dma_start3A_601 = tpu.memref_slice %arg7[%add3A_585, %dma_start3A_600] : memref<25x80xi32, #tpu.memory_space<vmem>> -> memref<1x80xi32, #tpu.memory_space<vmem>>
      %dma_start3A_602 = tpu.memref_squeeze %dma_start3A_601 : memref<1x80xi32, #tpu.memory_space<vmem>> -> memref<80xi32, #tpu.memory_space<vmem>>
      %dma_start3A_603 = arith.constant 0 : i32
      %dma_start3A_604 = arith.constant 0 : i32
      %dma_start3A_605 = tpu.memref_slice %arg12[%dma_start3A_603, %dma_start3A_604] : memref<10112x128xf32, #tpu.memory_space<vmem_shared>> -> memref<10112x128xf32, #tpu.memory_space<vmem_shared>>
      tpu.enqueue_indirect_dma source(%arg10 : memref<80x128xf32, #tpu.memory_space<vmem>>) target(%dma_start3A_605 : memref<10112x128xf32, #tpu.memory_space<vmem_shared>>) offsets(%dma_start3A_602 : memref<80xi32, #tpu.memory_space<vmem>>) semaphore(%arg19 : memref<!tpu.dma_semaphore, #tpu.memory_space<semaphore_mem>>) {add = true}
      %add3A_606 = arith.constant 3 : i32
      %add3A_607 = arith.addi %add3A_585, %add3A_606 : i32
      %lt3A_608 = arith.constant 25 : i32
      %lt3A_609 = arith.cmpi slt, %add3A_607, %lt3A_608 : i32
      %convert_element_type3A_610 = arith.extui %lt3A_609 : i1 to i32
      %cond3A_611 = arith.constant 0 : i32
      %cond3A_612 = arith.cmpi ne, %convert_element_type3A_610, %cond3A_611 : i32
      scf.if %cond3A_612 {
        %add3A_671 = arith.constant 3 : i32
        %add3A_672 = arith.addi %add3A_585, %add3A_671 : i32
        %dma_start3A_673 = arith.constant 0 : i32
        %dma_start3A_674 = tpu.memref_slice %arg6[%add3A_672, %dma_start3A_673] : memref<25x80xi32, #tpu.memory_space<vmem>> -> memref<1x80xi32, #tpu.memory_space<vmem>>
        %dma_start3A_675 = tpu.memref_squeeze %dma_start3A_674 : memref<1x80xi32, #tpu.memory_space<vmem>> -> memref<80xi32, #tpu.memory_space<vmem>>
        %dma_start3A_676 = arith.constant 0 : i32
        %dma_start3A_677 = arith.constant 0 : i32
        %dma_start3A_678 = tpu.memref_slice %arg2[%dma_start3A_676, %dma_start3A_677] : memref<10000x128xf32, #tpu.memory_space<hbm>> -> memref<10000x128xf32, #tpu.memory_space<hbm>>
        tpu.enqueue_indirect_dma source(%dma_start3A_678 : memref<10000x128xf32, #tpu.memory_space<hbm>>) target(%arg9 : memref<80x128xf32, #tpu.memory_space<vmem>>) offsets(%dma_start3A_675 : memref<80xi32, #tpu.memory_space<vmem>>) semaphore(%arg14 : memref<!tpu.dma_semaphore, #tpu.memory_space<semaphore_mem>>)
      } else {
      }
      %add3A_613 = arith.constant 2 : i32
      %add3A_614 = arith.addi %add3A_558, %add3A_613 : i32
      %dma_wait3A_615 = arith.constant 0 : i32
      %dma_wait3A_616 = tpu.memref_slice %arg6[%add3A_614, %dma_wait3A_615] : memref<25x80xi32, #tpu.memory_space<vmem>> -> memref<1x80xi32, #tpu.memory_space<vmem>>
      %dma_wait3A_617 = tpu.memref_squeeze %dma_wait3A_616 : memref<1x80xi32, #tpu.memory_space<vmem>> -> memref<80xi32, #tpu.memory_space<vmem>>
      %dma_wait3A_618 = arith.constant 0 : i32
      %dma_wait3A_619 = arith.constant 0 : i32
      %dma_wait3A_620 = tpu.memref_slice %arg2[%dma_wait3A_618, %dma_wait3A_619] : memref<10000x128xf32, #tpu.memory_space<hbm>> -> memref<10000x128xf32, #tpu.memory_space<hbm>>
      tpu.wait_indirect_dma semaphore(%arg16 : memref<!tpu.dma_semaphore, #tpu.memory_space<semaphore_mem>>) src(%dma_wait3A_620 : memref<10000x128xf32, #tpu.memory_space<hbm>>) dst(%arg11 : memref<80x128xf32, #tpu.memory_space<vmem>>)
      %sub3A_621 = arith.constant 1 : i32
      %sub3A_622 = arith.subi %add3A_614, %sub3A_621 : i32
      %dma_wait3A_623 = arith.constant 0 : i32
      %dma_wait3A_624 = tpu.memref_slice %arg7[%sub3A_622, %dma_wait3A_623] : memref<25x80xi32, #tpu.memory_space<vmem>> -> memref<1x80xi32, #tpu.memory_space<vmem>>
      %dma_wait3A_625 = tpu.memref_squeeze %dma_wait3A_624 : memref<1x80xi32, #tpu.memory_space<vmem>> -> memref<80xi32, #tpu.memory_space<vmem>>
      %dma_wait3A_626 = arith.constant 0 : i32
      %dma_wait3A_627 = arith.constant 0 : i32
      %dma_wait3A_628 = tpu.memref_slice %arg12[%dma_wait3A_626, %dma_wait3A_627] : memref<10112x128xf32, #tpu.memory_space<vmem_shared>> -> memref<10112x128xf32, #tpu.memory_space<vmem_shared>>
      tpu.wait_indirect_dma semaphore(%arg19 : memref<!tpu.dma_semaphore, #tpu.memory_space<semaphore_mem>>) src(%arg10 : memref<80x128xf32, #tpu.memory_space<vmem>>) dst(%dma_wait3A_628 : memref<10112x128xf32, #tpu.memory_space<vmem_shared>>)
      %dma_start3A_629 = arith.constant 0 : i32
      %dma_start3A_630 = tpu.memref_slice %arg7[%add3A_614, %dma_start3A_629] : memref<25x80xi32, #tpu.memory_space<vmem>> -> memref<1x80xi32, #tpu.memory_space<vmem>>
      %dma_start3A_631 = tpu.memref_squeeze %dma_start3A_630 : memref<1x80xi32, #tpu.memory_space<vmem>> -> memref<80xi32, #tpu.memory_space<vmem>>
      %dma_start3A_632 = arith.constant 0 : i32
      %dma_start3A_633 = arith.constant 0 : i32
      %dma_start3A_634 = tpu.memref_slice %arg12[%dma_start3A_632, %dma_start3A_633] : memref<10112x128xf32, #tpu.memory_space<vmem_shared>> -> memref<10112x128xf32, #tpu.memory_space<vmem_shared>>
      tpu.enqueue_indirect_dma source(%arg11 : memref<80x128xf32, #tpu.memory_space<vmem>>) target(%dma_start3A_634 : memref<10112x128xf32, #tpu.memory_space<vmem_shared>>) offsets(%dma_start3A_631 : memref<80xi32, #tpu.memory_space<vmem>>) semaphore(%arg20 : memref<!tpu.dma_semaphore, #tpu.memory_space<semaphore_mem>>) {add = true}
      %add3A_635 = arith.constant 3 : i32
      %add3A_636 = arith.addi %add3A_614, %add3A_635 : i32
      %lt3A_637 = arith.constant 25 : i32
      %lt3A_638 = arith.cmpi slt, %add3A_636, %lt3A_637 : i32
      %convert_element_type3A_639 = arith.extui %lt3A_638 : i1 to i32
      %cond3A_640 = arith.constant 0 : i32
      %cond3A_641 = arith.cmpi ne, %convert_element_type3A_639, %cond3A_640 : i32
      scf.if %cond3A_641 {
        %add3A_671 = arith.constant 3 : i32
        %add3A_672 = arith.addi %add3A_614, %add3A_671 : i32
        %dma_start3A_673 = arith.constant 0 : i32
        %dma_start3A_674 = tpu.memref_slice %arg6[%add3A_672, %dma_start3A_673] : memref<25x80xi32, #tpu.memory_space<vmem>> -> memref<1x80xi32, #tpu.memory_space<vmem>>
        %dma_start3A_675 = tpu.memref_squeeze %dma_start3A_674 : memref<1x80xi32, #tpu.memory_space<vmem>> -> memref<80xi32, #tpu.memory_space<vmem>>
        %dma_start3A_676 = arith.constant 0 : i32
        %dma_start3A_677 = arith.constant 0 : i32
        %dma_start3A_678 = tpu.memref_slice %arg2[%dma_start3A_676, %dma_start3A_677] : memref<10000x128xf32, #tpu.memory_space<hbm>> -> memref<10000x128xf32, #tpu.memory_space<hbm>>
        tpu.enqueue_indirect_dma source(%dma_start3A_678 : memref<10000x128xf32, #tpu.memory_space<hbm>>) target(%arg10 : memref<80x128xf32, #tpu.memory_space<vmem>>) offsets(%dma_start3A_675 : memref<80xi32, #tpu.memory_space<vmem>>) semaphore(%arg15 : memref<!tpu.dma_semaphore, #tpu.memory_space<semaphore_mem>>)
      } else {
      }
      %add3A_642 = arith.constant 3 : i32
      %add3A_643 = arith.addi %add3A_558, %add3A_642 : i32
      %dma_wait3A_644 = arith.constant 0 : i32
      %dma_wait3A_645 = tpu.memref_slice %arg6[%add3A_643, %dma_wait3A_644] : memref<25x80xi32, #tpu.memory_space<vmem>> -> memref<1x80xi32, #tpu.memory_space<vmem>>
      %dma_wait3A_646 = tpu.memref_squeeze %dma_wait3A_645 : memref<1x80xi32, #tpu.memory_space<vmem>> -> memref<80xi32, #tpu.memory_space<vmem>>
      %dma_wait3A_647 = arith.constant 0 : i32
      %dma_wait3A_648 = arith.constant 0 : i32
      %dma_wait3A_649 = tpu.memref_slice %arg2[%dma_wait3A_647, %dma_wait3A_648] : memref<10000x128xf32, #tpu.memory_space<hbm>> -> memref<10000x128xf32, #tpu.memory_space<hbm>>
      tpu.wait_indirect_dma semaphore(%arg13 : memref<!tpu.dma_semaphore, #tpu.memory_space<semaphore_mem>>) src(%dma_wait3A_649 : memref<10000x128xf32, #tpu.memory_space<hbm>>) dst(%arg8 : memref<80x128xf32, #tpu.memory_space<vmem>>)
      %sub3A_650 = arith.constant 1 : i32
      %sub3A_651 = arith.subi %add3A_643, %sub3A_650 : i32
      %dma_wait3A_652 = arith.constant 0 : i32
      %dma_wait3A_653 = tpu.memref_slice %arg7[%sub3A_651, %dma_wait3A_652] : memref<25x80xi32, #tpu.memory_space<vmem>> -> memref<1x80xi32, #tpu.memory_space<vmem>>
      %dma_wait3A_654 = tpu.memref_squeeze %dma_wait3A_653 : memref<1x80xi32, #tpu.memory_space<vmem>> -> memref<80xi32, #tpu.memory_space<vmem>>
      %dma_wait3A_655 = arith.constant 0 : i32
      %dma_wait3A_656 = arith.constant 0 : i32
      %dma_wait3A_657 = tpu.memref_slice %arg12[%dma_wait3A_655, %dma_wait3A_656] : memref<10112x128xf32, #tpu.memory_space<vmem_shared>> -> memref<10112x128xf32, #tpu.memory_space<vmem_shared>>
      tpu.wait_indirect_dma semaphore(%arg20 : memref<!tpu.dma_semaphore, #tpu.memory_space<semaphore_mem>>) src(%arg11 : memref<80x128xf32, #tpu.memory_space<vmem>>) dst(%dma_wait3A_657 : memref<10112x128xf32, #tpu.memory_space<vmem_shared>>)
      %dma_start3A_658 = arith.constant 0 : i32
      %dma_start3A_659 = tpu.memref_slice %arg7[%add3A_643, %dma_start3A_658] : memref<25x80xi32, #tpu.memory_space<vmem>> -> memref<1x80xi32, #tpu.memory_space<vmem>>
      %dma_start3A_660 = tpu.memref_squeeze %dma_start3A_659 : memref<1x80xi32, #tpu.memory_space<vmem>> -> memref<80xi32, #tpu.memory_space<vmem>>
      %dma_start3A_661 = arith.constant 0 : i32
      %dma_start3A_662 = arith.constant 0 : i32
      %dma_start3A_663 = tpu.memref_slice %arg12[%dma_start3A_661, %dma_start3A_662] : memref<10112x128xf32, #tpu.memory_space<vmem_shared>> -> memref<10112x128xf32, #tpu.memory_space<vmem_shared>>
      tpu.enqueue_indirect_dma source(%arg8 : memref<80x128xf32, #tpu.memory_space<vmem>>) target(%dma_start3A_663 : memref<10112x128xf32, #tpu.memory_space<vmem_shared>>) offsets(%dma_start3A_660 : memref<80xi32, #tpu.memory_space<vmem>>) semaphore(%arg17 : memref<!tpu.dma_semaphore, #tpu.memory_space<semaphore_mem>>) {add = true}
      %add3A_664 = arith.constant 3 : i32
      %add3A_665 = arith.addi %add3A_643, %add3A_664 : i32
      %lt3A_666 = arith.constant 25 : i32
      %lt3A_667 = arith.cmpi slt, %add3A_665, %lt3A_666 : i32
      %convert_element_type3A_668 = arith.extui %lt3A_667 : i1 to i32
      %cond3A_669 = arith.constant 0 : i32
      %cond3A_670 = arith.cmpi ne, %convert_element_type3A_668, %cond3A_669 : i32
      scf.if %cond3A_670 {
        %add3A_671 = arith.constant 3 : i32
        %add3A_672 = arith.addi %add3A_643, %add3A_671 : i32
        %dma_start3A_673 = arith.constant 0 : i32
        %dma_start3A_674 = tpu.memref_slice %arg6[%add3A_672, %dma_start3A_673] : memref<25x80xi32, #tpu.memory_space<vmem>> -> memref<1x80xi32, #tpu.memory_space<vmem>>
        %dma_start3A_675 = tpu.memref_squeeze %dma_start3A_674 : memref<1x80xi32, #tpu.memory_space<vmem>> -> memref<80xi32, #tpu.memory_space<vmem>>
        %dma_start3A_676 = arith.constant 0 : i32
        %dma_start3A_677 = arith.constant 0 : i32
        %dma_start3A_678 = tpu.memref_slice %arg2[%dma_start3A_676, %dma_start3A_677] : memref<10000x128xf32, #tpu.memory_space<hbm>> -> memref<10000x128xf32, #tpu.memory_space<hbm>>
        tpu.enqueue_indirect_dma source(%dma_start3A_678 : memref<10000x128xf32, #tpu.memory_space<hbm>>) target(%arg11 : memref<80x128xf32, #tpu.memory_space<vmem>>) offsets(%dma_start3A_675 : memref<80xi32, #tpu.memory_space<vmem>>) semaphore(%arg16 : memref<!tpu.dma_semaphore, #tpu.memory_space<semaphore_mem>>)
      } else {
      }
    }
    %scan3A_181 = arith.constant 6 : i32
    %dma_wait3A_182 = arith.constant 24 : i32
    %dma_wait3A_183 = arith.constant 0 : i32
    %dma_wait3A_184 = tpu.memref_slice %arg7[%dma_wait3A_182, %dma_wait3A_183] : memref<25x80xi32, #tpu.memory_space<vmem>> -> memref<1x80xi32, #tpu.memory_space<vmem>>
    %dma_wait3A_185 = tpu.memref_squeeze %dma_wait3A_184 : memref<1x80xi32, #tpu.memory_space<vmem>> -> memref<80xi32, #tpu.memory_space<vmem>>
    %dma_wait3A_186 = arith.constant 0 : i32
    %dma_wait3A_187 = arith.constant 0 : i32
    %dma_wait3A_188 = tpu.memref_slice %arg12[%dma_wait3A_186, %dma_wait3A_187] : memref<10112x128xf32, #tpu.memory_space<vmem_shared>> -> memref<10112x128xf32, #tpu.memory_space<vmem_shared>>
    tpu.wait_indirect_dma semaphore(%arg17 : memref<!tpu.dma_semaphore, #tpu.memory_space<semaphore_mem>>) src(%arg8 : memref<80x128xf32, #tpu.memory_space<vmem>>) dst(%dma_wait3A_188 : memref<10112x128xf32, #tpu.memory_space<vmem_shared>>)
    %dma_start3A_189 = arith.constant 1 : i32
    %dma_start3A_190 = arith.constant 0 : i32
    %dma_start3A_191 = arith.constant 0 : i32
    %dma_start3A_192 = tpu.memref_slice %arg3[%add3A, %dma_start3A_189, %dma_start3A_190, %dma_start3A_191] : memref<32x5x25x80xi32, #tpu.memory_space<hbm>> -> memref<1x1x25x80xi32, #tpu.memory_space<hbm>>
    %dma_start3A_193 = tpu.memref_squeeze %dma_start3A_192 : memref<1x1x25x80xi32, #tpu.memory_space<hbm>> -> memref<25x80xi32, #tpu.memory_space<hbm>>
    %dma_start3A_194 = arith.constant 0 : i32
    %dma_start3A_195 = arith.constant 0 : i32
    %dma_start3A_196 = tpu.memref_slice %arg3[%add3A, %dma_start3A_189, %dma_start3A_194, %dma_start3A_195] : memref<32x5x25x80xi32, #tpu.memory_space<hbm>> -> memref<1x1x25x80xi32, #tpu.memory_space<hbm>>
    %dma_start3A_197 = tpu.memref_squeeze %dma_start3A_196 : memref<1x1x25x80xi32, #tpu.memory_space<hbm>> -> memref<25x80xi32, #tpu.memory_space<hbm>>
    tpu.enqueue_dma source(%dma_start3A_197 : memref<25x80xi32, #tpu.memory_space<hbm>>) target(%arg6 : memref<25x80xi32, #tpu.memory_space<vmem>>) target_semaphore(%arg19 : memref<!tpu.dma_semaphore, #tpu.memory_space<semaphore_mem>>)
    %dma_start3A_198 = arith.constant 1 : i32
    %dma_start3A_199 = arith.constant 0 : i32
    %dma_start3A_200 = arith.constant 0 : i32
    %dma_start3A_201 = tpu.memref_slice %arg4[%add3A, %dma_start3A_198, %dma_start3A_199, %dma_start3A_200] : memref<32x5x25x80xi32, #tpu.memory_space<hbm>> -> memref<1x1x25x80xi32, #tpu.memory_space<hbm>>
    %dma_start3A_202 = tpu.memref_squeeze %dma_start3A_201 : memref<1x1x25x80xi32, #tpu.memory_space<hbm>> -> memref<25x80xi32, #tpu.memory_space<hbm>>
    %dma_start3A_203 = arith.constant 0 : i32
    %dma_start3A_204 = arith.constant 0 : i32
    %dma_start3A_205 = tpu.memref_slice %arg4[%add3A, %dma_start3A_198, %dma_start3A_203, %dma_start3A_204] : memref<32x5x25x80xi32, #tpu.memory_space<hbm>> -> memref<1x1x25x80xi32, #tpu.memory_space<hbm>>
    %dma_start3A_206 = tpu.memref_squeeze %dma_start3A_205 : memref<1x1x25x80xi32, #tpu.memory_space<hbm>> -> memref<25x80xi32, #tpu.memory_space<hbm>>
    tpu.enqueue_dma source(%dma_start3A_206 : memref<25x80xi32, #tpu.memory_space<hbm>>) target(%arg7 : memref<25x80xi32, #tpu.memory_space<vmem>>) target_semaphore(%arg20 : memref<!tpu.dma_semaphore, #tpu.memory_space<semaphore_mem>>)
    %dma_wait3A_207 = arith.constant 1 : i32
    %dma_wait3A_208 = arith.constant 0 : i32
    %dma_wait3A_209 = arith.constant 0 : i32
    %dma_wait3A_210 = tpu.memref_slice %arg3[%add3A, %dma_wait3A_207, %dma_wait3A_208, %dma_wait3A_209] : memref<32x5x25x80xi32, #tpu.memory_space<hbm>> -> memref<1x1x25x80xi32, #tpu.memory_space<hbm>>
    %dma_wait3A_211 = tpu.memref_squeeze %dma_wait3A_210 : memref<1x1x25x80xi32, #tpu.memory_space<hbm>> -> memref<25x80xi32, #tpu.memory_space<hbm>>
    %dma_wait3A_212 = arith.constant 0 : i32
    %dma_wait3A_213 = arith.constant 0 : i32
    %dma_wait3A_214 = tpu.memref_slice %arg3[%add3A, %dma_wait3A_207, %dma_wait3A_212, %dma_wait3A_213] : memref<32x5x25x80xi32, #tpu.memory_space<hbm>> -> memref<1x1x25x80xi32, #tpu.memory_space<hbm>>
    %dma_wait3A_215 = tpu.memref_squeeze %dma_wait3A_214 : memref<1x1x25x80xi32, #tpu.memory_space<hbm>> -> memref<25x80xi32, #tpu.memory_space<hbm>>
    tpu.wait_dma2 semaphore(%arg19 : memref<!tpu.dma_semaphore, #tpu.memory_space<semaphore_mem>>) src(%dma_wait3A_215 : memref<25x80xi32, #tpu.memory_space<hbm>>) dst(%arg6 : memref<25x80xi32, #tpu.memory_space<vmem>>)
    %dma_start3A_216 = arith.constant 0 : i32
    %dma_start3A_217 = arith.constant 0 : i32
    %dma_start3A_218 = tpu.memref_slice %arg6[%dma_start3A_216, %dma_start3A_217] : memref<25x80xi32, #tpu.memory_space<vmem>> -> memref<1x80xi32, #tpu.memory_space<vmem>>
    %dma_start3A_219 = tpu.memref_squeeze %dma_start3A_218 : memref<1x80xi32, #tpu.memory_space<vmem>> -> memref<80xi32, #tpu.memory_space<vmem>>
    %dma_start3A_220 = arith.constant 0 : i32
    %dma_start3A_221 = arith.constant 0 : i32
    %dma_start3A_222 = tpu.memref_slice %arg2[%dma_start3A_220, %dma_start3A_221] : memref<10000x128xf32, #tpu.memory_space<hbm>> -> memref<10000x128xf32, #tpu.memory_space<hbm>>
    tpu.enqueue_indirect_dma source(%dma_start3A_222 : memref<10000x128xf32, #tpu.memory_space<hbm>>) target(%arg8 : memref<80x128xf32, #tpu.memory_space<vmem>>) offsets(%dma_start3A_219 : memref<80xi32, #tpu.memory_space<vmem>>) semaphore(%arg13 : memref<!tpu.dma_semaphore, #tpu.memory_space<semaphore_mem>>)
    %dma_start3A_223 = arith.constant 1 : i32
    %dma_start3A_224 = arith.constant 0 : i32
    %dma_start3A_225 = tpu.memref_slice %arg6[%dma_start3A_223, %dma_start3A_224] : memref<25x80xi32, #tpu.memory_space<vmem>> -> memref<1x80xi32, #tpu.memory_space<vmem>>
    %dma_start3A_226 = tpu.memref_squeeze %dma_start3A_225 : memref<1x80xi32, #tpu.memory_space<vmem>> -> memref<80xi32, #tpu.memory_space<vmem>>
    %dma_start3A_227 = arith.constant 0 : i32
    %dma_start3A_228 = arith.constant 0 : i32
    %dma_start3A_229 = tpu.memref_slice %arg2[%dma_start3A_227, %dma_start3A_228] : memref<10000x128xf32, #tpu.memory_space<hbm>> -> memref<10000x128xf32, #tpu.memory_space<hbm>>
    tpu.enqueue_indirect_dma source(%dma_start3A_229 : memref<10000x128xf32, #tpu.memory_space<hbm>>) target(%arg9 : memref<80x128xf32, #tpu.memory_space<vmem>>) offsets(%dma_start3A_226 : memref<80xi32, #tpu.memory_space<vmem>>) semaphore(%arg14 : memref<!tpu.dma_semaphore, #tpu.memory_space<semaphore_mem>>)
    %dma_start3A_230 = arith.constant 2 : i32
    %dma_start3A_231 = arith.constant 0 : i32
    %dma_start3A_232 = tpu.memref_slice %arg6[%dma_start3A_230, %dma_start3A_231] : memref<25x80xi32, #tpu.memory_space<vmem>> -> memref<1x80xi32, #tpu.memory_space<vmem>>
    %dma_start3A_233 = tpu.memref_squeeze %dma_start3A_232 : memref<1x80xi32, #tpu.memory_space<vmem>> -> memref<80xi32, #tpu.memory_space<vmem>>
    %dma_start3A_234 = arith.constant 0 : i32
    %dma_start3A_235 = arith.constant 0 : i32
    %dma_start3A_236 = tpu.memref_slice %arg2[%dma_start3A_234, %dma_start3A_235] : memref<10000x128xf32, #tpu.memory_space<hbm>> -> memref<10000x128xf32, #tpu.memory_space<hbm>>
    tpu.enqueue_indirect_dma source(%dma_start3A_236 : memref<10000x128xf32, #tpu.memory_space<hbm>>) target(%arg10 : memref<80x128xf32, #tpu.memory_space<vmem>>) offsets(%dma_start3A_233 : memref<80xi32, #tpu.memory_space<vmem>>) semaphore(%arg15 : memref<!tpu.dma_semaphore, #tpu.memory_space<semaphore_mem>>)
    %dma_wait3A_237 = arith.constant 1 : i32
    %dma_wait3A_238 = arith.constant 0 : i32
    %dma_wait3A_239 = arith.constant 0 : i32
    %dma_wait3A_240 = tpu.memref_slice %arg4[%add3A, %dma_wait3A_237, %dma_wait3A_238, %dma_wait3A_239] : memref<32x5x25x80xi32, #tpu.memory_space<hbm>> -> memref<1x1x25x80xi32, #tpu.memory_space<hbm>>
    %dma_wait3A_241 = tpu.memref_squeeze %dma_wait3A_240 : memref<1x1x25x80xi32, #tpu.memory_space<hbm>> -> memref<25x80xi32, #tpu.memory_space<hbm>>
    %dma_wait3A_242 = arith.constant 0 : i32
    %dma_wait3A_243 = arith.constant 0 : i32
    %dma_wait3A_244 = tpu.memref_slice %arg4[%add3A, %dma_wait3A_237, %dma_wait3A_242, %dma_wait3A_243] : memref<32x5x25x80xi32, #tpu.memory_space<hbm>> -> memref<1x1x25x80xi32, #tpu.memory_space<hbm>>
    %dma_wait3A_245 = tpu.memref_squeeze %dma_wait3A_244 : memref<1x1x25x80xi32, #tpu.memory_space<hbm>> -> memref<25x80xi32, #tpu.memory_space<hbm>>
    tpu.wait_dma2 semaphore(%arg20 : memref<!tpu.dma_semaphore, #tpu.memory_space<semaphore_mem>>) src(%dma_wait3A_245 : memref<25x80xi32, #tpu.memory_space<hbm>>) dst(%arg7 : memref<25x80xi32, #tpu.memory_space<vmem>>)
    %dma_wait3A_246 = arith.constant 0 : i32
    %dma_wait3A_247 = arith.constant 0 : i32
    %dma_wait3A_248 = tpu.memref_slice %arg6[%dma_wait3A_246, %dma_wait3A_247] : memref<25x80xi32, #tpu.memory_space<vmem>> -> memref<1x80xi32, #tpu.memory_space<vmem>>
    %dma_wait3A_249 = tpu.memref_squeeze %dma_wait3A_248 : memref<1x80xi32, #tpu.memory_space<vmem>> -> memref<80xi32, #tpu.memory_space<vmem>>
    %dma_wait3A_250 = arith.constant 0 : i32
    %dma_wait3A_251 = arith.constant 0 : i32
    %dma_wait3A_252 = tpu.memref_slice %arg2[%dma_wait3A_250, %dma_wait3A_251] : memref<10000x128xf32, #tpu.memory_space<hbm>> -> memref<10000x128xf32, #tpu.memory_space<hbm>>
    tpu.wait_indirect_dma semaphore(%arg13 : memref<!tpu.dma_semaphore, #tpu.memory_space<semaphore_mem>>) src(%dma_wait3A_252 : memref<10000x128xf32, #tpu.memory_space<hbm>>) dst(%arg8 : memref<80x128xf32, #tpu.memory_space<vmem>>)
    %dma_start3A_253 = arith.constant 0 : i32
    %dma_start3A_254 = arith.constant 0 : i32
    %dma_start3A_255 = tpu.memref_slice %arg7[%dma_start3A_253, %dma_start3A_254] : memref<25x80xi32, #tpu.memory_space<vmem>> -> memref<1x80xi32, #tpu.memory_space<vmem>>
    %dma_start3A_256 = tpu.memref_squeeze %dma_start3A_255 : memref<1x80xi32, #tpu.memory_space<vmem>> -> memref<80xi32, #tpu.memory_space<vmem>>
    %dma_start3A_257 = arith.constant 0 : i32
    %dma_start3A_258 = arith.constant 0 : i32
    %dma_start3A_259 = tpu.memref_slice %arg12[%dma_start3A_257, %dma_start3A_258] : memref<10112x128xf32, #tpu.memory_space<vmem_shared>> -> memref<10112x128xf32, #tpu.memory_space<vmem_shared>>
    tpu.enqueue_indirect_dma source(%arg8 : memref<80x128xf32, #tpu.memory_space<vmem>>) target(%dma_start3A_259 : memref<10112x128xf32, #tpu.memory_space<vmem_shared>>) offsets(%dma_start3A_256 : memref<80xi32, #tpu.memory_space<vmem>>) semaphore(%arg17 : memref<!tpu.dma_semaphore, #tpu.memory_space<semaphore_mem>>) {add = true}
    %dma_start3A_260 = arith.constant 3 : i32
    %dma_start3A_261 = arith.constant 0 : i32
    %dma_start3A_262 = tpu.memref_slice %arg6[%dma_start3A_260, %dma_start3A_261] : memref<25x80xi32, #tpu.memory_space<vmem>> -> memref<1x80xi32, #tpu.memory_space<vmem>>
    %dma_start3A_263 = tpu.memref_squeeze %dma_start3A_262 : memref<1x80xi32, #tpu.memory_space<vmem>> -> memref<80xi32, #tpu.memory_space<vmem>>
    %dma_start3A_264 = arith.constant 0 : i32
    %dma_start3A_265 = arith.constant 0 : i32
    %dma_start3A_266 = tpu.memref_slice %arg2[%dma_start3A_264, %dma_start3A_265] : memref<10000x128xf32, #tpu.memory_space<hbm>> -> memref<10000x128xf32, #tpu.memory_space<hbm>>
    tpu.enqueue_indirect_dma source(%dma_start3A_266 : memref<10000x128xf32, #tpu.memory_space<hbm>>) target(%arg11 : memref<80x128xf32, #tpu.memory_space<vmem>>) offsets(%dma_start3A_263 : memref<80xi32, #tpu.memory_space<vmem>>) semaphore(%arg16 : memref<!tpu.dma_semaphore, #tpu.memory_space<semaphore_mem>>)
    %scan3A_267 = arith.constant 0 : i32
    %scan3A_268 = arith.constant 0 : i32
    %scan3A_269 = arith.constant 6 : i32
    %scan3A_270 = arith.addi %scan3A_268, %scan3A_269 : i32
    %scan3A_271 = arith.constant 1 : i32
    scf.for %scan3A_554 = %scan3A_268 to %scan3A_270 step %scan3A_271  : i32 {
      %mul3A_555 = arith.constant 4 : i32
      %mul3A_556 = arith.muli %scan3A_554, %mul3A_555 : i32
      %add3A_557 = arith.constant 1 : i32
      %add3A_558 = arith.addi %add3A_557, %mul3A_556 : i32
      %add3A_559 = arith.constant 0 : i32
      %add3A_560 = arith.addi %add3A_558, %add3A_559 : i32
      %dma_wait3A_561 = arith.constant 0 : i32
      %dma_wait3A_562 = tpu.memref_slice %arg6[%add3A_560, %dma_wait3A_561] : memref<25x80xi32, #tpu.memory_space<vmem>> -> memref<1x80xi32, #tpu.memory_space<vmem>>
      %dma_wait3A_563 = tpu.memref_squeeze %dma_wait3A_562 : memref<1x80xi32, #tpu.memory_space<vmem>> -> memref<80xi32, #tpu.memory_space<vmem>>
      %dma_wait3A_564 = arith.constant 0 : i32
      %dma_wait3A_565 = arith.constant 0 : i32
      %dma_wait3A_566 = tpu.memref_slice %arg2[%dma_wait3A_564, %dma_wait3A_565] : memref<10000x128xf32, #tpu.memory_space<hbm>> -> memref<10000x128xf32, #tpu.memory_space<hbm>>
      tpu.wait_indirect_dma semaphore(%arg14 : memref<!tpu.dma_semaphore, #tpu.memory_space<semaphore_mem>>) src(%dma_wait3A_566 : memref<10000x128xf32, #tpu.memory_space<hbm>>) dst(%arg9 : memref<80x128xf32, #tpu.memory_space<vmem>>)
      %sub3A = arith.constant 1 : i32
      %sub3A_567 = arith.subi %add3A_560, %sub3A : i32
      %dma_wait3A_568 = arith.constant 0 : i32
      %dma_wait3A_569 = tpu.memref_slice %arg7[%sub3A_567, %dma_wait3A_568] : memref<25x80xi32, #tpu.memory_space<vmem>> -> memref<1x80xi32, #tpu.memory_space<vmem>>
      %dma_wait3A_570 = tpu.memref_squeeze %dma_wait3A_569 : memref<1x80xi32, #tpu.memory_space<vmem>> -> memref<80xi32, #tpu.memory_space<vmem>>
      %dma_wait3A_571 = arith.constant 0 : i32
      %dma_wait3A_572 = arith.constant 0 : i32
      %dma_wait3A_573 = tpu.memref_slice %arg12[%dma_wait3A_571, %dma_wait3A_572] : memref<10112x128xf32, #tpu.memory_space<vmem_shared>> -> memref<10112x128xf32, #tpu.memory_space<vmem_shared>>
      tpu.wait_indirect_dma semaphore(%arg17 : memref<!tpu.dma_semaphore, #tpu.memory_space<semaphore_mem>>) src(%arg8 : memref<80x128xf32, #tpu.memory_space<vmem>>) dst(%dma_wait3A_573 : memref<10112x128xf32, #tpu.memory_space<vmem_shared>>)
      %dma_start3A_574 = arith.constant 0 : i32
      %dma_start3A_575 = tpu.memref_slice %arg7[%add3A_560, %dma_start3A_574] : memref<25x80xi32, #tpu.memory_space<vmem>> -> memref<1x80xi32, #tpu.memory_space<vmem>>
      %dma_start3A_576 = tpu.memref_squeeze %dma_start3A_575 : memref<1x80xi32, #tpu.memory_space<vmem>> -> memref<80xi32, #tpu.memory_space<vmem>>
      %dma_start3A_577 = arith.constant 0 : i32
      %dma_start3A_578 = arith.constant 0 : i32
      %dma_start3A_579 = tpu.memref_slice %arg12[%dma_start3A_577, %dma_start3A_578] : memref<10112x128xf32, #tpu.memory_space<vmem_shared>> -> memref<10112x128xf32, #tpu.memory_space<vmem_shared>>
      tpu.enqueue_indirect_dma source(%arg9 : memref<80x128xf32, #tpu.memory_space<vmem>>) target(%dma_start3A_579 : memref<10112x128xf32, #tpu.memory_space<vmem_shared>>) offsets(%dma_start3A_576 : memref<80xi32, #tpu.memory_space<vmem>>) semaphore(%arg18 : memref<!tpu.dma_semaphore, #tpu.memory_space<semaphore_mem>>) {add = true}
      %add3A_580 = arith.constant 3 : i32
      %add3A_581 = arith.addi %add3A_560, %add3A_580 : i32
      %lt3A = arith.constant 25 : i32
      %lt3A_582 = arith.cmpi slt, %add3A_581, %lt3A : i32
      %convert_element_type3A = arith.extui %lt3A_582 : i1 to i32
      %cond3A = arith.constant 0 : i32
      %cond3A_583 = arith.cmpi ne, %convert_element_type3A, %cond3A : i32
      scf.if %cond3A_583 {
        %add3A_671 = arith.constant 3 : i32
        %add3A_672 = arith.addi %add3A_560, %add3A_671 : i32
        %dma_start3A_673 = arith.constant 0 : i32
        %dma_start3A_674 = tpu.memref_slice %arg6[%add3A_672, %dma_start3A_673] : memref<25x80xi32, #tpu.memory_space<vmem>> -> memref<1x80xi32, #tpu.memory_space<vmem>>
        %dma_start3A_675 = tpu.memref_squeeze %dma_start3A_674 : memref<1x80xi32, #tpu.memory_space<vmem>> -> memref<80xi32, #tpu.memory_space<vmem>>
        %dma_start3A_676 = arith.constant 0 : i32
        %dma_start3A_677 = arith.constant 0 : i32
        %dma_start3A_678 = tpu.memref_slice %arg2[%dma_start3A_676, %dma_start3A_677] : memref<10000x128xf32, #tpu.memory_space<hbm>> -> memref<10000x128xf32, #tpu.memory_space<hbm>>
        tpu.enqueue_indirect_dma source(%dma_start3A_678 : memref<10000x128xf32, #tpu.memory_space<hbm>>) target(%arg8 : memref<80x128xf32, #tpu.memory_space<vmem>>) offsets(%dma_start3A_675 : memref<80xi32, #tpu.memory_space<vmem>>) semaphore(%arg13 : memref<!tpu.dma_semaphore, #tpu.memory_space<semaphore_mem>>)
      } else {
      }
      %add3A_584 = arith.constant 1 : i32
      %add3A_585 = arith.addi %add3A_558, %add3A_584 : i32
      %dma_wait3A_586 = arith.constant 0 : i32
      %dma_wait3A_587 = tpu.memref_slice %arg6[%add3A_585, %dma_wait3A_586] : memref<25x80xi32, #tpu.memory_space<vmem>> -> memref<1x80xi32, #tpu.memory_space<vmem>>
      %dma_wait3A_588 = tpu.memref_squeeze %dma_wait3A_587 : memref<1x80xi32, #tpu.memory_space<vmem>> -> memref<80xi32, #tpu.memory_space<vmem>>
      %dma_wait3A_589 = arith.constant 0 : i32
      %dma_wait3A_590 = arith.constant 0 : i32
      %dma_wait3A_591 = tpu.memref_slice %arg2[%dma_wait3A_589, %dma_wait3A_590] : memref<10000x128xf32, #tpu.memory_space<hbm>> -> memref<10000x128xf32, #tpu.memory_space<hbm>>
      tpu.wait_indirect_dma semaphore(%arg15 : memref<!tpu.dma_semaphore, #tpu.memory_space<semaphore_mem>>) src(%dma_wait3A_591 : memref<10000x128xf32, #tpu.memory_space<hbm>>) dst(%arg10 : memref<80x128xf32, #tpu.memory_space<vmem>>)
      %sub3A_592 = arith.constant 1 : i32
      %sub3A_593 = arith.subi %add3A_585, %sub3A_592 : i32
      %dma_wait3A_594 = arith.constant 0 : i32
      %dma_wait3A_595 = tpu.memref_slice %arg7[%sub3A_593, %dma_wait3A_594] : memref<25x80xi32, #tpu.memory_space<vmem>> -> memref<1x80xi32, #tpu.memory_space<vmem>>
      %dma_wait3A_596 = tpu.memref_squeeze %dma_wait3A_595 : memref<1x80xi32, #tpu.memory_space<vmem>> -> memref<80xi32, #tpu.memory_space<vmem>>
      %dma_wait3A_597 = arith.constant 0 : i32
      %dma_wait3A_598 = arith.constant 0 : i32
      %dma_wait3A_599 = tpu.memref_slice %arg12[%dma_wait3A_597, %dma_wait3A_598] : memref<10112x128xf32, #tpu.memory_space<vmem_shared>> -> memref<10112x128xf32, #tpu.memory_space<vmem_shared>>
      tpu.wait_indirect_dma semaphore(%arg18 : memref<!tpu.dma_semaphore, #tpu.memory_space<semaphore_mem>>) src(%arg9 : memref<80x128xf32, #tpu.memory_space<vmem>>) dst(%dma_wait3A_599 : memref<10112x128xf32, #tpu.memory_space<vmem_shared>>)
      %dma_start3A_600 = arith.constant 0 : i32
      %dma_start3A_601 = tpu.memref_slice %arg7[%add3A_585, %dma_start3A_600] : memref<25x80xi32, #tpu.memory_space<vmem>> -> memref<1x80xi32, #tpu.memory_space<vmem>>
      %dma_start3A_602 = tpu.memref_squeeze %dma_start3A_601 : memref<1x80xi32, #tpu.memory_space<vmem>> -> memref<80xi32, #tpu.memory_space<vmem>>
      %dma_start3A_603 = arith.constant 0 : i32
      %dma_start3A_604 = arith.constant 0 : i32
      %dma_start3A_605 = tpu.memref_slice %arg12[%dma_start3A_603, %dma_start3A_604] : memref<10112x128xf32, #tpu.memory_space<vmem_shared>> -> memref<10112x128xf32, #tpu.memory_space<vmem_shared>>
      tpu.enqueue_indirect_dma source(%arg10 : memref<80x128xf32, #tpu.memory_space<vmem>>) target(%dma_start3A_605 : memref<10112x128xf32, #tpu.memory_space<vmem_shared>>) offsets(%dma_start3A_602 : memref<80xi32, #tpu.memory_space<vmem>>) semaphore(%arg19 : memref<!tpu.dma_semaphore, #tpu.memory_space<semaphore_mem>>) {add = true}
      %add3A_606 = arith.constant 3 : i32
      %add3A_607 = arith.addi %add3A_585, %add3A_606 : i32
      %lt3A_608 = arith.constant 25 : i32
      %lt3A_609 = arith.cmpi slt, %add3A_607, %lt3A_608 : i32
      %convert_element_type3A_610 = arith.extui %lt3A_609 : i1 to i32
      %cond3A_611 = arith.constant 0 : i32
      %cond3A_612 = arith.cmpi ne, %convert_element_type3A_610, %cond3A_611 : i32
      scf.if %cond3A_612 {
        %add3A_671 = arith.constant 3 : i32
        %add3A_672 = arith.addi %add3A_585, %add3A_671 : i32
        %dma_start3A_673 = arith.constant 0 : i32
        %dma_start3A_674 = tpu.memref_slice %arg6[%add3A_672, %dma_start3A_673] : memref<25x80xi32, #tpu.memory_space<vmem>> -> memref<1x80xi32, #tpu.memory_space<vmem>>
        %dma_start3A_675 = tpu.memref_squeeze %dma_start3A_674 : memref<1x80xi32, #tpu.memory_space<vmem>> -> memref<80xi32, #tpu.memory_space<vmem>>
        %dma_start3A_676 = arith.constant 0 : i32
        %dma_start3A_677 = arith.constant 0 : i32
        %dma_start3A_678 = tpu.memref_slice %arg2[%dma_start3A_676, %dma_start3A_677] : memref<10000x128xf32, #tpu.memory_space<hbm>> -> memref<10000x128xf32, #tpu.memory_space<hbm>>
        tpu.enqueue_indirect_dma source(%dma_start3A_678 : memref<10000x128xf32, #tpu.memory_space<hbm>>) target(%arg9 : memref<80x128xf32, #tpu.memory_space<vmem>>) offsets(%dma_start3A_675 : memref<80xi32, #tpu.memory_space<vmem>>) semaphore(%arg14 : memref<!tpu.dma_semaphore, #tpu.memory_space<semaphore_mem>>)
      } else {
      }
      %add3A_613 = arith.constant 2 : i32
      %add3A_614 = arith.addi %add3A_558, %add3A_613 : i32
      %dma_wait3A_615 = arith.constant 0 : i32
      %dma_wait3A_616 = tpu.memref_slice %arg6[%add3A_614, %dma_wait3A_615] : memref<25x80xi32, #tpu.memory_space<vmem>> -> memref<1x80xi32, #tpu.memory_space<vmem>>
      %dma_wait3A_617 = tpu.memref_squeeze %dma_wait3A_616 : memref<1x80xi32, #tpu.memory_space<vmem>> -> memref<80xi32, #tpu.memory_space<vmem>>
      %dma_wait3A_618 = arith.constant 0 : i32
      %dma_wait3A_619 = arith.constant 0 : i32
      %dma_wait3A_620 = tpu.memref_slice %arg2[%dma_wait3A_618, %dma_wait3A_619] : memref<10000x128xf32, #tpu.memory_space<hbm>> -> memref<10000x128xf32, #tpu.memory_space<hbm>>
      tpu.wait_indirect_dma semaphore(%arg16 : memref<!tpu.dma_semaphore, #tpu.memory_space<semaphore_mem>>) src(%dma_wait3A_620 : memref<10000x128xf32, #tpu.memory_space<hbm>>) dst(%arg11 : memref<80x128xf32, #tpu.memory_space<vmem>>)
      %sub3A_621 = arith.constant 1 : i32
      %sub3A_622 = arith.subi %add3A_614, %sub3A_621 : i32
      %dma_wait3A_623 = arith.constant 0 : i32
      %dma_wait3A_624 = tpu.memref_slice %arg7[%sub3A_622, %dma_wait3A_623] : memref<25x80xi32, #tpu.memory_space<vmem>> -> memref<1x80xi32, #tpu.memory_space<vmem>>
      %dma_wait3A_625 = tpu.memref_squeeze %dma_wait3A_624 : memref<1x80xi32, #tpu.memory_space<vmem>> -> memref<80xi32, #tpu.memory_space<vmem>>
      %dma_wait3A_626 = arith.constant 0 : i32
      %dma_wait3A_627 = arith.constant 0 : i32
      %dma_wait3A_628 = tpu.memref_slice %arg12[%dma_wait3A_626, %dma_wait3A_627] : memref<10112x128xf32, #tpu.memory_space<vmem_shared>> -> memref<10112x128xf32, #tpu.memory_space<vmem_shared>>
      tpu.wait_indirect_dma semaphore(%arg19 : memref<!tpu.dma_semaphore, #tpu.memory_space<semaphore_mem>>) src(%arg10 : memref<80x128xf32, #tpu.memory_space<vmem>>) dst(%dma_wait3A_628 : memref<10112x128xf32, #tpu.memory_space<vmem_shared>>)
      %dma_start3A_629 = arith.constant 0 : i32
      %dma_start3A_630 = tpu.memref_slice %arg7[%add3A_614, %dma_start3A_629] : memref<25x80xi32, #tpu.memory_space<vmem>> -> memref<1x80xi32, #tpu.memory_space<vmem>>
      %dma_start3A_631 = tpu.memref_squeeze %dma_start3A_630 : memref<1x80xi32, #tpu.memory_space<vmem>> -> memref<80xi32, #tpu.memory_space<vmem>>
      %dma_start3A_632 = arith.constant 0 : i32
      %dma_start3A_633 = arith.constant 0 : i32
      %dma_start3A_634 = tpu.memref_slice %arg12[%dma_start3A_632, %dma_start3A_633] : memref<10112x128xf32, #tpu.memory_space<vmem_shared>> -> memref<10112x128xf32, #tpu.memory_space<vmem_shared>>
      tpu.enqueue_indirect_dma source(%arg11 : memref<80x128xf32, #tpu.memory_space<vmem>>) target(%dma_start3A_634 : memref<10112x128xf32, #tpu.memory_space<vmem_shared>>) offsets(%dma_start3A_631 : memref<80xi32, #tpu.memory_space<vmem>>) semaphore(%arg20 : memref<!tpu.dma_semaphore, #tpu.memory_space<semaphore_mem>>) {add = true}
      %add3A_635 = arith.constant 3 : i32
      %add3A_636 = arith.addi %add3A_614, %add3A_635 : i32
      %lt3A_637 = arith.constant 25 : i32
      %lt3A_638 = arith.cmpi slt, %add3A_636, %lt3A_637 : i32
      %convert_element_type3A_639 = arith.extui %lt3A_638 : i1 to i32
      %cond3A_640 = arith.constant 0 : i32
      %cond3A_641 = arith.cmpi ne, %convert_element_type3A_639, %cond3A_640 : i32
      scf.if %cond3A_641 {
        %add3A_671 = arith.constant 3 : i32
        %add3A_672 = arith.addi %add3A_614, %add3A_671 : i32
        %dma_start3A_673 = arith.constant 0 : i32
        %dma_start3A_674 = tpu.memref_slice %arg6[%add3A_672, %dma_start3A_673] : memref<25x80xi32, #tpu.memory_space<vmem>> -> memref<1x80xi32, #tpu.memory_space<vmem>>
        %dma_start3A_675 = tpu.memref_squeeze %dma_start3A_674 : memref<1x80xi32, #tpu.memory_space<vmem>> -> memref<80xi32, #tpu.memory_space<vmem>>
        %dma_start3A_676 = arith.constant 0 : i32
        %dma_start3A_677 = arith.constant 0 : i32
        %dma_start3A_678 = tpu.memref_slice %arg2[%dma_start3A_676, %dma_start3A_677] : memref<10000x128xf32, #tpu.memory_space<hbm>> -> memref<10000x128xf32, #tpu.memory_space<hbm>>
        tpu.enqueue_indirect_dma source(%dma_start3A_678 : memref<10000x128xf32, #tpu.memory_space<hbm>>) target(%arg10 : memref<80x128xf32, #tpu.memory_space<vmem>>) offsets(%dma_start3A_675 : memref<80xi32, #tpu.memory_space<vmem>>) semaphore(%arg15 : memref<!tpu.dma_semaphore, #tpu.memory_space<semaphore_mem>>)
      } else {
      }
      %add3A_642 = arith.constant 3 : i32
      %add3A_643 = arith.addi %add3A_558, %add3A_642 : i32
      %dma_wait3A_644 = arith.constant 0 : i32
      %dma_wait3A_645 = tpu.memref_slice %arg6[%add3A_643, %dma_wait3A_644] : memref<25x80xi32, #tpu.memory_space<vmem>> -> memref<1x80xi32, #tpu.memory_space<vmem>>
      %dma_wait3A_646 = tpu.memref_squeeze %dma_wait3A_645 : memref<1x80xi32, #tpu.memory_space<vmem>> -> memref<80xi32, #tpu.memory_space<vmem>>
      %dma_wait3A_647 = arith.constant 0 : i32
      %dma_wait3A_648 = arith.constant 0 : i32
      %dma_wait3A_649 = tpu.memref_slice %arg2[%dma_wait3A_647, %dma_wait3A_648] : memref<10000x128xf32, #tpu.memory_space<hbm>> -> memref<10000x128xf32, #tpu.memory_space<hbm>>
      tpu.wait_indirect_dma semaphore(%arg13 : memref<!tpu.dma_semaphore, #tpu.memory_space<semaphore_mem>>) src(%dma_wait3A_649 : memref<10000x128xf32, #tpu.memory_space<hbm>>) dst(%arg8 : memref<80x128xf32, #tpu.memory_space<vmem>>)
      %sub3A_650 = arith.constant 1 : i32
      %sub3A_651 = arith.subi %add3A_643, %sub3A_650 : i32
      %dma_wait3A_652 = arith.constant 0 : i32
      %dma_wait3A_653 = tpu.memref_slice %arg7[%sub3A_651, %dma_wait3A_652] : memref<25x80xi32, #tpu.memory_space<vmem>> -> memref<1x80xi32, #tpu.memory_space<vmem>>
      %dma_wait3A_654 = tpu.memref_squeeze %dma_wait3A_653 : memref<1x80xi32, #tpu.memory_space<vmem>> -> memref<80xi32, #tpu.memory_space<vmem>>
      %dma_wait3A_655 = arith.constant 0 : i32
      %dma_wait3A_656 = arith.constant 0 : i32
      %dma_wait3A_657 = tpu.memref_slice %arg12[%dma_wait3A_655, %dma_wait3A_656] : memref<10112x128xf32, #tpu.memory_space<vmem_shared>> -> memref<10112x128xf32, #tpu.memory_space<vmem_shared>>
      tpu.wait_indirect_dma semaphore(%arg20 : memref<!tpu.dma_semaphore, #tpu.memory_space<semaphore_mem>>) src(%arg11 : memref<80x128xf32, #tpu.memory_space<vmem>>) dst(%dma_wait3A_657 : memref<10112x128xf32, #tpu.memory_space<vmem_shared>>)
      %dma_start3A_658 = arith.constant 0 : i32
      %dma_start3A_659 = tpu.memref_slice %arg7[%add3A_643, %dma_start3A_658] : memref<25x80xi32, #tpu.memory_space<vmem>> -> memref<1x80xi32, #tpu.memory_space<vmem>>
      %dma_start3A_660 = tpu.memref_squeeze %dma_start3A_659 : memref<1x80xi32, #tpu.memory_space<vmem>> -> memref<80xi32, #tpu.memory_space<vmem>>
      %dma_start3A_661 = arith.constant 0 : i32
      %dma_start3A_662 = arith.constant 0 : i32
      %dma_start3A_663 = tpu.memref_slice %arg12[%dma_start3A_661, %dma_start3A_662] : memref<10112x128xf32, #tpu.memory_space<vmem_shared>> -> memref<10112x128xf32, #tpu.memory_space<vmem_shared>>
      tpu.enqueue_indirect_dma source(%arg8 : memref<80x128xf32, #tpu.memory_space<vmem>>) target(%dma_start3A_663 : memref<10112x128xf32, #tpu.memory_space<vmem_shared>>) offsets(%dma_start3A_660 : memref<80xi32, #tpu.memory_space<vmem>>) semaphore(%arg17 : memref<!tpu.dma_semaphore, #tpu.memory_space<semaphore_mem>>) {add = true}
      %add3A_664 = arith.constant 3 : i32
      %add3A_665 = arith.addi %add3A_643, %add3A_664 : i32
      %lt3A_666 = arith.constant 25 : i32
      %lt3A_667 = arith.cmpi slt, %add3A_665, %lt3A_666 : i32
      %convert_element_type3A_668 = arith.extui %lt3A_667 : i1 to i32
      %cond3A_669 = arith.constant 0 : i32
      %cond3A_670 = arith.cmpi ne, %convert_element_type3A_668, %cond3A_669 : i32
      scf.if %cond3A_670 {
        %add3A_671 = arith.constant 3 : i32
        %add3A_672 = arith.addi %add3A_643, %add3A_671 : i32
        %dma_start3A_673 = arith.constant 0 : i32
        %dma_start3A_674 = tpu.memref_slice %arg6[%add3A_672, %dma_start3A_673] : memref<25x80xi32, #tpu.memory_space<vmem>> -> memref<1x80xi32, #tpu.memory_space<vmem>>
        %dma_start3A_675 = tpu.memref_squeeze %dma_start3A_674 : memref<1x80xi32, #tpu.memory_space<vmem>> -> memref<80xi32, #tpu.memory_space<vmem>>
        %dma_start3A_676 = arith.constant 0 : i32
        %dma_start3A_677 = arith.constant 0 : i32
        %dma_start3A_678 = tpu.memref_slice %arg2[%dma_start3A_676, %dma_start3A_677] : memref<10000x128xf32, #tpu.memory_space<hbm>> -> memref<10000x128xf32, #tpu.memory_space<hbm>>
        tpu.enqueue_indirect_dma source(%dma_start3A_678 : memref<10000x128xf32, #tpu.memory_space<hbm>>) target(%arg11 : memref<80x128xf32, #tpu.memory_space<vmem>>) offsets(%dma_start3A_675 : memref<80xi32, #tpu.memory_space<vmem>>) semaphore(%arg16 : memref<!tpu.dma_semaphore, #tpu.memory_space<semaphore_mem>>)
      } else {
      }
    }
    %scan3A_272 = arith.constant 6 : i32
    %dma_wait3A_273 = arith.constant 24 : i32
    %dma_wait3A_274 = arith.constant 0 : i32
    %dma_wait3A_275 = tpu.memref_slice %arg7[%dma_wait3A_273, %dma_wait3A_274] : memref<25x80xi32, #tpu.memory_space<vmem>> -> memref<1x80xi32, #tpu.memory_space<vmem>>
    %dma_wait3A_276 = tpu.memref_squeeze %dma_wait3A_275 : memref<1x80xi32, #tpu.memory_space<vmem>> -> memref<80xi32, #tpu.memory_space<vmem>>
    %dma_wait3A_277 = arith.constant 0 : i32
    %dma_wait3A_278 = arith.constant 0 : i32
    %dma_wait3A_279 = tpu.memref_slice %arg12[%dma_wait3A_277, %dma_wait3A_278] : memref<10112x128xf32, #tpu.memory_space<vmem_shared>> -> memref<10112x128xf32, #tpu.memory_space<vmem_shared>>
    tpu.wait_indirect_dma semaphore(%arg17 : memref<!tpu.dma_semaphore, #tpu.memory_space<semaphore_mem>>) src(%arg8 : memref<80x128xf32, #tpu.memory_space<vmem>>) dst(%dma_wait3A_279 : memref<10112x128xf32, #tpu.memory_space<vmem_shared>>)
    %dma_start3A_280 = arith.constant 2 : i32
    %dma_start3A_281 = arith.constant 0 : i32
    %dma_start3A_282 = arith.constant 0 : i32
    %dma_start3A_283 = tpu.memref_slice %arg3[%add3A, %dma_start3A_280, %dma_start3A_281, %dma_start3A_282] : memref<32x5x25x80xi32, #tpu.memory_space<hbm>> -> memref<1x1x25x80xi32, #tpu.memory_space<hbm>>
    %dma_start3A_284 = tpu.memref_squeeze %dma_start3A_283 : memref<1x1x25x80xi32, #tpu.memory_space<hbm>> -> memref<25x80xi32, #tpu.memory_space<hbm>>
    %dma_start3A_285 = arith.constant 0 : i32
    %dma_start3A_286 = arith.constant 0 : i32
    %dma_start3A_287 = tpu.memref_slice %arg3[%add3A, %dma_start3A_280, %dma_start3A_285, %dma_start3A_286] : memref<32x5x25x80xi32, #tpu.memory_space<hbm>> -> memref<1x1x25x80xi32, #tpu.memory_space<hbm>>
    %dma_start3A_288 = tpu.memref_squeeze %dma_start3A_287 : memref<1x1x25x80xi32, #tpu.memory_space<hbm>> -> memref<25x80xi32, #tpu.memory_space<hbm>>
    tpu.enqueue_dma source(%dma_start3A_288 : memref<25x80xi32, #tpu.memory_space<hbm>>) target(%arg6 : memref<25x80xi32, #tpu.memory_space<vmem>>) target_semaphore(%arg19 : memref<!tpu.dma_semaphore, #tpu.memory_space<semaphore_mem>>)
    %dma_start3A_289 = arith.constant 2 : i32
    %dma_start3A_290 = arith.constant 0 : i32
    %dma_start3A_291 = arith.constant 0 : i32
    %dma_start3A_292 = tpu.memref_slice %arg4[%add3A, %dma_start3A_289, %dma_start3A_290, %dma_start3A_291] : memref<32x5x25x80xi32, #tpu.memory_space<hbm>> -> memref<1x1x25x80xi32, #tpu.memory_space<hbm>>
    %dma_start3A_293 = tpu.memref_squeeze %dma_start3A_292 : memref<1x1x25x80xi32, #tpu.memory_space<hbm>> -> memref<25x80xi32, #tpu.memory_space<hbm>>
    %dma_start3A_294 = arith.constant 0 : i32
    %dma_start3A_295 = arith.constant 0 : i32
    %dma_start3A_296 = tpu.memref_slice %arg4[%add3A, %dma_start3A_289, %dma_start3A_294, %dma_start3A_295] : memref<32x5x25x80xi32, #tpu.memory_space<hbm>> -> memref<1x1x25x80xi32, #tpu.memory_space<hbm>>
    %dma_start3A_297 = tpu.memref_squeeze %dma_start3A_296 : memref<1x1x25x80xi32, #tpu.memory_space<hbm>> -> memref<25x80xi32, #tpu.memory_space<hbm>>
    tpu.enqueue_dma source(%dma_start3A_297 : memref<25x80xi32, #tpu.memory_space<hbm>>) target(%arg7 : memref<25x80xi32, #tpu.memory_space<vmem>>) target_semaphore(%arg20 : memref<!tpu.dma_semaphore, #tpu.memory_space<semaphore_mem>>)
    %dma_wait3A_298 = arith.constant 2 : i32
    %dma_wait3A_299 = arith.constant 0 : i32
    %dma_wait3A_300 = arith.constant 0 : i32
    %dma_wait3A_301 = tpu.memref_slice %arg3[%add3A, %dma_wait3A_298, %dma_wait3A_299, %dma_wait3A_300] : memref<32x5x25x80xi32, #tpu.memory_space<hbm>> -> memref<1x1x25x80xi32, #tpu.memory_space<hbm>>
    %dma_wait3A_302 = tpu.memref_squeeze %dma_wait3A_301 : memref<1x1x25x80xi32, #tpu.memory_space<hbm>> -> memref<25x80xi32, #tpu.memory_space<hbm>>
    %dma_wait3A_303 = arith.constant 0 : i32
    %dma_wait3A_304 = arith.constant 0 : i32
    %dma_wait3A_305 = tpu.memref_slice %arg3[%add3A, %dma_wait3A_298, %dma_wait3A_303, %dma_wait3A_304] : memref<32x5x25x80xi32, #tpu.memory_space<hbm>> -> memref<1x1x25x80xi32, #tpu.memory_space<hbm>>
    %dma_wait3A_306 = tpu.memref_squeeze %dma_wait3A_305 : memref<1x1x25x80xi32, #tpu.memory_space<hbm>> -> memref<25x80xi32, #tpu.memory_space<hbm>>
    tpu.wait_dma2 semaphore(%arg19 : memref<!tpu.dma_semaphore, #tpu.memory_space<semaphore_mem>>) src(%dma_wait3A_306 : memref<25x80xi32, #tpu.memory_space<hbm>>) dst(%arg6 : memref<25x80xi32, #tpu.memory_space<vmem>>)
    %dma_start3A_307 = arith.constant 0 : i32
    %dma_start3A_308 = arith.constant 0 : i32
    %dma_start3A_309 = tpu.memref_slice %arg6[%dma_start3A_307, %dma_start3A_308] : memref<25x80xi32, #tpu.memory_space<vmem>> -> memref<1x80xi32, #tpu.memory_space<vmem>>
    %dma_start3A_310 = tpu.memref_squeeze %dma_start3A_309 : memref<1x80xi32, #tpu.memory_space<vmem>> -> memref<80xi32, #tpu.memory_space<vmem>>
    %dma_start3A_311 = arith.constant 0 : i32
    %dma_start3A_312 = arith.constant 0 : i32
    %dma_start3A_313 = tpu.memref_slice %arg2[%dma_start3A_311, %dma_start3A_312] : memref<10000x128xf32, #tpu.memory_space<hbm>> -> memref<10000x128xf32, #tpu.memory_space<hbm>>
    tpu.enqueue_indirect_dma source(%dma_start3A_313 : memref<10000x128xf32, #tpu.memory_space<hbm>>) target(%arg8 : memref<80x128xf32, #tpu.memory_space<vmem>>) offsets(%dma_start3A_310 : memref<80xi32, #tpu.memory_space<vmem>>) semaphore(%arg13 : memref<!tpu.dma_semaphore, #tpu.memory_space<semaphore_mem>>)
    %dma_start3A_314 = arith.constant 1 : i32
    %dma_start3A_315 = arith.constant 0 : i32
    %dma_start3A_316 = tpu.memref_slice %arg6[%dma_start3A_314, %dma_start3A_315] : memref<25x80xi32, #tpu.memory_space<vmem>> -> memref<1x80xi32, #tpu.memory_space<vmem>>
    %dma_start3A_317 = tpu.memref_squeeze %dma_start3A_316 : memref<1x80xi32, #tpu.memory_space<vmem>> -> memref<80xi32, #tpu.memory_space<vmem>>
    %dma_start3A_318 = arith.constant 0 : i32
    %dma_start3A_319 = arith.constant 0 : i32
    %dma_start3A_320 = tpu.memref_slice %arg2[%dma_start3A_318, %dma_start3A_319] : memref<10000x128xf32, #tpu.memory_space<hbm>> -> memref<10000x128xf32, #tpu.memory_space<hbm>>
    tpu.enqueue_indirect_dma source(%dma_start3A_320 : memref<10000x128xf32, #tpu.memory_space<hbm>>) target(%arg9 : memref<80x128xf32, #tpu.memory_space<vmem>>) offsets(%dma_start3A_317 : memref<80xi32, #tpu.memory_space<vmem>>) semaphore(%arg14 : memref<!tpu.dma_semaphore, #tpu.memory_space<semaphore_mem>>)
    %dma_start3A_321 = arith.constant 2 : i32
    %dma_start3A_322 = arith.constant 0 : i32
    %dma_start3A_323 = tpu.memref_slice %arg6[%dma_start3A_321, %dma_start3A_322] : memref<25x80xi32, #tpu.memory_space<vmem>> -> memref<1x80xi32, #tpu.memory_space<vmem>>
    %dma_start3A_324 = tpu.memref_squeeze %dma_start3A_323 : memref<1x80xi32, #tpu.memory_space<vmem>> -> memref<80xi32, #tpu.memory_space<vmem>>
    %dma_start3A_325 = arith.constant 0 : i32
    %dma_start3A_326 = arith.constant 0 : i32
    %dma_start3A_327 = tpu.memref_slice %arg2[%dma_start3A_325, %dma_start3A_326] : memref<10000x128xf32, #tpu.memory_space<hbm>> -> memref<10000x128xf32, #tpu.memory_space<hbm>>
    tpu.enqueue_indirect_dma source(%dma_start3A_327 : memref<10000x128xf32, #tpu.memory_space<hbm>>) target(%arg10 : memref<80x128xf32, #tpu.memory_space<vmem>>) offsets(%dma_start3A_324 : memref<80xi32, #tpu.memory_space<vmem>>) semaphore(%arg15 : memref<!tpu.dma_semaphore, #tpu.memory_space<semaphore_mem>>)
    %dma_wait3A_328 = arith.constant 2 : i32
    %dma_wait3A_329 = arith.constant 0 : i32
    %dma_wait3A_330 = arith.constant 0 : i32
    %dma_wait3A_331 = tpu.memref_slice %arg4[%add3A, %dma_wait3A_328, %dma_wait3A_329, %dma_wait3A_330] : memref<32x5x25x80xi32, #tpu.memory_space<hbm>> -> memref<1x1x25x80xi32, #tpu.memory_space<hbm>>
    %dma_wait3A_332 = tpu.memref_squeeze %dma_wait3A_331 : memref<1x1x25x80xi32, #tpu.memory_space<hbm>> -> memref<25x80xi32, #tpu.memory_space<hbm>>
    %dma_wait3A_333 = arith.constant 0 : i32
    %dma_wait3A_334 = arith.constant 0 : i32
    %dma_wait3A_335 = tpu.memref_slice %arg4[%add3A, %dma_wait3A_328, %dma_wait3A_333, %dma_wait3A_334] : memref<32x5x25x80xi32, #tpu.memory_space<hbm>> -> memref<1x1x25x80xi32, #tpu.memory_space<hbm>>
    %dma_wait3A_336 = tpu.memref_squeeze %dma_wait3A_335 : memref<1x1x25x80xi32, #tpu.memory_space<hbm>> -> memref<25x80xi32, #tpu.memory_space<hbm>>
    tpu.wait_dma2 semaphore(%arg20 : memref<!tpu.dma_semaphore, #tpu.memory_space<semaphore_mem>>) src(%dma_wait3A_336 : memref<25x80xi32, #tpu.memory_space<hbm>>) dst(%arg7 : memref<25x80xi32, #tpu.memory_space<vmem>>)
    %dma_wait3A_337 = arith.constant 0 : i32
    %dma_wait3A_338 = arith.constant 0 : i32
    %dma_wait3A_339 = tpu.memref_slice %arg6[%dma_wait3A_337, %dma_wait3A_338] : memref<25x80xi32, #tpu.memory_space<vmem>> -> memref<1x80xi32, #tpu.memory_space<vmem>>
    %dma_wait3A_340 = tpu.memref_squeeze %dma_wait3A_339 : memref<1x80xi32, #tpu.memory_space<vmem>> -> memref<80xi32, #tpu.memory_space<vmem>>
    %dma_wait3A_341 = arith.constant 0 : i32
    %dma_wait3A_342 = arith.constant 0 : i32
    %dma_wait3A_343 = tpu.memref_slice %arg2[%dma_wait3A_341, %dma_wait3A_342] : memref<10000x128xf32, #tpu.memory_space<hbm>> -> memref<10000x128xf32, #tpu.memory_space<hbm>>
    tpu.wait_indirect_dma semaphore(%arg13 : memref<!tpu.dma_semaphore, #tpu.memory_space<semaphore_mem>>) src(%dma_wait3A_343 : memref<10000x128xf32, #tpu.memory_space<hbm>>) dst(%arg8 : memref<80x128xf32, #tpu.memory_space<vmem>>)
    %dma_start3A_344 = arith.constant 0 : i32
    %dma_start3A_345 = arith.constant 0 : i32
    %dma_start3A_346 = tpu.memref_slice %arg7[%dma_start3A_344, %dma_start3A_345] : memref<25x80xi32, #tpu.memory_space<vmem>> -> memref<1x80xi32, #tpu.memory_space<vmem>>
    %dma_start3A_347 = tpu.memref_squeeze %dma_start3A_346 : memref<1x80xi32, #tpu.memory_space<vmem>> -> memref<80xi32, #tpu.memory_space<vmem>>
    %dma_start3A_348 = arith.constant 0 : i32
    %dma_start3A_349 = arith.constant 0 : i32
    %dma_start3A_350 = tpu.memref_slice %arg12[%dma_start3A_348, %dma_start3A_349] : memref<10112x128xf32, #tpu.memory_space<vmem_shared>> -> memref<10112x128xf32, #tpu.memory_space<vmem_shared>>
    tpu.enqueue_indirect_dma source(%arg8 : memref<80x128xf32, #tpu.memory_space<vmem>>) target(%dma_start3A_350 : memref<10112x128xf32, #tpu.memory_space<vmem_shared>>) offsets(%dma_start3A_347 : memref<80xi32, #tpu.memory_space<vmem>>) semaphore(%arg17 : memref<!tpu.dma_semaphore, #tpu.memory_space<semaphore_mem>>) {add = true}
    %dma_start3A_351 = arith.constant 3 : i32
    %dma_start3A_352 = arith.constant 0 : i32
    %dma_start3A_353 = tpu.memref_slice %arg6[%dma_start3A_351, %dma_start3A_352] : memref<25x80xi32, #tpu.memory_space<vmem>> -> memref<1x80xi32, #tpu.memory_space<vmem>>
    %dma_start3A_354 = tpu.memref_squeeze %dma_start3A_353 : memref<1x80xi32, #tpu.memory_space<vmem>> -> memref<80xi32, #tpu.memory_space<vmem>>
    %dma_start3A_355 = arith.constant 0 : i32
    %dma_start3A_356 = arith.constant 0 : i32
    %dma_start3A_357 = tpu.memref_slice %arg2[%dma_start3A_355, %dma_start3A_356] : memref<10000x128xf32, #tpu.memory_space<hbm>> -> memref<10000x128xf32, #tpu.memory_space<hbm>>
    tpu.enqueue_indirect_dma source(%dma_start3A_357 : memref<10000x128xf32, #tpu.memory_space<hbm>>) target(%arg11 : memref<80x128xf32, #tpu.memory_space<vmem>>) offsets(%dma_start3A_354 : memref<80xi32, #tpu.memory_space<vmem>>) semaphore(%arg16 : memref<!tpu.dma_semaphore, #tpu.memory_space<semaphore_mem>>)
    %scan3A_358 = arith.constant 0 : i32
    %scan3A_359 = arith.constant 0 : i32
    %scan3A_360 = arith.constant 6 : i32
    %scan3A_361 = arith.addi %scan3A_359, %scan3A_360 : i32
    %scan3A_362 = arith.constant 1 : i32
    scf.for %scan3A_554 = %scan3A_359 to %scan3A_361 step %scan3A_362  : i32 {
      %mul3A_555 = arith.constant 4 : i32
      %mul3A_556 = arith.muli %scan3A_554, %mul3A_555 : i32
      %add3A_557 = arith.constant 1 : i32
      %add3A_558 = arith.addi %add3A_557, %mul3A_556 : i32
      %add3A_559 = arith.constant 0 : i32
      %add3A_560 = arith.addi %add3A_558, %add3A_559 : i32
      %dma_wait3A_561 = arith.constant 0 : i32
      %dma_wait3A_562 = tpu.memref_slice %arg6[%add3A_560, %dma_wait3A_561] : memref<25x80xi32, #tpu.memory_space<vmem>> -> memref<1x80xi32, #tpu.memory_space<vmem>>
      %dma_wait3A_563 = tpu.memref_squeeze %dma_wait3A_562 : memref<1x80xi32, #tpu.memory_space<vmem>> -> memref<80xi32, #tpu.memory_space<vmem>>
      %dma_wait3A_564 = arith.constant 0 : i32
      %dma_wait3A_565 = arith.constant 0 : i32
      %dma_wait3A_566 = tpu.memref_slice %arg2[%dma_wait3A_564, %dma_wait3A_565] : memref<10000x128xf32, #tpu.memory_space<hbm>> -> memref<10000x128xf32, #tpu.memory_space<hbm>>
      tpu.wait_indirect_dma semaphore(%arg14 : memref<!tpu.dma_semaphore, #tpu.memory_space<semaphore_mem>>) src(%dma_wait3A_566 : memref<10000x128xf32, #tpu.memory_space<hbm>>) dst(%arg9 : memref<80x128xf32, #tpu.memory_space<vmem>>)
      %sub3A = arith.constant 1 : i32
      %sub3A_567 = arith.subi %add3A_560, %sub3A : i32
      %dma_wait3A_568 = arith.constant 0 : i32
      %dma_wait3A_569 = tpu.memref_slice %arg7[%sub3A_567, %dma_wait3A_568] : memref<25x80xi32, #tpu.memory_space<vmem>> -> memref<1x80xi32, #tpu.memory_space<vmem>>
      %dma_wait3A_570 = tpu.memref_squeeze %dma_wait3A_569 : memref<1x80xi32, #tpu.memory_space<vmem>> -> memref<80xi32, #tpu.memory_space<vmem>>
      %dma_wait3A_571 = arith.constant 0 : i32
      %dma_wait3A_572 = arith.constant 0 : i32
      %dma_wait3A_573 = tpu.memref_slice %arg12[%dma_wait3A_571, %dma_wait3A_572] : memref<10112x128xf32, #tpu.memory_space<vmem_shared>> -> memref<10112x128xf32, #tpu.memory_space<vmem_shared>>
      tpu.wait_indirect_dma semaphore(%arg17 : memref<!tpu.dma_semaphore, #tpu.memory_space<semaphore_mem>>) src(%arg8 : memref<80x128xf32, #tpu.memory_space<vmem>>) dst(%dma_wait3A_573 : memref<10112x128xf32, #tpu.memory_space<vmem_shared>>)
      %dma_start3A_574 = arith.constant 0 : i32
      %dma_start3A_575 = tpu.memref_slice %arg7[%add3A_560, %dma_start3A_574] : memref<25x80xi32, #tpu.memory_space<vmem>> -> memref<1x80xi32, #tpu.memory_space<vmem>>
      %dma_start3A_576 = tpu.memref_squeeze %dma_start3A_575 : memref<1x80xi32, #tpu.memory_space<vmem>> -> memref<80xi32, #tpu.memory_space<vmem>>
      %dma_start3A_577 = arith.constant 0 : i32
      %dma_start3A_578 = arith.constant 0 : i32
      %dma_start3A_579 = tpu.memref_slice %arg12[%dma_start3A_577, %dma_start3A_578] : memref<10112x128xf32, #tpu.memory_space<vmem_shared>> -> memref<10112x128xf32, #tpu.memory_space<vmem_shared>>
      tpu.enqueue_indirect_dma source(%arg9 : memref<80x128xf32, #tpu.memory_space<vmem>>) target(%dma_start3A_579 : memref<10112x128xf32, #tpu.memory_space<vmem_shared>>) offsets(%dma_start3A_576 : memref<80xi32, #tpu.memory_space<vmem>>) semaphore(%arg18 : memref<!tpu.dma_semaphore, #tpu.memory_space<semaphore_mem>>) {add = true}
      %add3A_580 = arith.constant 3 : i32
      %add3A_581 = arith.addi %add3A_560, %add3A_580 : i32
      %lt3A = arith.constant 25 : i32
      %lt3A_582 = arith.cmpi slt, %add3A_581, %lt3A : i32
      %convert_element_type3A = arith.extui %lt3A_582 : i1 to i32
      %cond3A = arith.constant 0 : i32
      %cond3A_583 = arith.cmpi ne, %convert_element_type3A, %cond3A : i32
      scf.if %cond3A_583 {
        %add3A_671 = arith.constant 3 : i32
        %add3A_672 = arith.addi %add3A_560, %add3A_671 : i32
        %dma_start3A_673 = arith.constant 0 : i32
        %dma_start3A_674 = tpu.memref_slice %arg6[%add3A_672, %dma_start3A_673] : memref<25x80xi32, #tpu.memory_space<vmem>> -> memref<1x80xi32, #tpu.memory_space<vmem>>
        %dma_start3A_675 = tpu.memref_squeeze %dma_start3A_674 : memref<1x80xi32, #tpu.memory_space<vmem>> -> memref<80xi32, #tpu.memory_space<vmem>>
        %dma_start3A_676 = arith.constant 0 : i32
        %dma_start3A_677 = arith.constant 0 : i32
        %dma_start3A_678 = tpu.memref_slice %arg2[%dma_start3A_676, %dma_start3A_677] : memref<10000x128xf32, #tpu.memory_space<hbm>> -> memref<10000x128xf32, #tpu.memory_space<hbm>>
        tpu.enqueue_indirect_dma source(%dma_start3A_678 : memref<10000x128xf32, #tpu.memory_space<hbm>>) target(%arg8 : memref<80x128xf32, #tpu.memory_space<vmem>>) offsets(%dma_start3A_675 : memref<80xi32, #tpu.memory_space<vmem>>) semaphore(%arg13 : memref<!tpu.dma_semaphore, #tpu.memory_space<semaphore_mem>>)
      } else {
      }
      %add3A_584 = arith.constant 1 : i32
      %add3A_585 = arith.addi %add3A_558, %add3A_584 : i32
      %dma_wait3A_586 = arith.constant 0 : i32
      %dma_wait3A_587 = tpu.memref_slice %arg6[%add3A_585, %dma_wait3A_586] : memref<25x80xi32, #tpu.memory_space<vmem>> -> memref<1x80xi32, #tpu.memory_space<vmem>>
      %dma_wait3A_588 = tpu.memref_squeeze %dma_wait3A_587 : memref<1x80xi32, #tpu.memory_space<vmem>> -> memref<80xi32, #tpu.memory_space<vmem>>
      %dma_wait3A_589 = arith.constant 0 : i32
      %dma_wait3A_590 = arith.constant 0 : i32
      %dma_wait3A_591 = tpu.memref_slice %arg2[%dma_wait3A_589, %dma_wait3A_590] : memref<10000x128xf32, #tpu.memory_space<hbm>> -> memref<10000x128xf32, #tpu.memory_space<hbm>>
      tpu.wait_indirect_dma semaphore(%arg15 : memref<!tpu.dma_semaphore, #tpu.memory_space<semaphore_mem>>) src(%dma_wait3A_591 : memref<10000x128xf32, #tpu.memory_space<hbm>>) dst(%arg10 : memref<80x128xf32, #tpu.memory_space<vmem>>)
      %sub3A_592 = arith.constant 1 : i32
      %sub3A_593 = arith.subi %add3A_585, %sub3A_592 : i32
      %dma_wait3A_594 = arith.constant 0 : i32
      %dma_wait3A_595 = tpu.memref_slice %arg7[%sub3A_593, %dma_wait3A_594] : memref<25x80xi32, #tpu.memory_space<vmem>> -> memref<1x80xi32, #tpu.memory_space<vmem>>
      %dma_wait3A_596 = tpu.memref_squeeze %dma_wait3A_595 : memref<1x80xi32, #tpu.memory_space<vmem>> -> memref<80xi32, #tpu.memory_space<vmem>>
      %dma_wait3A_597 = arith.constant 0 : i32
      %dma_wait3A_598 = arith.constant 0 : i32
      %dma_wait3A_599 = tpu.memref_slice %arg12[%dma_wait3A_597, %dma_wait3A_598] : memref<10112x128xf32, #tpu.memory_space<vmem_shared>> -> memref<10112x128xf32, #tpu.memory_space<vmem_shared>>
      tpu.wait_indirect_dma semaphore(%arg18 : memref<!tpu.dma_semaphore, #tpu.memory_space<semaphore_mem>>) src(%arg9 : memref<80x128xf32, #tpu.memory_space<vmem>>) dst(%dma_wait3A_599 : memref<10112x128xf32, #tpu.memory_space<vmem_shared>>)
      %dma_start3A_600 = arith.constant 0 : i32
      %dma_start3A_601 = tpu.memref_slice %arg7[%add3A_585, %dma_start3A_600] : memref<25x80xi32, #tpu.memory_space<vmem>> -> memref<1x80xi32, #tpu.memory_space<vmem>>
      %dma_start3A_602 = tpu.memref_squeeze %dma_start3A_601 : memref<1x80xi32, #tpu.memory_space<vmem>> -> memref<80xi32, #tpu.memory_space<vmem>>
      %dma_start3A_603 = arith.constant 0 : i32
      %dma_start3A_604 = arith.constant 0 : i32
      %dma_start3A_605 = tpu.memref_slice %arg12[%dma_start3A_603, %dma_start3A_604] : memref<10112x128xf32, #tpu.memory_space<vmem_shared>> -> memref<10112x128xf32, #tpu.memory_space<vmem_shared>>
      tpu.enqueue_indirect_dma source(%arg10 : memref<80x128xf32, #tpu.memory_space<vmem>>) target(%dma_start3A_605 : memref<10112x128xf32, #tpu.memory_space<vmem_shared>>) offsets(%dma_start3A_602 : memref<80xi32, #tpu.memory_space<vmem>>) semaphore(%arg19 : memref<!tpu.dma_semaphore, #tpu.memory_space<semaphore_mem>>) {add = true}
      %add3A_606 = arith.constant 3 : i32
      %add3A_607 = arith.addi %add3A_585, %add3A_606 : i32
      %lt3A_608 = arith.constant 25 : i32
      %lt3A_609 = arith.cmpi slt, %add3A_607, %lt3A_608 : i32
      %convert_element_type3A_610 = arith.extui %lt3A_609 : i1 to i32
      %cond3A_611 = arith.constant 0 : i32
      %cond3A_612 = arith.cmpi ne, %convert_element_type3A_610, %cond3A_611 : i32
      scf.if %cond3A_612 {
        %add3A_671 = arith.constant 3 : i32
        %add3A_672 = arith.addi %add3A_585, %add3A_671 : i32
        %dma_start3A_673 = arith.constant 0 : i32
        %dma_start3A_674 = tpu.memref_slice %arg6[%add3A_672, %dma_start3A_673] : memref<25x80xi32, #tpu.memory_space<vmem>> -> memref<1x80xi32, #tpu.memory_space<vmem>>
        %dma_start3A_675 = tpu.memref_squeeze %dma_start3A_674 : memref<1x80xi32, #tpu.memory_space<vmem>> -> memref<80xi32, #tpu.memory_space<vmem>>
        %dma_start3A_676 = arith.constant 0 : i32
        %dma_start3A_677 = arith.constant 0 : i32
        %dma_start3A_678 = tpu.memref_slice %arg2[%dma_start3A_676, %dma_start3A_677] : memref<10000x128xf32, #tpu.memory_space<hbm>> -> memref<10000x128xf32, #tpu.memory_space<hbm>>
        tpu.enqueue_indirect_dma source(%dma_start3A_678 : memref<10000x128xf32, #tpu.memory_space<hbm>>) target(%arg9 : memref<80x128xf32, #tpu.memory_space<vmem>>) offsets(%dma_start3A_675 : memref<80xi32, #tpu.memory_space<vmem>>) semaphore(%arg14 : memref<!tpu.dma_semaphore, #tpu.memory_space<semaphore_mem>>)
      } else {
      }
      %add3A_613 = arith.constant 2 : i32
      %add3A_614 = arith.addi %add3A_558, %add3A_613 : i32
      %dma_wait3A_615 = arith.constant 0 : i32
      %dma_wait3A_616 = tpu.memref_slice %arg6[%add3A_614, %dma_wait3A_615] : memref<25x80xi32, #tpu.memory_space<vmem>> -> memref<1x80xi32, #tpu.memory_space<vmem>>
      %dma_wait3A_617 = tpu.memref_squeeze %dma_wait3A_616 : memref<1x80xi32, #tpu.memory_space<vmem>> -> memref<80xi32, #tpu.memory_space<vmem>>
      %dma_wait3A_618 = arith.constant 0 : i32
      %dma_wait3A_619 = arith.constant 0 : i32
      %dma_wait3A_620 = tpu.memref_slice %arg2[%dma_wait3A_618, %dma_wait3A_619] : memref<10000x128xf32, #tpu.memory_space<hbm>> -> memref<10000x128xf32, #tpu.memory_space<hbm>>
      tpu.wait_indirect_dma semaphore(%arg16 : memref<!tpu.dma_semaphore, #tpu.memory_space<semaphore_mem>>) src(%dma_wait3A_620 : memref<10000x128xf32, #tpu.memory_space<hbm>>) dst(%arg11 : memref<80x128xf32, #tpu.memory_space<vmem>>)
      %sub3A_621 = arith.constant 1 : i32
      %sub3A_622 = arith.subi %add3A_614, %sub3A_621 : i32
      %dma_wait3A_623 = arith.constant 0 : i32
      %dma_wait3A_624 = tpu.memref_slice %arg7[%sub3A_622, %dma_wait3A_623] : memref<25x80xi32, #tpu.memory_space<vmem>> -> memref<1x80xi32, #tpu.memory_space<vmem>>
      %dma_wait3A_625 = tpu.memref_squeeze %dma_wait3A_624 : memref<1x80xi32, #tpu.memory_space<vmem>> -> memref<80xi32, #tpu.memory_space<vmem>>
      %dma_wait3A_626 = arith.constant 0 : i32
      %dma_wait3A_627 = arith.constant 0 : i32
      %dma_wait3A_628 = tpu.memref_slice %arg12[%dma_wait3A_626, %dma_wait3A_627] : memref<10112x128xf32, #tpu.memory_space<vmem_shared>> -> memref<10112x128xf32, #tpu.memory_space<vmem_shared>>
      tpu.wait_indirect_dma semaphore(%arg19 : memref<!tpu.dma_semaphore, #tpu.memory_space<semaphore_mem>>) src(%arg10 : memref<80x128xf32, #tpu.memory_space<vmem>>) dst(%dma_wait3A_628 : memref<10112x128xf32, #tpu.memory_space<vmem_shared>>)
      %dma_start3A_629 = arith.constant 0 : i32
      %dma_start3A_630 = tpu.memref_slice %arg7[%add3A_614, %dma_start3A_629] : memref<25x80xi32, #tpu.memory_space<vmem>> -> memref<1x80xi32, #tpu.memory_space<vmem>>
      %dma_start3A_631 = tpu.memref_squeeze %dma_start3A_630 : memref<1x80xi32, #tpu.memory_space<vmem>> -> memref<80xi32, #tpu.memory_space<vmem>>
      %dma_start3A_632 = arith.constant 0 : i32
      %dma_start3A_633 = arith.constant 0 : i32
      %dma_start3A_634 = tpu.memref_slice %arg12[%dma_start3A_632, %dma_start3A_633] : memref<10112x128xf32, #tpu.memory_space<vmem_shared>> -> memref<10112x128xf32, #tpu.memory_space<vmem_shared>>
      tpu.enqueue_indirect_dma source(%arg11 : memref<80x128xf32, #tpu.memory_space<vmem>>) target(%dma_start3A_634 : memref<10112x128xf32, #tpu.memory_space<vmem_shared>>) offsets(%dma_start3A_631 : memref<80xi32, #tpu.memory_space<vmem>>) semaphore(%arg20 : memref<!tpu.dma_semaphore, #tpu.memory_space<semaphore_mem>>) {add = true}
      %add3A_635 = arith.constant 3 : i32
      %add3A_636 = arith.addi %add3A_614, %add3A_635 : i32
      %lt3A_637 = arith.constant 25 : i32
      %lt3A_638 = arith.cmpi slt, %add3A_636, %lt3A_637 : i32
      %convert_element_type3A_639 = arith.extui %lt3A_638 : i1 to i32
      %cond3A_640 = arith.constant 0 : i32
      %cond3A_641 = arith.cmpi ne, %convert_element_type3A_639, %cond3A_640 : i32
      scf.if %cond3A_641 {
        %add3A_671 = arith.constant 3 : i32
        %add3A_672 = arith.addi %add3A_614, %add3A_671 : i32
        %dma_start3A_673 = arith.constant 0 : i32
        %dma_start3A_674 = tpu.memref_slice %arg6[%add3A_672, %dma_start3A_673] : memref<25x80xi32, #tpu.memory_space<vmem>> -> memref<1x80xi32, #tpu.memory_space<vmem>>
        %dma_start3A_675 = tpu.memref_squeeze %dma_start3A_674 : memref<1x80xi32, #tpu.memory_space<vmem>> -> memref<80xi32, #tpu.memory_space<vmem>>
        %dma_start3A_676 = arith.constant 0 : i32
        %dma_start3A_677 = arith.constant 0 : i32
        %dma_start3A_678 = tpu.memref_slice %arg2[%dma_start3A_676, %dma_start3A_677] : memref<10000x128xf32, #tpu.memory_space<hbm>> -> memref<10000x128xf32, #tpu.memory_space<hbm>>
        tpu.enqueue_indirect_dma source(%dma_start3A_678 : memref<10000x128xf32, #tpu.memory_space<hbm>>) target(%arg10 : memref<80x128xf32, #tpu.memory_space<vmem>>) offsets(%dma_start3A_675 : memref<80xi32, #tpu.memory_space<vmem>>) semaphore(%arg15 : memref<!tpu.dma_semaphore, #tpu.memory_space<semaphore_mem>>)
      } else {
      }
      %add3A_642 = arith.constant 3 : i32
      %add3A_643 = arith.addi %add3A_558, %add3A_642 : i32
      %dma_wait3A_644 = arith.constant 0 : i32
      %dma_wait3A_645 = tpu.memref_slice %arg6[%add3A_643, %dma_wait3A_644] : memref<25x80xi32, #tpu.memory_space<vmem>> -> memref<1x80xi32, #tpu.memory_space<vmem>>
      %dma_wait3A_646 = tpu.memref_squeeze %dma_wait3A_645 : memref<1x80xi32, #tpu.memory_space<vmem>> -> memref<80xi32, #tpu.memory_space<vmem>>
      %dma_wait3A_647 = arith.constant 0 : i32
      %dma_wait3A_648 = arith.constant 0 : i32
      %dma_wait3A_649 = tpu.memref_slice %arg2[%dma_wait3A_647, %dma_wait3A_648] : memref<10000x128xf32, #tpu.memory_space<hbm>> -> memref<10000x128xf32, #tpu.memory_space<hbm>>
      tpu.wait_indirect_dma semaphore(%arg13 : memref<!tpu.dma_semaphore, #tpu.memory_space<semaphore_mem>>) src(%dma_wait3A_649 : memref<10000x128xf32, #tpu.memory_space<hbm>>) dst(%arg8 : memref<80x128xf32, #tpu.memory_space<vmem>>)
      %sub3A_650 = arith.constant 1 : i32
      %sub3A_651 = arith.subi %add3A_643, %sub3A_650 : i32
      %dma_wait3A_652 = arith.constant 0 : i32
      %dma_wait3A_653 = tpu.memref_slice %arg7[%sub3A_651, %dma_wait3A_652] : memref<25x80xi32, #tpu.memory_space<vmem>> -> memref<1x80xi32, #tpu.memory_space<vmem>>
      %dma_wait3A_654 = tpu.memref_squeeze %dma_wait3A_653 : memref<1x80xi32, #tpu.memory_space<vmem>> -> memref<80xi32, #tpu.memory_space<vmem>>
      %dma_wait3A_655 = arith.constant 0 : i32
      %dma_wait3A_656 = arith.constant 0 : i32
      %dma_wait3A_657 = tpu.memref_slice %arg12[%dma_wait3A_655, %dma_wait3A_656] : memref<10112x128xf32, #tpu.memory_space<vmem_shared>> -> memref<10112x128xf32, #tpu.memory_space<vmem_shared>>
      tpu.wait_indirect_dma semaphore(%arg20 : memref<!tpu.dma_semaphore, #tpu.memory_space<semaphore_mem>>) src(%arg11 : memref<80x128xf32, #tpu.memory_space<vmem>>) dst(%dma_wait3A_657 : memref<10112x128xf32, #tpu.memory_space<vmem_shared>>)
      %dma_start3A_658 = arith.constant 0 : i32
      %dma_start3A_659 = tpu.memref_slice %arg7[%add3A_643, %dma_start3A_658] : memref<25x80xi32, #tpu.memory_space<vmem>> -> memref<1x80xi32, #tpu.memory_space<vmem>>
      %dma_start3A_660 = tpu.memref_squeeze %dma_start3A_659 : memref<1x80xi32, #tpu.memory_space<vmem>> -> memref<80xi32, #tpu.memory_space<vmem>>
      %dma_start3A_661 = arith.constant 0 : i32
      %dma_start3A_662 = arith.constant 0 : i32
      %dma_start3A_663 = tpu.memref_slice %arg12[%dma_start3A_661, %dma_start3A_662] : memref<10112x128xf32, #tpu.memory_space<vmem_shared>> -> memref<10112x128xf32, #tpu.memory_space<vmem_shared>>
      tpu.enqueue_indirect_dma source(%arg8 : memref<80x128xf32, #tpu.memory_space<vmem>>) target(%dma_start3A_663 : memref<10112x128xf32, #tpu.memory_space<vmem_shared>>) offsets(%dma_start3A_660 : memref<80xi32, #tpu.memory_space<vmem>>) semaphore(%arg17 : memref<!tpu.dma_semaphore, #tpu.memory_space<semaphore_mem>>) {add = true}
      %add3A_664 = arith.constant 3 : i32
      %add3A_665 = arith.addi %add3A_643, %add3A_664 : i32
      %lt3A_666 = arith.constant 25 : i32
      %lt3A_667 = arith.cmpi slt, %add3A_665, %lt3A_666 : i32
      %convert_element_type3A_668 = arith.extui %lt3A_667 : i1 to i32
      %cond3A_669 = arith.constant 0 : i32
      %cond3A_670 = arith.cmpi ne, %convert_element_type3A_668, %cond3A_669 : i32
      scf.if %cond3A_670 {
        %add3A_671 = arith.constant 3 : i32
        %add3A_672 = arith.addi %add3A_643, %add3A_671 : i32
        %dma_start3A_673 = arith.constant 0 : i32
        %dma_start3A_674 = tpu.memref_slice %arg6[%add3A_672, %dma_start3A_673] : memref<25x80xi32, #tpu.memory_space<vmem>> -> memref<1x80xi32, #tpu.memory_space<vmem>>
        %dma_start3A_675 = tpu.memref_squeeze %dma_start3A_674 : memref<1x80xi32, #tpu.memory_space<vmem>> -> memref<80xi32, #tpu.memory_space<vmem>>
        %dma_start3A_676 = arith.constant 0 : i32
        %dma_start3A_677 = arith.constant 0 : i32
        %dma_start3A_678 = tpu.memref_slice %arg2[%dma_start3A_676, %dma_start3A_677] : memref<10000x128xf32, #tpu.memory_space<hbm>> -> memref<10000x128xf32, #tpu.memory_space<hbm>>
        tpu.enqueue_indirect_dma source(%dma_start3A_678 : memref<10000x128xf32, #tpu.memory_space<hbm>>) target(%arg11 : memref<80x128xf32, #tpu.memory_space<vmem>>) offsets(%dma_start3A_675 : memref<80xi32, #tpu.memory_space<vmem>>) semaphore(%arg16 : memref<!tpu.dma_semaphore, #tpu.memory_space<semaphore_mem>>)
      } else {
      }
    }
    %scan3A_363 = arith.constant 6 : i32
    %dma_wait3A_364 = arith.constant 24 : i32
    %dma_wait3A_365 = arith.constant 0 : i32
    %dma_wait3A_366 = tpu.memref_slice %arg7[%dma_wait3A_364, %dma_wait3A_365] : memref<25x80xi32, #tpu.memory_space<vmem>> -> memref<1x80xi32, #tpu.memory_space<vmem>>
    %dma_wait3A_367 = tpu.memref_squeeze %dma_wait3A_366 : memref<1x80xi32, #tpu.memory_space<vmem>> -> memref<80xi32, #tpu.memory_space<vmem>>
    %dma_wait3A_368 = arith.constant 0 : i32
    %dma_wait3A_369 = arith.constant 0 : i32
    %dma_wait3A_370 = tpu.memref_slice %arg12[%dma_wait3A_368, %dma_wait3A_369] : memref<10112x128xf32, #tpu.memory_space<vmem_shared>> -> memref<10112x128xf32, #tpu.memory_space<vmem_shared>>
    tpu.wait_indirect_dma semaphore(%arg17 : memref<!tpu.dma_semaphore, #tpu.memory_space<semaphore_mem>>) src(%arg8 : memref<80x128xf32, #tpu.memory_space<vmem>>) dst(%dma_wait3A_370 : memref<10112x128xf32, #tpu.memory_space<vmem_shared>>)
    %dma_start3A_371 = arith.constant 3 : i32
    %dma_start3A_372 = arith.constant 0 : i32
    %dma_start3A_373 = arith.constant 0 : i32
    %dma_start3A_374 = tpu.memref_slice %arg3[%add3A, %dma_start3A_371, %dma_start3A_372, %dma_start3A_373] : memref<32x5x25x80xi32, #tpu.memory_space<hbm>> -> memref<1x1x25x80xi32, #tpu.memory_space<hbm>>
    %dma_start3A_375 = tpu.memref_squeeze %dma_start3A_374 : memref<1x1x25x80xi32, #tpu.memory_space<hbm>> -> memref<25x80xi32, #tpu.memory_space<hbm>>
    %dma_start3A_376 = arith.constant 0 : i32
    %dma_start3A_377 = arith.constant 0 : i32
    %dma_start3A_378 = tpu.memref_slice %arg3[%add3A, %dma_start3A_371, %dma_start3A_376, %dma_start3A_377] : memref<32x5x25x80xi32, #tpu.memory_space<hbm>> -> memref<1x1x25x80xi32, #tpu.memory_space<hbm>>
    %dma_start3A_379 = tpu.memref_squeeze %dma_start3A_378 : memref<1x1x25x80xi32, #tpu.memory_space<hbm>> -> memref<25x80xi32, #tpu.memory_space<hbm>>
    tpu.enqueue_dma source(%dma_start3A_379 : memref<25x80xi32, #tpu.memory_space<hbm>>) target(%arg6 : memref<25x80xi32, #tpu.memory_space<vmem>>) target_semaphore(%arg19 : memref<!tpu.dma_semaphore, #tpu.memory_space<semaphore_mem>>)
    %dma_start3A_380 = arith.constant 3 : i32
    %dma_start3A_381 = arith.constant 0 : i32
    %dma_start3A_382 = arith.constant 0 : i32
    %dma_start3A_383 = tpu.memref_slice %arg4[%add3A, %dma_start3A_380, %dma_start3A_381, %dma_start3A_382] : memref<32x5x25x80xi32, #tpu.memory_space<hbm>> -> memref<1x1x25x80xi32, #tpu.memory_space<hbm>>
    %dma_start3A_384 = tpu.memref_squeeze %dma_start3A_383 : memref<1x1x25x80xi32, #tpu.memory_space<hbm>> -> memref<25x80xi32, #tpu.memory_space<hbm>>
    %dma_start3A_385 = arith.constant 0 : i32
    %dma_start3A_386 = arith.constant 0 : i32
    %dma_start3A_387 = tpu.memref_slice %arg4[%add3A, %dma_start3A_380, %dma_start3A_385, %dma_start3A_386] : memref<32x5x25x80xi32, #tpu.memory_space<hbm>> -> memref<1x1x25x80xi32, #tpu.memory_space<hbm>>
    %dma_start3A_388 = tpu.memref_squeeze %dma_start3A_387 : memref<1x1x25x80xi32, #tpu.memory_space<hbm>> -> memref<25x80xi32, #tpu.memory_space<hbm>>
    tpu.enqueue_dma source(%dma_start3A_388 : memref<25x80xi32, #tpu.memory_space<hbm>>) target(%arg7 : memref<25x80xi32, #tpu.memory_space<vmem>>) target_semaphore(%arg20 : memref<!tpu.dma_semaphore, #tpu.memory_space<semaphore_mem>>)
    %dma_wait3A_389 = arith.constant 3 : i32
    %dma_wait3A_390 = arith.constant 0 : i32
    %dma_wait3A_391 = arith.constant 0 : i32
    %dma_wait3A_392 = tpu.memref_slice %arg3[%add3A, %dma_wait3A_389, %dma_wait3A_390, %dma_wait3A_391] : memref<32x5x25x80xi32, #tpu.memory_space<hbm>> -> memref<1x1x25x80xi32, #tpu.memory_space<hbm>>
    %dma_wait3A_393 = tpu.memref_squeeze %dma_wait3A_392 : memref<1x1x25x80xi32, #tpu.memory_space<hbm>> -> memref<25x80xi32, #tpu.memory_space<hbm>>
    %dma_wait3A_394 = arith.constant 0 : i32
    %dma_wait3A_395 = arith.constant 0 : i32
    %dma_wait3A_396 = tpu.memref_slice %arg3[%add3A, %dma_wait3A_389, %dma_wait3A_394, %dma_wait3A_395] : memref<32x5x25x80xi32, #tpu.memory_space<hbm>> -> memref<1x1x25x80xi32, #tpu.memory_space<hbm>>
    %dma_wait3A_397 = tpu.memref_squeeze %dma_wait3A_396 : memref<1x1x25x80xi32, #tpu.memory_space<hbm>> -> memref<25x80xi32, #tpu.memory_space<hbm>>
    tpu.wait_dma2 semaphore(%arg19 : memref<!tpu.dma_semaphore, #tpu.memory_space<semaphore_mem>>) src(%dma_wait3A_397 : memref<25x80xi32, #tpu.memory_space<hbm>>) dst(%arg6 : memref<25x80xi32, #tpu.memory_space<vmem>>)
    %dma_start3A_398 = arith.constant 0 : i32
    %dma_start3A_399 = arith.constant 0 : i32
    %dma_start3A_400 = tpu.memref_slice %arg6[%dma_start3A_398, %dma_start3A_399] : memref<25x80xi32, #tpu.memory_space<vmem>> -> memref<1x80xi32, #tpu.memory_space<vmem>>
    %dma_start3A_401 = tpu.memref_squeeze %dma_start3A_400 : memref<1x80xi32, #tpu.memory_space<vmem>> -> memref<80xi32, #tpu.memory_space<vmem>>
    %dma_start3A_402 = arith.constant 0 : i32
    %dma_start3A_403 = arith.constant 0 : i32
    %dma_start3A_404 = tpu.memref_slice %arg2[%dma_start3A_402, %dma_start3A_403] : memref<10000x128xf32, #tpu.memory_space<hbm>> -> memref<10000x128xf32, #tpu.memory_space<hbm>>
    tpu.enqueue_indirect_dma source(%dma_start3A_404 : memref<10000x128xf32, #tpu.memory_space<hbm>>) target(%arg8 : memref<80x128xf32, #tpu.memory_space<vmem>>) offsets(%dma_start3A_401 : memref<80xi32, #tpu.memory_space<vmem>>) semaphore(%arg13 : memref<!tpu.dma_semaphore, #tpu.memory_space<semaphore_mem>>)
    %dma_start3A_405 = arith.constant 1 : i32
    %dma_start3A_406 = arith.constant 0 : i32
    %dma_start3A_407 = tpu.memref_slice %arg6[%dma_start3A_405, %dma_start3A_406] : memref<25x80xi32, #tpu.memory_space<vmem>> -> memref<1x80xi32, #tpu.memory_space<vmem>>
    %dma_start3A_408 = tpu.memref_squeeze %dma_start3A_407 : memref<1x80xi32, #tpu.memory_space<vmem>> -> memref<80xi32, #tpu.memory_space<vmem>>
    %dma_start3A_409 = arith.constant 0 : i32
    %dma_start3A_410 = arith.constant 0 : i32
    %dma_start3A_411 = tpu.memref_slice %arg2[%dma_start3A_409, %dma_start3A_410] : memref<10000x128xf32, #tpu.memory_space<hbm>> -> memref<10000x128xf32, #tpu.memory_space<hbm>>
    tpu.enqueue_indirect_dma source(%dma_start3A_411 : memref<10000x128xf32, #tpu.memory_space<hbm>>) target(%arg9 : memref<80x128xf32, #tpu.memory_space<vmem>>) offsets(%dma_start3A_408 : memref<80xi32, #tpu.memory_space<vmem>>) semaphore(%arg14 : memref<!tpu.dma_semaphore, #tpu.memory_space<semaphore_mem>>)
    %dma_start3A_412 = arith.constant 2 : i32
    %dma_start3A_413 = arith.constant 0 : i32
    %dma_start3A_414 = tpu.memref_slice %arg6[%dma_start3A_412, %dma_start3A_413] : memref<25x80xi32, #tpu.memory_space<vmem>> -> memref<1x80xi32, #tpu.memory_space<vmem>>
    %dma_start3A_415 = tpu.memref_squeeze %dma_start3A_414 : memref<1x80xi32, #tpu.memory_space<vmem>> -> memref<80xi32, #tpu.memory_space<vmem>>
    %dma_start3A_416 = arith.constant 0 : i32
    %dma_start3A_417 = arith.constant 0 : i32
    %dma_start3A_418 = tpu.memref_slice %arg2[%dma_start3A_416, %dma_start3A_417] : memref<10000x128xf32, #tpu.memory_space<hbm>> -> memref<10000x128xf32, #tpu.memory_space<hbm>>
    tpu.enqueue_indirect_dma source(%dma_start3A_418 : memref<10000x128xf32, #tpu.memory_space<hbm>>) target(%arg10 : memref<80x128xf32, #tpu.memory_space<vmem>>) offsets(%dma_start3A_415 : memref<80xi32, #tpu.memory_space<vmem>>) semaphore(%arg15 : memref<!tpu.dma_semaphore, #tpu.memory_space<semaphore_mem>>)
    %dma_wait3A_419 = arith.constant 3 : i32
    %dma_wait3A_420 = arith.constant 0 : i32
    %dma_wait3A_421 = arith.constant 0 : i32
    %dma_wait3A_422 = tpu.memref_slice %arg4[%add3A, %dma_wait3A_419, %dma_wait3A_420, %dma_wait3A_421] : memref<32x5x25x80xi32, #tpu.memory_space<hbm>> -> memref<1x1x25x80xi32, #tpu.memory_space<hbm>>
    %dma_wait3A_423 = tpu.memref_squeeze %dma_wait3A_422 : memref<1x1x25x80xi32, #tpu.memory_space<hbm>> -> memref<25x80xi32, #tpu.memory_space<hbm>>
    %dma_wait3A_424 = arith.constant 0 : i32
    %dma_wait3A_425 = arith.constant 0 : i32
    %dma_wait3A_426 = tpu.memref_slice %arg4[%add3A, %dma_wait3A_419, %dma_wait3A_424, %dma_wait3A_425] : memref<32x5x25x80xi32, #tpu.memory_space<hbm>> -> memref<1x1x25x80xi32, #tpu.memory_space<hbm>>
    %dma_wait3A_427 = tpu.memref_squeeze %dma_wait3A_426 : memref<1x1x25x80xi32, #tpu.memory_space<hbm>> -> memref<25x80xi32, #tpu.memory_space<hbm>>
    tpu.wait_dma2 semaphore(%arg20 : memref<!tpu.dma_semaphore, #tpu.memory_space<semaphore_mem>>) src(%dma_wait3A_427 : memref<25x80xi32, #tpu.memory_space<hbm>>) dst(%arg7 : memref<25x80xi32, #tpu.memory_space<vmem>>)
    %dma_wait3A_428 = arith.constant 0 : i32
    %dma_wait3A_429 = arith.constant 0 : i32
    %dma_wait3A_430 = tpu.memref_slice %arg6[%dma_wait3A_428, %dma_wait3A_429] : memref<25x80xi32, #tpu.memory_space<vmem>> -> memref<1x80xi32, #tpu.memory_space<vmem>>
    %dma_wait3A_431 = tpu.memref_squeeze %dma_wait3A_430 : memref<1x80xi32, #tpu.memory_space<vmem>> -> memref<80xi32, #tpu.memory_space<vmem>>
    %dma_wait3A_432 = arith.constant 0 : i32
    %dma_wait3A_433 = arith.constant 0 : i32
    %dma_wait3A_434 = tpu.memref_slice %arg2[%dma_wait3A_432, %dma_wait3A_433] : memref<10000x128xf32, #tpu.memory_space<hbm>> -> memref<10000x128xf32, #tpu.memory_space<hbm>>
    tpu.wait_indirect_dma semaphore(%arg13 : memref<!tpu.dma_semaphore, #tpu.memory_space<semaphore_mem>>) src(%dma_wait3A_434 : memref<10000x128xf32, #tpu.memory_space<hbm>>) dst(%arg8 : memref<80x128xf32, #tpu.memory_space<vmem>>)
    %dma_start3A_435 = arith.constant 0 : i32
    %dma_start3A_436 = arith.constant 0 : i32
    %dma_start3A_437 = tpu.memref_slice %arg7[%dma_start3A_435, %dma_start3A_436] : memref<25x80xi32, #tpu.memory_space<vmem>> -> memref<1x80xi32, #tpu.memory_space<vmem>>
    %dma_start3A_438 = tpu.memref_squeeze %dma_start3A_437 : memref<1x80xi32, #tpu.memory_space<vmem>> -> memref<80xi32, #tpu.memory_space<vmem>>
    %dma_start3A_439 = arith.constant 0 : i32
    %dma_start3A_440 = arith.constant 0 : i32
    %dma_start3A_441 = tpu.memref_slice %arg12[%dma_start3A_439, %dma_start3A_440] : memref<10112x128xf32, #tpu.memory_space<vmem_shared>> -> memref<10112x128xf32, #tpu.memory_space<vmem_shared>>
    tpu.enqueue_indirect_dma source(%arg8 : memref<80x128xf32, #tpu.memory_space<vmem>>) target(%dma_start3A_441 : memref<10112x128xf32, #tpu.memory_space<vmem_shared>>) offsets(%dma_start3A_438 : memref<80xi32, #tpu.memory_space<vmem>>) semaphore(%arg17 : memref<!tpu.dma_semaphore, #tpu.memory_space<semaphore_mem>>) {add = true}
    %dma_start3A_442 = arith.constant 3 : i32
    %dma_start3A_443 = arith.constant 0 : i32
    %dma_start3A_444 = tpu.memref_slice %arg6[%dma_start3A_442, %dma_start3A_443] : memref<25x80xi32, #tpu.memory_space<vmem>> -> memref<1x80xi32, #tpu.memory_space<vmem>>
    %dma_start3A_445 = tpu.memref_squeeze %dma_start3A_444 : memref<1x80xi32, #tpu.memory_space<vmem>> -> memref<80xi32, #tpu.memory_space<vmem>>
    %dma_start3A_446 = arith.constant 0 : i32
    %dma_start3A_447 = arith.constant 0 : i32
    %dma_start3A_448 = tpu.memref_slice %arg2[%dma_start3A_446, %dma_start3A_447] : memref<10000x128xf32, #tpu.memory_space<hbm>> -> memref<10000x128xf32, #tpu.memory_space<hbm>>
    tpu.enqueue_indirect_dma source(%dma_start3A_448 : memref<10000x128xf32, #tpu.memory_space<hbm>>) target(%arg11 : memref<80x128xf32, #tpu.memory_space<vmem>>) offsets(%dma_start3A_445 : memref<80xi32, #tpu.memory_space<vmem>>) semaphore(%arg16 : memref<!tpu.dma_semaphore, #tpu.memory_space<semaphore_mem>>)
    %scan3A_449 = arith.constant 0 : i32
    %scan3A_450 = arith.constant 0 : i32
    %scan3A_451 = arith.constant 6 : i32
    %scan3A_452 = arith.addi %scan3A_450, %scan3A_451 : i32
    %scan3A_453 = arith.constant 1 : i32
    scf.for %scan3A_554 = %scan3A_450 to %scan3A_452 step %scan3A_453  : i32 {
      %mul3A_555 = arith.constant 4 : i32
      %mul3A_556 = arith.muli %scan3A_554, %mul3A_555 : i32
      %add3A_557 = arith.constant 1 : i32
      %add3A_558 = arith.addi %add3A_557, %mul3A_556 : i32
      %add3A_559 = arith.constant 0 : i32
      %add3A_560 = arith.addi %add3A_558, %add3A_559 : i32
      %dma_wait3A_561 = arith.constant 0 : i32
      %dma_wait3A_562 = tpu.memref_slice %arg6[%add3A_560, %dma_wait3A_561] : memref<25x80xi32, #tpu.memory_space<vmem>> -> memref<1x80xi32, #tpu.memory_space<vmem>>
      %dma_wait3A_563 = tpu.memref_squeeze %dma_wait3A_562 : memref<1x80xi32, #tpu.memory_space<vmem>> -> memref<80xi32, #tpu.memory_space<vmem>>
      %dma_wait3A_564 = arith.constant 0 : i32
      %dma_wait3A_565 = arith.constant 0 : i32
      %dma_wait3A_566 = tpu.memref_slice %arg2[%dma_wait3A_564, %dma_wait3A_565] : memref<10000x128xf32, #tpu.memory_space<hbm>> -> memref<10000x128xf32, #tpu.memory_space<hbm>>
      tpu.wait_indirect_dma semaphore(%arg14 : memref<!tpu.dma_semaphore, #tpu.memory_space<semaphore_mem>>) src(%dma_wait3A_566 : memref<10000x128xf32, #tpu.memory_space<hbm>>) dst(%arg9 : memref<80x128xf32, #tpu.memory_space<vmem>>)
      %sub3A = arith.constant 1 : i32
      %sub3A_567 = arith.subi %add3A_560, %sub3A : i32
      %dma_wait3A_568 = arith.constant 0 : i32
      %dma_wait3A_569 = tpu.memref_slice %arg7[%sub3A_567, %dma_wait3A_568] : memref<25x80xi32, #tpu.memory_space<vmem>> -> memref<1x80xi32, #tpu.memory_space<vmem>>
      %dma_wait3A_570 = tpu.memref_squeeze %dma_wait3A_569 : memref<1x80xi32, #tpu.memory_space<vmem>> -> memref<80xi32, #tpu.memory_space<vmem>>
      %dma_wait3A_571 = arith.constant 0 : i32
      %dma_wait3A_572 = arith.constant 0 : i32
      %dma_wait3A_573 = tpu.memref_slice %arg12[%dma_wait3A_571, %dma_wait3A_572] : memref<10112x128xf32, #tpu.memory_space<vmem_shared>> -> memref<10112x128xf32, #tpu.memory_space<vmem_shared>>
      tpu.wait_indirect_dma semaphore(%arg17 : memref<!tpu.dma_semaphore, #tpu.memory_space<semaphore_mem>>) src(%arg8 : memref<80x128xf32, #tpu.memory_space<vmem>>) dst(%dma_wait3A_573 : memref<10112x128xf32, #tpu.memory_space<vmem_shared>>)
      %dma_start3A_574 = arith.constant 0 : i32
      %dma_start3A_575 = tpu.memref_slice %arg7[%add3A_560, %dma_start3A_574] : memref<25x80xi32, #tpu.memory_space<vmem>> -> memref<1x80xi32, #tpu.memory_space<vmem>>
      %dma_start3A_576 = tpu.memref_squeeze %dma_start3A_575 : memref<1x80xi32, #tpu.memory_space<vmem>> -> memref<80xi32, #tpu.memory_space<vmem>>
      %dma_start3A_577 = arith.constant 0 : i32
      %dma_start3A_578 = arith.constant 0 : i32
      %dma_start3A_579 = tpu.memref_slice %arg12[%dma_start3A_577, %dma_start3A_578] : memref<10112x128xf32, #tpu.memory_space<vmem_shared>> -> memref<10112x128xf32, #tpu.memory_space<vmem_shared>>
      tpu.enqueue_indirect_dma source(%arg9 : memref<80x128xf32, #tpu.memory_space<vmem>>) target(%dma_start3A_579 : memref<10112x128xf32, #tpu.memory_space<vmem_shared>>) offsets(%dma_start3A_576 : memref<80xi32, #tpu.memory_space<vmem>>) semaphore(%arg18 : memref<!tpu.dma_semaphore, #tpu.memory_space<semaphore_mem>>) {add = true}
      %add3A_580 = arith.constant 3 : i32
      %add3A_581 = arith.addi %add3A_560, %add3A_580 : i32
      %lt3A = arith.constant 25 : i32
      %lt3A_582 = arith.cmpi slt, %add3A_581, %lt3A : i32
      %convert_element_type3A = arith.extui %lt3A_582 : i1 to i32
      %cond3A = arith.constant 0 : i32
      %cond3A_583 = arith.cmpi ne, %convert_element_type3A, %cond3A : i32
      scf.if %cond3A_583 {
        %add3A_671 = arith.constant 3 : i32
        %add3A_672 = arith.addi %add3A_560, %add3A_671 : i32
        %dma_start3A_673 = arith.constant 0 : i32
        %dma_start3A_674 = tpu.memref_slice %arg6[%add3A_672, %dma_start3A_673] : memref<25x80xi32, #tpu.memory_space<vmem>> -> memref<1x80xi32, #tpu.memory_space<vmem>>
        %dma_start3A_675 = tpu.memref_squeeze %dma_start3A_674 : memref<1x80xi32, #tpu.memory_space<vmem>> -> memref<80xi32, #tpu.memory_space<vmem>>
        %dma_start3A_676 = arith.constant 0 : i32
        %dma_start3A_677 = arith.constant 0 : i32
        %dma_start3A_678 = tpu.memref_slice %arg2[%dma_start3A_676, %dma_start3A_677] : memref<10000x128xf32, #tpu.memory_space<hbm>> -> memref<10000x128xf32, #tpu.memory_space<hbm>>
        tpu.enqueue_indirect_dma source(%dma_start3A_678 : memref<10000x128xf32, #tpu.memory_space<hbm>>) target(%arg8 : memref<80x128xf32, #tpu.memory_space<vmem>>) offsets(%dma_start3A_675 : memref<80xi32, #tpu.memory_space<vmem>>) semaphore(%arg13 : memref<!tpu.dma_semaphore, #tpu.memory_space<semaphore_mem>>)
      } else {
      }
      %add3A_584 = arith.constant 1 : i32
      %add3A_585 = arith.addi %add3A_558, %add3A_584 : i32
      %dma_wait3A_586 = arith.constant 0 : i32
      %dma_wait3A_587 = tpu.memref_slice %arg6[%add3A_585, %dma_wait3A_586] : memref<25x80xi32, #tpu.memory_space<vmem>> -> memref<1x80xi32, #tpu.memory_space<vmem>>
      %dma_wait3A_588 = tpu.memref_squeeze %dma_wait3A_587 : memref<1x80xi32, #tpu.memory_space<vmem>> -> memref<80xi32, #tpu.memory_space<vmem>>
      %dma_wait3A_589 = arith.constant 0 : i32
      %dma_wait3A_590 = arith.constant 0 : i32
      %dma_wait3A_591 = tpu.memref_slice %arg2[%dma_wait3A_589, %dma_wait3A_590] : memref<10000x128xf32, #tpu.memory_space<hbm>> -> memref<10000x128xf32, #tpu.memory_space<hbm>>
      tpu.wait_indirect_dma semaphore(%arg15 : memref<!tpu.dma_semaphore, #tpu.memory_space<semaphore_mem>>) src(%dma_wait3A_591 : memref<10000x128xf32, #tpu.memory_space<hbm>>) dst(%arg10 : memref<80x128xf32, #tpu.memory_space<vmem>>)
      %sub3A_592 = arith.constant 1 : i32
      %sub3A_593 = arith.subi %add3A_585, %sub3A_592 : i32
      %dma_wait3A_594 = arith.constant 0 : i32
      %dma_wait3A_595 = tpu.memref_slice %arg7[%sub3A_593, %dma_wait3A_594] : memref<25x80xi32, #tpu.memory_space<vmem>> -> memref<1x80xi32, #tpu.memory_space<vmem>>
      %dma_wait3A_596 = tpu.memref_squeeze %dma_wait3A_595 : memref<1x80xi32, #tpu.memory_space<vmem>> -> memref<80xi32, #tpu.memory_space<vmem>>
      %dma_wait3A_597 = arith.constant 0 : i32
      %dma_wait3A_598 = arith.constant 0 : i32
      %dma_wait3A_599 = tpu.memref_slice %arg12[%dma_wait3A_597, %dma_wait3A_598] : memref<10112x128xf32, #tpu.memory_space<vmem_shared>> -> memref<10112x128xf32, #tpu.memory_space<vmem_shared>>
      tpu.wait_indirect_dma semaphore(%arg18 : memref<!tpu.dma_semaphore, #tpu.memory_space<semaphore_mem>>) src(%arg9 : memref<80x128xf32, #tpu.memory_space<vmem>>) dst(%dma_wait3A_599 : memref<10112x128xf32, #tpu.memory_space<vmem_shared>>)
      %dma_start3A_600 = arith.constant 0 : i32
      %dma_start3A_601 = tpu.memref_slice %arg7[%add3A_585, %dma_start3A_600] : memref<25x80xi32, #tpu.memory_space<vmem>> -> memref<1x80xi32, #tpu.memory_space<vmem>>
      %dma_start3A_602 = tpu.memref_squeeze %dma_start3A_601 : memref<1x80xi32, #tpu.memory_space<vmem>> -> memref<80xi32, #tpu.memory_space<vmem>>
      %dma_start3A_603 = arith.constant 0 : i32
      %dma_start3A_604 = arith.constant 0 : i32
      %dma_start3A_605 = tpu.memref_slice %arg12[%dma_start3A_603, %dma_start3A_604] : memref<10112x128xf32, #tpu.memory_space<vmem_shared>> -> memref<10112x128xf32, #tpu.memory_space<vmem_shared>>
      tpu.enqueue_indirect_dma source(%arg10 : memref<80x128xf32, #tpu.memory_space<vmem>>) target(%dma_start3A_605 : memref<10112x128xf32, #tpu.memory_space<vmem_shared>>) offsets(%dma_start3A_602 : memref<80xi32, #tpu.memory_space<vmem>>) semaphore(%arg19 : memref<!tpu.dma_semaphore, #tpu.memory_space<semaphore_mem>>) {add = true}
      %add3A_606 = arith.constant 3 : i32
      %add3A_607 = arith.addi %add3A_585, %add3A_606 : i32
      %lt3A_608 = arith.constant 25 : i32
      %lt3A_609 = arith.cmpi slt, %add3A_607, %lt3A_608 : i32
      %convert_element_type3A_610 = arith.extui %lt3A_609 : i1 to i32
      %cond3A_611 = arith.constant 0 : i32
      %cond3A_612 = arith.cmpi ne, %convert_element_type3A_610, %cond3A_611 : i32
      scf.if %cond3A_612 {
        %add3A_671 = arith.constant 3 : i32
        %add3A_672 = arith.addi %add3A_585, %add3A_671 : i32
        %dma_start3A_673 = arith.constant 0 : i32
        %dma_start3A_674 = tpu.memref_slice %arg6[%add3A_672, %dma_start3A_673] : memref<25x80xi32, #tpu.memory_space<vmem>> -> memref<1x80xi32, #tpu.memory_space<vmem>>
        %dma_start3A_675 = tpu.memref_squeeze %dma_start3A_674 : memref<1x80xi32, #tpu.memory_space<vmem>> -> memref<80xi32, #tpu.memory_space<vmem>>
        %dma_start3A_676 = arith.constant 0 : i32
        %dma_start3A_677 = arith.constant 0 : i32
        %dma_start3A_678 = tpu.memref_slice %arg2[%dma_start3A_676, %dma_start3A_677] : memref<10000x128xf32, #tpu.memory_space<hbm>> -> memref<10000x128xf32, #tpu.memory_space<hbm>>
        tpu.enqueue_indirect_dma source(%dma_start3A_678 : memref<10000x128xf32, #tpu.memory_space<hbm>>) target(%arg9 : memref<80x128xf32, #tpu.memory_space<vmem>>) offsets(%dma_start3A_675 : memref<80xi32, #tpu.memory_space<vmem>>) semaphore(%arg14 : memref<!tpu.dma_semaphore, #tpu.memory_space<semaphore_mem>>)
      } else {
      }
      %add3A_613 = arith.constant 2 : i32
      %add3A_614 = arith.addi %add3A_558, %add3A_613 : i32
      %dma_wait3A_615 = arith.constant 0 : i32
      %dma_wait3A_616 = tpu.memref_slice %arg6[%add3A_614, %dma_wait3A_615] : memref<25x80xi32, #tpu.memory_space<vmem>> -> memref<1x80xi32, #tpu.memory_space<vmem>>
      %dma_wait3A_617 = tpu.memref_squeeze %dma_wait3A_616 : memref<1x80xi32, #tpu.memory_space<vmem>> -> memref<80xi32, #tpu.memory_space<vmem>>
      %dma_wait3A_618 = arith.constant 0 : i32
      %dma_wait3A_619 = arith.constant 0 : i32
      %dma_wait3A_620 = tpu.memref_slice %arg2[%dma_wait3A_618, %dma_wait3A_619] : memref<10000x128xf32, #tpu.memory_space<hbm>> -> memref<10000x128xf32, #tpu.memory_space<hbm>>
      tpu.wait_indirect_dma semaphore(%arg16 : memref<!tpu.dma_semaphore, #tpu.memory_space<semaphore_mem>>) src(%dma_wait3A_620 : memref<10000x128xf32, #tpu.memory_space<hbm>>) dst(%arg11 : memref<80x128xf32, #tpu.memory_space<vmem>>)
      %sub3A_621 = arith.constant 1 : i32
      %sub3A_622 = arith.subi %add3A_614, %sub3A_621 : i32
      %dma_wait3A_623 = arith.constant 0 : i32
      %dma_wait3A_624 = tpu.memref_slice %arg7[%sub3A_622, %dma_wait3A_623] : memref<25x80xi32, #tpu.memory_space<vmem>> -> memref<1x80xi32, #tpu.memory_space<vmem>>
      %dma_wait3A_625 = tpu.memref_squeeze %dma_wait3A_624 : memref<1x80xi32, #tpu.memory_space<vmem>> -> memref<80xi32, #tpu.memory_space<vmem>>
      %dma_wait3A_626 = arith.constant 0 : i32
      %dma_wait3A_627 = arith.constant 0 : i32
      %dma_wait3A_628 = tpu.memref_slice %arg12[%dma_wait3A_626, %dma_wait3A_627] : memref<10112x128xf32, #tpu.memory_space<vmem_shared>> -> memref<10112x128xf32, #tpu.memory_space<vmem_shared>>
      tpu.wait_indirect_dma semaphore(%arg19 : memref<!tpu.dma_semaphore, #tpu.memory_space<semaphore_mem>>) src(%arg10 : memref<80x128xf32, #tpu.memory_space<vmem>>) dst(%dma_wait3A_628 : memref<10112x128xf32, #tpu.memory_space<vmem_shared>>)
      %dma_start3A_629 = arith.constant 0 : i32
      %dma_start3A_630 = tpu.memref_slice %arg7[%add3A_614, %dma_start3A_629] : memref<25x80xi32, #tpu.memory_space<vmem>> -> memref<1x80xi32, #tpu.memory_space<vmem>>
      %dma_start3A_631 = tpu.memref_squeeze %dma_start3A_630 : memref<1x80xi32, #tpu.memory_space<vmem>> -> memref<80xi32, #tpu.memory_space<vmem>>
      %dma_start3A_632 = arith.constant 0 : i32
      %dma_start3A_633 = arith.constant 0 : i32
      %dma_start3A_634 = tpu.memref_slice %arg12[%dma_start3A_632, %dma_start3A_633] : memref<10112x128xf32, #tpu.memory_space<vmem_shared>> -> memref<10112x128xf32, #tpu.memory_space<vmem_shared>>
      tpu.enqueue_indirect_dma source(%arg11 : memref<80x128xf32, #tpu.memory_space<vmem>>) target(%dma_start3A_634 : memref<10112x128xf32, #tpu.memory_space<vmem_shared>>) offsets(%dma_start3A_631 : memref<80xi32, #tpu.memory_space<vmem>>) semaphore(%arg20 : memref<!tpu.dma_semaphore, #tpu.memory_space<semaphore_mem>>) {add = true}
      %add3A_635 = arith.constant 3 : i32
      %add3A_636 = arith.addi %add3A_614, %add3A_635 : i32
      %lt3A_637 = arith.constant 25 : i32
      %lt3A_638 = arith.cmpi slt, %add3A_636, %lt3A_637 : i32
      %convert_element_type3A_639 = arith.extui %lt3A_638 : i1 to i32
      %cond3A_640 = arith.constant 0 : i32
      %cond3A_641 = arith.cmpi ne, %convert_element_type3A_639, %cond3A_640 : i32
      scf.if %cond3A_641 {
        %add3A_671 = arith.constant 3 : i32
        %add3A_672 = arith.addi %add3A_614, %add3A_671 : i32
        %dma_start3A_673 = arith.constant 0 : i32
        %dma_start3A_674 = tpu.memref_slice %arg6[%add3A_672, %dma_start3A_673] : memref<25x80xi32, #tpu.memory_space<vmem>> -> memref<1x80xi32, #tpu.memory_space<vmem>>
        %dma_start3A_675 = tpu.memref_squeeze %dma_start3A_674 : memref<1x80xi32, #tpu.memory_space<vmem>> -> memref<80xi32, #tpu.memory_space<vmem>>
        %dma_start3A_676 = arith.constant 0 : i32
        %dma_start3A_677 = arith.constant 0 : i32
        %dma_start3A_678 = tpu.memref_slice %arg2[%dma_start3A_676, %dma_start3A_677] : memref<10000x128xf32, #tpu.memory_space<hbm>> -> memref<10000x128xf32, #tpu.memory_space<hbm>>
        tpu.enqueue_indirect_dma source(%dma_start3A_678 : memref<10000x128xf32, #tpu.memory_space<hbm>>) target(%arg10 : memref<80x128xf32, #tpu.memory_space<vmem>>) offsets(%dma_start3A_675 : memref<80xi32, #tpu.memory_space<vmem>>) semaphore(%arg15 : memref<!tpu.dma_semaphore, #tpu.memory_space<semaphore_mem>>)
      } else {
      }
      %add3A_642 = arith.constant 3 : i32
      %add3A_643 = arith.addi %add3A_558, %add3A_642 : i32
      %dma_wait3A_644 = arith.constant 0 : i32
      %dma_wait3A_645 = tpu.memref_slice %arg6[%add3A_643, %dma_wait3A_644] : memref<25x80xi32, #tpu.memory_space<vmem>> -> memref<1x80xi32, #tpu.memory_space<vmem>>
      %dma_wait3A_646 = tpu.memref_squeeze %dma_wait3A_645 : memref<1x80xi32, #tpu.memory_space<vmem>> -> memref<80xi32, #tpu.memory_space<vmem>>
      %dma_wait3A_647 = arith.constant 0 : i32
      %dma_wait3A_648 = arith.constant 0 : i32
      %dma_wait3A_649 = tpu.memref_slice %arg2[%dma_wait3A_647, %dma_wait3A_648] : memref<10000x128xf32, #tpu.memory_space<hbm>> -> memref<10000x128xf32, #tpu.memory_space<hbm>>
      tpu.wait_indirect_dma semaphore(%arg13 : memref<!tpu.dma_semaphore, #tpu.memory_space<semaphore_mem>>) src(%dma_wait3A_649 : memref<10000x128xf32, #tpu.memory_space<hbm>>) dst(%arg8 : memref<80x128xf32, #tpu.memory_space<vmem>>)
      %sub3A_650 = arith.constant 1 : i32
      %sub3A_651 = arith.subi %add3A_643, %sub3A_650 : i32
      %dma_wait3A_652 = arith.constant 0 : i32
      %dma_wait3A_653 = tpu.memref_slice %arg7[%sub3A_651, %dma_wait3A_652] : memref<25x80xi32, #tpu.memory_space<vmem>> -> memref<1x80xi32, #tpu.memory_space<vmem>>
      %dma_wait3A_654 = tpu.memref_squeeze %dma_wait3A_653 : memref<1x80xi32, #tpu.memory_space<vmem>> -> memref<80xi32, #tpu.memory_space<vmem>>
      %dma_wait3A_655 = arith.constant 0 : i32
      %dma_wait3A_656 = arith.constant 0 : i32
      %dma_wait3A_657 = tpu.memref_slice %arg12[%dma_wait3A_655, %dma_wait3A_656] : memref<10112x128xf32, #tpu.memory_space<vmem_shared>> -> memref<10112x128xf32, #tpu.memory_space<vmem_shared>>
      tpu.wait_indirect_dma semaphore(%arg20 : memref<!tpu.dma_semaphore, #tpu.memory_space<semaphore_mem>>) src(%arg11 : memref<80x128xf32, #tpu.memory_space<vmem>>) dst(%dma_wait3A_657 : memref<10112x128xf32, #tpu.memory_space<vmem_shared>>)
      %dma_start3A_658 = arith.constant 0 : i32
      %dma_start3A_659 = tpu.memref_slice %arg7[%add3A_643, %dma_start3A_658] : memref<25x80xi32, #tpu.memory_space<vmem>> -> memref<1x80xi32, #tpu.memory_space<vmem>>
      %dma_start3A_660 = tpu.memref_squeeze %dma_start3A_659 : memref<1x80xi32, #tpu.memory_space<vmem>> -> memref<80xi32, #tpu.memory_space<vmem>>
      %dma_start3A_661 = arith.constant 0 : i32
      %dma_start3A_662 = arith.constant 0 : i32
      %dma_start3A_663 = tpu.memref_slice %arg12[%dma_start3A_661, %dma_start3A_662] : memref<10112x128xf32, #tpu.memory_space<vmem_shared>> -> memref<10112x128xf32, #tpu.memory_space<vmem_shared>>
      tpu.enqueue_indirect_dma source(%arg8 : memref<80x128xf32, #tpu.memory_space<vmem>>) target(%dma_start3A_663 : memref<10112x128xf32, #tpu.memory_space<vmem_shared>>) offsets(%dma_start3A_660 : memref<80xi32, #tpu.memory_space<vmem>>) semaphore(%arg17 : memref<!tpu.dma_semaphore, #tpu.memory_space<semaphore_mem>>) {add = true}
      %add3A_664 = arith.constant 3 : i32
      %add3A_665 = arith.addi %add3A_643, %add3A_664 : i32
      %lt3A_666 = arith.constant 25 : i32
      %lt3A_667 = arith.cmpi slt, %add3A_665, %lt3A_666 : i32
      %convert_element_type3A_668 = arith.extui %lt3A_667 : i1 to i32
      %cond3A_669 = arith.constant 0 : i32
      %cond3A_670 = arith.cmpi ne, %convert_element_type3A_668, %cond3A_669 : i32
      scf.if %cond3A_670 {
        %add3A_671 = arith.constant 3 : i32
        %add3A_672 = arith.addi %add3A_643, %add3A_671 : i32
        %dma_start3A_673 = arith.constant 0 : i32
        %dma_start3A_674 = tpu.memref_slice %arg6[%add3A_672, %dma_start3A_673] : memref<25x80xi32, #tpu.memory_space<vmem>> -> memref<1x80xi32, #tpu.memory_space<vmem>>
        %dma_start3A_675 = tpu.memref_squeeze %dma_start3A_674 : memref<1x80xi32, #tpu.memory_space<vmem>> -> memref<80xi32, #tpu.memory_space<vmem>>
        %dma_start3A_676 = arith.constant 0 : i32
        %dma_start3A_677 = arith.constant 0 : i32
        %dma_start3A_678 = tpu.memref_slice %arg2[%dma_start3A_676, %dma_start3A_677] : memref<10000x128xf32, #tpu.memory_space<hbm>> -> memref<10000x128xf32, #tpu.memory_space<hbm>>
        tpu.enqueue_indirect_dma source(%dma_start3A_678 : memref<10000x128xf32, #tpu.memory_space<hbm>>) target(%arg11 : memref<80x128xf32, #tpu.memory_space<vmem>>) offsets(%dma_start3A_675 : memref<80xi32, #tpu.memory_space<vmem>>) semaphore(%arg16 : memref<!tpu.dma_semaphore, #tpu.memory_space<semaphore_mem>>)
      } else {
      }
    }
    %scan3A_454 = arith.constant 6 : i32
    %dma_wait3A_455 = arith.constant 24 : i32
    %dma_wait3A_456 = arith.constant 0 : i32
    %dma_wait3A_457 = tpu.memref_slice %arg7[%dma_wait3A_455, %dma_wait3A_456] : memref<25x80xi32, #tpu.memory_space<vmem>> -> memref<1x80xi32, #tpu.memory_space<vmem>>
    %dma_wait3A_458 = tpu.memref_squeeze %dma_wait3A_457 : memref<1x80xi32, #tpu.memory_space<vmem>> -> memref<80xi32, #tpu.memory_space<vmem>>
    %dma_wait3A_459 = arith.constant 0 : i32
    %dma_wait3A_460 = arith.constant 0 : i32
    %dma_wait3A_461 = tpu.memref_slice %arg12[%dma_wait3A_459, %dma_wait3A_460] : memref<10112x128xf32, #tpu.memory_space<vmem_shared>> -> memref<10112x128xf32, #tpu.memory_space<vmem_shared>>
    tpu.wait_indirect_dma semaphore(%arg17 : memref<!tpu.dma_semaphore, #tpu.memory_space<semaphore_mem>>) src(%arg8 : memref<80x128xf32, #tpu.memory_space<vmem>>) dst(%dma_wait3A_461 : memref<10112x128xf32, #tpu.memory_space<vmem_shared>>)
    %dma_start3A_462 = arith.constant 4 : i32
    %dma_start3A_463 = arith.constant 0 : i32
    %dma_start3A_464 = arith.constant 0 : i32
    %dma_start3A_465 = tpu.memref_slice %arg3[%add3A, %dma_start3A_462, %dma_start3A_463, %dma_start3A_464] : memref<32x5x25x80xi32, #tpu.memory_space<hbm>> -> memref<1x1x25x80xi32, #tpu.memory_space<hbm>>
    %dma_start3A_466 = tpu.memref_squeeze %dma_start3A_465 : memref<1x1x25x80xi32, #tpu.memory_space<hbm>> -> memref<25x80xi32, #tpu.memory_space<hbm>>
    %dma_start3A_467 = arith.constant 0 : i32
    %dma_start3A_468 = arith.constant 0 : i32
    %dma_start3A_469 = tpu.memref_slice %arg3[%add3A, %dma_start3A_462, %dma_start3A_467, %dma_start3A_468] : memref<32x5x25x80xi32, #tpu.memory_space<hbm>> -> memref<1x1x25x80xi32, #tpu.memory_space<hbm>>
    %dma_start3A_470 = tpu.memref_squeeze %dma_start3A_469 : memref<1x1x25x80xi32, #tpu.memory_space<hbm>> -> memref<25x80xi32, #tpu.memory_space<hbm>>
    tpu.enqueue_dma source(%dma_start3A_470 : memref<25x80xi32, #tpu.memory_space<hbm>>) target(%arg6 : memref<25x80xi32, #tpu.memory_space<vmem>>) target_semaphore(%arg19 : memref<!tpu.dma_semaphore, #tpu.memory_space<semaphore_mem>>)
    %dma_start3A_471 = arith.constant 4 : i32
    %dma_start3A_472 = arith.constant 0 : i32
    %dma_start3A_473 = arith.constant 0 : i32
    %dma_start3A_474 = tpu.memref_slice %arg4[%add3A, %dma_start3A_471, %dma_start3A_472, %dma_start3A_473] : memref<32x5x25x80xi32, #tpu.memory_space<hbm>> -> memref<1x1x25x80xi32, #tpu.memory_space<hbm>>
    %dma_start3A_475 = tpu.memref_squeeze %dma_start3A_474 : memref<1x1x25x80xi32, #tpu.memory_space<hbm>> -> memref<25x80xi32, #tpu.memory_space<hbm>>
    %dma_start3A_476 = arith.constant 0 : i32
    %dma_start3A_477 = arith.constant 0 : i32
    %dma_start3A_478 = tpu.memref_slice %arg4[%add3A, %dma_start3A_471, %dma_start3A_476, %dma_start3A_477] : memref<32x5x25x80xi32, #tpu.memory_space<hbm>> -> memref<1x1x25x80xi32, #tpu.memory_space<hbm>>
    %dma_start3A_479 = tpu.memref_squeeze %dma_start3A_478 : memref<1x1x25x80xi32, #tpu.memory_space<hbm>> -> memref<25x80xi32, #tpu.memory_space<hbm>>
    tpu.enqueue_dma source(%dma_start3A_479 : memref<25x80xi32, #tpu.memory_space<hbm>>) target(%arg7 : memref<25x80xi32, #tpu.memory_space<vmem>>) target_semaphore(%arg20 : memref<!tpu.dma_semaphore, #tpu.memory_space<semaphore_mem>>)
    %dma_wait3A_480 = arith.constant 4 : i32
    %dma_wait3A_481 = arith.constant 0 : i32
    %dma_wait3A_482 = arith.constant 0 : i32
    %dma_wait3A_483 = tpu.memref_slice %arg3[%add3A, %dma_wait3A_480, %dma_wait3A_481, %dma_wait3A_482] : memref<32x5x25x80xi32, #tpu.memory_space<hbm>> -> memref<1x1x25x80xi32, #tpu.memory_space<hbm>>
    %dma_wait3A_484 = tpu.memref_squeeze %dma_wait3A_483 : memref<1x1x25x80xi32, #tpu.memory_space<hbm>> -> memref<25x80xi32, #tpu.memory_space<hbm>>
    %dma_wait3A_485 = arith.constant 0 : i32
    %dma_wait3A_486 = arith.constant 0 : i32
    %dma_wait3A_487 = tpu.memref_slice %arg3[%add3A, %dma_wait3A_480, %dma_wait3A_485, %dma_wait3A_486] : memref<32x5x25x80xi32, #tpu.memory_space<hbm>> -> memref<1x1x25x80xi32, #tpu.memory_space<hbm>>
    %dma_wait3A_488 = tpu.memref_squeeze %dma_wait3A_487 : memref<1x1x25x80xi32, #tpu.memory_space<hbm>> -> memref<25x80xi32, #tpu.memory_space<hbm>>
    tpu.wait_dma2 semaphore(%arg19 : memref<!tpu.dma_semaphore, #tpu.memory_space<semaphore_mem>>) src(%dma_wait3A_488 : memref<25x80xi32, #tpu.memory_space<hbm>>) dst(%arg6 : memref<25x80xi32, #tpu.memory_space<vmem>>)
    %dma_start3A_489 = arith.constant 0 : i32
    %dma_start3A_490 = arith.constant 0 : i32
    %dma_start3A_491 = tpu.memref_slice %arg6[%dma_start3A_489, %dma_start3A_490] : memref<25x80xi32, #tpu.memory_space<vmem>> -> memref<1x80xi32, #tpu.memory_space<vmem>>
    %dma_start3A_492 = tpu.memref_squeeze %dma_start3A_491 : memref<1x80xi32, #tpu.memory_space<vmem>> -> memref<80xi32, #tpu.memory_space<vmem>>
    %dma_start3A_493 = arith.constant 0 : i32
    %dma_start3A_494 = arith.constant 0 : i32
    %dma_start3A_495 = tpu.memref_slice %arg2[%dma_start3A_493, %dma_start3A_494] : memref<10000x128xf32, #tpu.memory_space<hbm>> -> memref<10000x128xf32, #tpu.memory_space<hbm>>
    tpu.enqueue_indirect_dma source(%dma_start3A_495 : memref<10000x128xf32, #tpu.memory_space<hbm>>) target(%arg8 : memref<80x128xf32, #tpu.memory_space<vmem>>) offsets(%dma_start3A_492 : memref<80xi32, #tpu.memory_space<vmem>>) semaphore(%arg13 : memref<!tpu.dma_semaphore, #tpu.memory_space<semaphore_mem>>)
    %dma_start3A_496 = arith.constant 1 : i32
    %dma_start3A_497 = arith.constant 0 : i32
    %dma_start3A_498 = tpu.memref_slice %arg6[%dma_start3A_496, %dma_start3A_497] : memref<25x80xi32, #tpu.memory_space<vmem>> -> memref<1x80xi32, #tpu.memory_space<vmem>>
    %dma_start3A_499 = tpu.memref_squeeze %dma_start3A_498 : memref<1x80xi32, #tpu.memory_space<vmem>> -> memref<80xi32, #tpu.memory_space<vmem>>
    %dma_start3A_500 = arith.constant 0 : i32
    %dma_start3A_501 = arith.constant 0 : i32
    %dma_start3A_502 = tpu.memref_slice %arg2[%dma_start3A_500, %dma_start3A_501] : memref<10000x128xf32, #tpu.memory_space<hbm>> -> memref<10000x128xf32, #tpu.memory_space<hbm>>
    tpu.enqueue_indirect_dma source(%dma_start3A_502 : memref<10000x128xf32, #tpu.memory_space<hbm>>) target(%arg9 : memref<80x128xf32, #tpu.memory_space<vmem>>) offsets(%dma_start3A_499 : memref<80xi32, #tpu.memory_space<vmem>>) semaphore(%arg14 : memref<!tpu.dma_semaphore, #tpu.memory_space<semaphore_mem>>)
    %dma_start3A_503 = arith.constant 2 : i32
    %dma_start3A_504 = arith.constant 0 : i32
    %dma_start3A_505 = tpu.memref_slice %arg6[%dma_start3A_503, %dma_start3A_504] : memref<25x80xi32, #tpu.memory_space<vmem>> -> memref<1x80xi32, #tpu.memory_space<vmem>>
    %dma_start3A_506 = tpu.memref_squeeze %dma_start3A_505 : memref<1x80xi32, #tpu.memory_space<vmem>> -> memref<80xi32, #tpu.memory_space<vmem>>
    %dma_start3A_507 = arith.constant 0 : i32
    %dma_start3A_508 = arith.constant 0 : i32
    %dma_start3A_509 = tpu.memref_slice %arg2[%dma_start3A_507, %dma_start3A_508] : memref<10000x128xf32, #tpu.memory_space<hbm>> -> memref<10000x128xf32, #tpu.memory_space<hbm>>
    tpu.enqueue_indirect_dma source(%dma_start3A_509 : memref<10000x128xf32, #tpu.memory_space<hbm>>) target(%arg10 : memref<80x128xf32, #tpu.memory_space<vmem>>) offsets(%dma_start3A_506 : memref<80xi32, #tpu.memory_space<vmem>>) semaphore(%arg15 : memref<!tpu.dma_semaphore, #tpu.memory_space<semaphore_mem>>)
    %dma_wait3A_510 = arith.constant 4 : i32
    %dma_wait3A_511 = arith.constant 0 : i32
    %dma_wait3A_512 = arith.constant 0 : i32
    %dma_wait3A_513 = tpu.memref_slice %arg4[%add3A, %dma_wait3A_510, %dma_wait3A_511, %dma_wait3A_512] : memref<32x5x25x80xi32, #tpu.memory_space<hbm>> -> memref<1x1x25x80xi32, #tpu.memory_space<hbm>>
    %dma_wait3A_514 = tpu.memref_squeeze %dma_wait3A_513 : memref<1x1x25x80xi32, #tpu.memory_space<hbm>> -> memref<25x80xi32, #tpu.memory_space<hbm>>
    %dma_wait3A_515 = arith.constant 0 : i32
    %dma_wait3A_516 = arith.constant 0 : i32
    %dma_wait3A_517 = tpu.memref_slice %arg4[%add3A, %dma_wait3A_510, %dma_wait3A_515, %dma_wait3A_516] : memref<32x5x25x80xi32, #tpu.memory_space<hbm>> -> memref<1x1x25x80xi32, #tpu.memory_space<hbm>>
    %dma_wait3A_518 = tpu.memref_squeeze %dma_wait3A_517 : memref<1x1x25x80xi32, #tpu.memory_space<hbm>> -> memref<25x80xi32, #tpu.memory_space<hbm>>
    tpu.wait_dma2 semaphore(%arg20 : memref<!tpu.dma_semaphore, #tpu.memory_space<semaphore_mem>>) src(%dma_wait3A_518 : memref<25x80xi32, #tpu.memory_space<hbm>>) dst(%arg7 : memref<25x80xi32, #tpu.memory_space<vmem>>)
    %dma_wait3A_519 = arith.constant 0 : i32
    %dma_wait3A_520 = arith.constant 0 : i32
    %dma_wait3A_521 = tpu.memref_slice %arg6[%dma_wait3A_519, %dma_wait3A_520] : memref<25x80xi32, #tpu.memory_space<vmem>> -> memref<1x80xi32, #tpu.memory_space<vmem>>
    %dma_wait3A_522 = tpu.memref_squeeze %dma_wait3A_521 : memref<1x80xi32, #tpu.memory_space<vmem>> -> memref<80xi32, #tpu.memory_space<vmem>>
    %dma_wait3A_523 = arith.constant 0 : i32
    %dma_wait3A_524 = arith.constant 0 : i32
    %dma_wait3A_525 = tpu.memref_slice %arg2[%dma_wait3A_523, %dma_wait3A_524] : memref<10000x128xf32, #tpu.memory_space<hbm>> -> memref<10000x128xf32, #tpu.memory_space<hbm>>
    tpu.wait_indirect_dma semaphore(%arg13 : memref<!tpu.dma_semaphore, #tpu.memory_space<semaphore_mem>>) src(%dma_wait3A_525 : memref<10000x128xf32, #tpu.memory_space<hbm>>) dst(%arg8 : memref<80x128xf32, #tpu.memory_space<vmem>>)
    %dma_start3A_526 = arith.constant 0 : i32
    %dma_start3A_527 = arith.constant 0 : i32
    %dma_start3A_528 = tpu.memref_slice %arg7[%dma_start3A_526, %dma_start3A_527] : memref<25x80xi32, #tpu.memory_space<vmem>> -> memref<1x80xi32, #tpu.memory_space<vmem>>
    %dma_start3A_529 = tpu.memref_squeeze %dma_start3A_528 : memref<1x80xi32, #tpu.memory_space<vmem>> -> memref<80xi32, #tpu.memory_space<vmem>>
    %dma_start3A_530 = arith.constant 0 : i32
    %dma_start3A_531 = arith.constant 0 : i32
    %dma_start3A_532 = tpu.memref_slice %arg12[%dma_start3A_530, %dma_start3A_531] : memref<10112x128xf32, #tpu.memory_space<vmem_shared>> -> memref<10112x128xf32, #tpu.memory_space<vmem_shared>>
    tpu.enqueue_indirect_dma source(%arg8 : memref<80x128xf32, #tpu.memory_space<vmem>>) target(%dma_start3A_532 : memref<10112x128xf32, #tpu.memory_space<vmem_shared>>) offsets(%dma_start3A_529 : memref<80xi32, #tpu.memory_space<vmem>>) semaphore(%arg17 : memref<!tpu.dma_semaphore, #tpu.memory_space<semaphore_mem>>) {add = true}
    %dma_start3A_533 = arith.constant 3 : i32
    %dma_start3A_534 = arith.constant 0 : i32
    %dma_start3A_535 = tpu.memref_slice %arg6[%dma_start3A_533, %dma_start3A_534] : memref<25x80xi32, #tpu.memory_space<vmem>> -> memref<1x80xi32, #tpu.memory_space<vmem>>
    %dma_start3A_536 = tpu.memref_squeeze %dma_start3A_535 : memref<1x80xi32, #tpu.memory_space<vmem>> -> memref<80xi32, #tpu.memory_space<vmem>>
    %dma_start3A_537 = arith.constant 0 : i32
    %dma_start3A_538 = arith.constant 0 : i32
    %dma_start3A_539 = tpu.memref_slice %arg2[%dma_start3A_537, %dma_start3A_538] : memref<10000x128xf32, #tpu.memory_space<hbm>> -> memref<10000x128xf32, #tpu.memory_space<hbm>>
    tpu.enqueue_indirect_dma source(%dma_start3A_539 : memref<10000x128xf32, #tpu.memory_space<hbm>>) target(%arg11 : memref<80x128xf32, #tpu.memory_space<vmem>>) offsets(%dma_start3A_536 : memref<80xi32, #tpu.memory_space<vmem>>) semaphore(%arg16 : memref<!tpu.dma_semaphore, #tpu.memory_space<semaphore_mem>>)
    %scan3A_540 = arith.constant 0 : i32
    %scan3A_541 = arith.constant 0 : i32
    %scan3A_542 = arith.constant 6 : i32
    %scan3A_543 = arith.addi %scan3A_541, %scan3A_542 : i32
    %scan3A_544 = arith.constant 1 : i32
    scf.for %scan3A_554 = %scan3A_541 to %scan3A_543 step %scan3A_544  : i32 {
      %mul3A_555 = arith.constant 4 : i32
      %mul3A_556 = arith.muli %scan3A_554, %mul3A_555 : i32
      %add3A_557 = arith.constant 1 : i32
      %add3A_558 = arith.addi %add3A_557, %mul3A_556 : i32
      %add3A_559 = arith.constant 0 : i32
      %add3A_560 = arith.addi %add3A_558, %add3A_559 : i32
      %dma_wait3A_561 = arith.constant 0 : i32
      %dma_wait3A_562 = tpu.memref_slice %arg6[%add3A_560, %dma_wait3A_561] : memref<25x80xi32, #tpu.memory_space<vmem>> -> memref<1x80xi32, #tpu.memory_space<vmem>>
      %dma_wait3A_563 = tpu.memref_squeeze %dma_wait3A_562 : memref<1x80xi32, #tpu.memory_space<vmem>> -> memref<80xi32, #tpu.memory_space<vmem>>
      %dma_wait3A_564 = arith.constant 0 : i32
      %dma_wait3A_565 = arith.constant 0 : i32
      %dma_wait3A_566 = tpu.memref_slice %arg2[%dma_wait3A_564, %dma_wait3A_565] : memref<10000x128xf32, #tpu.memory_space<hbm>> -> memref<10000x128xf32, #tpu.memory_space<hbm>>
      tpu.wait_indirect_dma semaphore(%arg14 : memref<!tpu.dma_semaphore, #tpu.memory_space<semaphore_mem>>) src(%dma_wait3A_566 : memref<10000x128xf32, #tpu.memory_space<hbm>>) dst(%arg9 : memref<80x128xf32, #tpu.memory_space<vmem>>)
      %sub3A = arith.constant 1 : i32
      %sub3A_567 = arith.subi %add3A_560, %sub3A : i32
      %dma_wait3A_568 = arith.constant 0 : i32
      %dma_wait3A_569 = tpu.memref_slice %arg7[%sub3A_567, %dma_wait3A_568] : memref<25x80xi32, #tpu.memory_space<vmem>> -> memref<1x80xi32, #tpu.memory_space<vmem>>
      %dma_wait3A_570 = tpu.memref_squeeze %dma_wait3A_569 : memref<1x80xi32, #tpu.memory_space<vmem>> -> memref<80xi32, #tpu.memory_space<vmem>>
      %dma_wait3A_571 = arith.constant 0 : i32
      %dma_wait3A_572 = arith.constant 0 : i32
      %dma_wait3A_573 = tpu.memref_slice %arg12[%dma_wait3A_571, %dma_wait3A_572] : memref<10112x128xf32, #tpu.memory_space<vmem_shared>> -> memref<10112x128xf32, #tpu.memory_space<vmem_shared>>
      tpu.wait_indirect_dma semaphore(%arg17 : memref<!tpu.dma_semaphore, #tpu.memory_space<semaphore_mem>>) src(%arg8 : memref<80x128xf32, #tpu.memory_space<vmem>>) dst(%dma_wait3A_573 : memref<10112x128xf32, #tpu.memory_space<vmem_shared>>)
      %dma_start3A_574 = arith.constant 0 : i32
      %dma_start3A_575 = tpu.memref_slice %arg7[%add3A_560, %dma_start3A_574] : memref<25x80xi32, #tpu.memory_space<vmem>> -> memref<1x80xi32, #tpu.memory_space<vmem>>
      %dma_start3A_576 = tpu.memref_squeeze %dma_start3A_575 : memref<1x80xi32, #tpu.memory_space<vmem>> -> memref<80xi32, #tpu.memory_space<vmem>>
      %dma_start3A_577 = arith.constant 0 : i32
      %dma_start3A_578 = arith.constant 0 : i32
      %dma_start3A_579 = tpu.memref_slice %arg12[%dma_start3A_577, %dma_start3A_578] : memref<10112x128xf32, #tpu.memory_space<vmem_shared>> -> memref<10112x128xf32, #tpu.memory_space<vmem_shared>>
      tpu.enqueue_indirect_dma source(%arg9 : memref<80x128xf32, #tpu.memory_space<vmem>>) target(%dma_start3A_579 : memref<10112x128xf32, #tpu.memory_space<vmem_shared>>) offsets(%dma_start3A_576 : memref<80xi32, #tpu.memory_space<vmem>>) semaphore(%arg18 : memref<!tpu.dma_semaphore, #tpu.memory_space<semaphore_mem>>) {add = true}
      %add3A_580 = arith.constant 3 : i32
      %add3A_581 = arith.addi %add3A_560, %add3A_580 : i32
      %lt3A = arith.constant 25 : i32
      %lt3A_582 = arith.cmpi slt, %add3A_581, %lt3A : i32
      %convert_element_type3A = arith.extui %lt3A_582 : i1 to i32
      %cond3A = arith.constant 0 : i32
      %cond3A_583 = arith.cmpi ne, %convert_element_type3A, %cond3A : i32
      scf.if %cond3A_583 {
        %add3A_671 = arith.constant 3 : i32
        %add3A_672 = arith.addi %add3A_560, %add3A_671 : i32
        %dma_start3A_673 = arith.constant 0 : i32
        %dma_start3A_674 = tpu.memref_slice %arg6[%add3A_672, %dma_start3A_673] : memref<25x80xi32, #tpu.memory_space<vmem>> -> memref<1x80xi32, #tpu.memory_space<vmem>>
        %dma_start3A_675 = tpu.memref_squeeze %dma_start3A_674 : memref<1x80xi32, #tpu.memory_space<vmem>> -> memref<80xi32, #tpu.memory_space<vmem>>
        %dma_start3A_676 = arith.constant 0 : i32
        %dma_start3A_677 = arith.constant 0 : i32
        %dma_start3A_678 = tpu.memref_slice %arg2[%dma_start3A_676, %dma_start3A_677] : memref<10000x128xf32, #tpu.memory_space<hbm>> -> memref<10000x128xf32, #tpu.memory_space<hbm>>
        tpu.enqueue_indirect_dma source(%dma_start3A_678 : memref<10000x128xf32, #tpu.memory_space<hbm>>) target(%arg8 : memref<80x128xf32, #tpu.memory_space<vmem>>) offsets(%dma_start3A_675 : memref<80xi32, #tpu.memory_space<vmem>>) semaphore(%arg13 : memref<!tpu.dma_semaphore, #tpu.memory_space<semaphore_mem>>)
      } else {
      }
      %add3A_584 = arith.constant 1 : i32
      %add3A_585 = arith.addi %add3A_558, %add3A_584 : i32
      %dma_wait3A_586 = arith.constant 0 : i32
      %dma_wait3A_587 = tpu.memref_slice %arg6[%add3A_585, %dma_wait3A_586] : memref<25x80xi32, #tpu.memory_space<vmem>> -> memref<1x80xi32, #tpu.memory_space<vmem>>
      %dma_wait3A_588 = tpu.memref_squeeze %dma_wait3A_587 : memref<1x80xi32, #tpu.memory_space<vmem>> -> memref<80xi32, #tpu.memory_space<vmem>>
      %dma_wait3A_589 = arith.constant 0 : i32
      %dma_wait3A_590 = arith.constant 0 : i32
      %dma_wait3A_591 = tpu.memref_slice %arg2[%dma_wait3A_589, %dma_wait3A_590] : memref<10000x128xf32, #tpu.memory_space<hbm>> -> memref<10000x128xf32, #tpu.memory_space<hbm>>
      tpu.wait_indirect_dma semaphore(%arg15 : memref<!tpu.dma_semaphore, #tpu.memory_space<semaphore_mem>>) src(%dma_wait3A_591 : memref<10000x128xf32, #tpu.memory_space<hbm>>) dst(%arg10 : memref<80x128xf32, #tpu.memory_space<vmem>>)
      %sub3A_592 = arith.constant 1 : i32
      %sub3A_593 = arith.subi %add3A_585, %sub3A_592 : i32
      %dma_wait3A_594 = arith.constant 0 : i32
      %dma_wait3A_595 = tpu.memref_slice %arg7[%sub3A_593, %dma_wait3A_594] : memref<25x80xi32, #tpu.memory_space<vmem>> -> memref<1x80xi32, #tpu.memory_space<vmem>>
      %dma_wait3A_596 = tpu.memref_squeeze %dma_wait3A_595 : memref<1x80xi32, #tpu.memory_space<vmem>> -> memref<80xi32, #tpu.memory_space<vmem>>
      %dma_wait3A_597 = arith.constant 0 : i32
      %dma_wait3A_598 = arith.constant 0 : i32
      %dma_wait3A_599 = tpu.memref_slice %arg12[%dma_wait3A_597, %dma_wait3A_598] : memref<10112x128xf32, #tpu.memory_space<vmem_shared>> -> memref<10112x128xf32, #tpu.memory_space<vmem_shared>>
      tpu.wait_indirect_dma semaphore(%arg18 : memref<!tpu.dma_semaphore, #tpu.memory_space<semaphore_mem>>) src(%arg9 : memref<80x128xf32, #tpu.memory_space<vmem>>) dst(%dma_wait3A_599 : memref<10112x128xf32, #tpu.memory_space<vmem_shared>>)
      %dma_start3A_600 = arith.constant 0 : i32
      %dma_start3A_601 = tpu.memref_slice %arg7[%add3A_585, %dma_start3A_600] : memref<25x80xi32, #tpu.memory_space<vmem>> -> memref<1x80xi32, #tpu.memory_space<vmem>>
      %dma_start3A_602 = tpu.memref_squeeze %dma_start3A_601 : memref<1x80xi32, #tpu.memory_space<vmem>> -> memref<80xi32, #tpu.memory_space<vmem>>
      %dma_start3A_603 = arith.constant 0 : i32
      %dma_start3A_604 = arith.constant 0 : i32
      %dma_start3A_605 = tpu.memref_slice %arg12[%dma_start3A_603, %dma_start3A_604] : memref<10112x128xf32, #tpu.memory_space<vmem_shared>> -> memref<10112x128xf32, #tpu.memory_space<vmem_shared>>
      tpu.enqueue_indirect_dma source(%arg10 : memref<80x128xf32, #tpu.memory_space<vmem>>) target(%dma_start3A_605 : memref<10112x128xf32, #tpu.memory_space<vmem_shared>>) offsets(%dma_start3A_602 : memref<80xi32, #tpu.memory_space<vmem>>) semaphore(%arg19 : memref<!tpu.dma_semaphore, #tpu.memory_space<semaphore_mem>>) {add = true}
      %add3A_606 = arith.constant 3 : i32
      %add3A_607 = arith.addi %add3A_585, %add3A_606 : i32
      %lt3A_608 = arith.constant 25 : i32
      %lt3A_609 = arith.cmpi slt, %add3A_607, %lt3A_608 : i32
      %convert_element_type3A_610 = arith.extui %lt3A_609 : i1 to i32
      %cond3A_611 = arith.constant 0 : i32
      %cond3A_612 = arith.cmpi ne, %convert_element_type3A_610, %cond3A_611 : i32
      scf.if %cond3A_612 {
        %add3A_671 = arith.constant 3 : i32
        %add3A_672 = arith.addi %add3A_585, %add3A_671 : i32
        %dma_start3A_673 = arith.constant 0 : i32
        %dma_start3A_674 = tpu.memref_slice %arg6[%add3A_672, %dma_start3A_673] : memref<25x80xi32, #tpu.memory_space<vmem>> -> memref<1x80xi32, #tpu.memory_space<vmem>>
        %dma_start3A_675 = tpu.memref_squeeze %dma_start3A_674 : memref<1x80xi32, #tpu.memory_space<vmem>> -> memref<80xi32, #tpu.memory_space<vmem>>
        %dma_start3A_676 = arith.constant 0 : i32
        %dma_start3A_677 = arith.constant 0 : i32
        %dma_start3A_678 = tpu.memref_slice %arg2[%dma_start3A_676, %dma_start3A_677] : memref<10000x128xf32, #tpu.memory_space<hbm>> -> memref<10000x128xf32, #tpu.memory_space<hbm>>
        tpu.enqueue_indirect_dma source(%dma_start3A_678 : memref<10000x128xf32, #tpu.memory_space<hbm>>) target(%arg9 : memref<80x128xf32, #tpu.memory_space<vmem>>) offsets(%dma_start3A_675 : memref<80xi32, #tpu.memory_space<vmem>>) semaphore(%arg14 : memref<!tpu.dma_semaphore, #tpu.memory_space<semaphore_mem>>)
      } else {
      }
      %add3A_613 = arith.constant 2 : i32
      %add3A_614 = arith.addi %add3A_558, %add3A_613 : i32
      %dma_wait3A_615 = arith.constant 0 : i32
      %dma_wait3A_616 = tpu.memref_slice %arg6[%add3A_614, %dma_wait3A_615] : memref<25x80xi32, #tpu.memory_space<vmem>> -> memref<1x80xi32, #tpu.memory_space<vmem>>
      %dma_wait3A_617 = tpu.memref_squeeze %dma_wait3A_616 : memref<1x80xi32, #tpu.memory_space<vmem>> -> memref<80xi32, #tpu.memory_space<vmem>>
      %dma_wait3A_618 = arith.constant 0 : i32
      %dma_wait3A_619 = arith.constant 0 : i32
      %dma_wait3A_620 = tpu.memref_slice %arg2[%dma_wait3A_618, %dma_wait3A_619] : memref<10000x128xf32, #tpu.memory_space<hbm>> -> memref<10000x128xf32, #tpu.memory_space<hbm>>
      tpu.wait_indirect_dma semaphore(%arg16 : memref<!tpu.dma_semaphore, #tpu.memory_space<semaphore_mem>>) src(%dma_wait3A_620 : memref<10000x128xf32, #tpu.memory_space<hbm>>) dst(%arg11 : memref<80x128xf32, #tpu.memory_space<vmem>>)
      %sub3A_621 = arith.constant 1 : i32
      %sub3A_622 = arith.subi %add3A_614, %sub3A_621 : i32
      %dma_wait3A_623 = arith.constant 0 : i32
      %dma_wait3A_624 = tpu.memref_slice %arg7[%sub3A_622, %dma_wait3A_623] : memref<25x80xi32, #tpu.memory_space<vmem>> -> memref<1x80xi32, #tpu.memory_space<vmem>>
      %dma_wait3A_625 = tpu.memref_squeeze %dma_wait3A_624 : memref<1x80xi32, #tpu.memory_space<vmem>> -> memref<80xi32, #tpu.memory_space<vmem>>
      %dma_wait3A_626 = arith.constant 0 : i32
      %dma_wait3A_627 = arith.constant 0 : i32
      %dma_wait3A_628 = tpu.memref_slice %arg12[%dma_wait3A_626, %dma_wait3A_627] : memref<10112x128xf32, #tpu.memory_space<vmem_shared>> -> memref<10112x128xf32, #tpu.memory_space<vmem_shared>>
      tpu.wait_indirect_dma semaphore(%arg19 : memref<!tpu.dma_semaphore, #tpu.memory_space<semaphore_mem>>) src(%arg10 : memref<80x128xf32, #tpu.memory_space<vmem>>) dst(%dma_wait3A_628 : memref<10112x128xf32, #tpu.memory_space<vmem_shared>>)
      %dma_start3A_629 = arith.constant 0 : i32
      %dma_start3A_630 = tpu.memref_slice %arg7[%add3A_614, %dma_start3A_629] : memref<25x80xi32, #tpu.memory_space<vmem>> -> memref<1x80xi32, #tpu.memory_space<vmem>>
      %dma_start3A_631 = tpu.memref_squeeze %dma_start3A_630 : memref<1x80xi32, #tpu.memory_space<vmem>> -> memref<80xi32, #tpu.memory_space<vmem>>
      %dma_start3A_632 = arith.constant 0 : i32
      %dma_start3A_633 = arith.constant 0 : i32
      %dma_start3A_634 = tpu.memref_slice %arg12[%dma_start3A_632, %dma_start3A_633] : memref<10112x128xf32, #tpu.memory_space<vmem_shared>> -> memref<10112x128xf32, #tpu.memory_space<vmem_shared>>
      tpu.enqueue_indirect_dma source(%arg11 : memref<80x128xf32, #tpu.memory_space<vmem>>) target(%dma_start3A_634 : memref<10112x128xf32, #tpu.memory_space<vmem_shared>>) offsets(%dma_start3A_631 : memref<80xi32, #tpu.memory_space<vmem>>) semaphore(%arg20 : memref<!tpu.dma_semaphore, #tpu.memory_space<semaphore_mem>>) {add = true}
      %add3A_635 = arith.constant 3 : i32
      %add3A_636 = arith.addi %add3A_614, %add3A_635 : i32
      %lt3A_637 = arith.constant 25 : i32
      %lt3A_638 = arith.cmpi slt, %add3A_636, %lt3A_637 : i32
      %convert_element_type3A_639 = arith.extui %lt3A_638 : i1 to i32
      %cond3A_640 = arith.constant 0 : i32
      %cond3A_641 = arith.cmpi ne, %convert_element_type3A_639, %cond3A_640 : i32
      scf.if %cond3A_641 {
        %add3A_671 = arith.constant 3 : i32
        %add3A_672 = arith.addi %add3A_614, %add3A_671 : i32
        %dma_start3A_673 = arith.constant 0 : i32
        %dma_start3A_674 = tpu.memref_slice %arg6[%add3A_672, %dma_start3A_673] : memref<25x80xi32, #tpu.memory_space<vmem>> -> memref<1x80xi32, #tpu.memory_space<vmem>>
        %dma_start3A_675 = tpu.memref_squeeze %dma_start3A_674 : memref<1x80xi32, #tpu.memory_space<vmem>> -> memref<80xi32, #tpu.memory_space<vmem>>
        %dma_start3A_676 = arith.constant 0 : i32
        %dma_start3A_677 = arith.constant 0 : i32
        %dma_start3A_678 = tpu.memref_slice %arg2[%dma_start3A_676, %dma_start3A_677] : memref<10000x128xf32, #tpu.memory_space<hbm>> -> memref<10000x128xf32, #tpu.memory_space<hbm>>
        tpu.enqueue_indirect_dma source(%dma_start3A_678 : memref<10000x128xf32, #tpu.memory_space<hbm>>) target(%arg10 : memref<80x128xf32, #tpu.memory_space<vmem>>) offsets(%dma_start3A_675 : memref<80xi32, #tpu.memory_space<vmem>>) semaphore(%arg15 : memref<!tpu.dma_semaphore, #tpu.memory_space<semaphore_mem>>)
      } else {
      }
      %add3A_642 = arith.constant 3 : i32
      %add3A_643 = arith.addi %add3A_558, %add3A_642 : i32
      %dma_wait3A_644 = arith.constant 0 : i32
      %dma_wait3A_645 = tpu.memref_slice %arg6[%add3A_643, %dma_wait3A_644] : memref<25x80xi32, #tpu.memory_space<vmem>> -> memref<1x80xi32, #tpu.memory_space<vmem>>
      %dma_wait3A_646 = tpu.memref_squeeze %dma_wait3A_645 : memref<1x80xi32, #tpu.memory_space<vmem>> -> memref<80xi32, #tpu.memory_space<vmem>>
      %dma_wait3A_647 = arith.constant 0 : i32
      %dma_wait3A_648 = arith.constant 0 : i32
      %dma_wait3A_649 = tpu.memref_slice %arg2[%dma_wait3A_647, %dma_wait3A_648] : memref<10000x128xf32, #tpu.memory_space<hbm>> -> memref<10000x128xf32, #tpu.memory_space<hbm>>
      tpu.wait_indirect_dma semaphore(%arg13 : memref<!tpu.dma_semaphore, #tpu.memory_space<semaphore_mem>>) src(%dma_wait3A_649 : memref<10000x128xf32, #tpu.memory_space<hbm>>) dst(%arg8 : memref<80x128xf32, #tpu.memory_space<vmem>>)
      %sub3A_650 = arith.constant 1 : i32
      %sub3A_651 = arith.subi %add3A_643, %sub3A_650 : i32
      %dma_wait3A_652 = arith.constant 0 : i32
      %dma_wait3A_653 = tpu.memref_slice %arg7[%sub3A_651, %dma_wait3A_652] : memref<25x80xi32, #tpu.memory_space<vmem>> -> memref<1x80xi32, #tpu.memory_space<vmem>>
      %dma_wait3A_654 = tpu.memref_squeeze %dma_wait3A_653 : memref<1x80xi32, #tpu.memory_space<vmem>> -> memref<80xi32, #tpu.memory_space<vmem>>
      %dma_wait3A_655 = arith.constant 0 : i32
      %dma_wait3A_656 = arith.constant 0 : i32
      %dma_wait3A_657 = tpu.memref_slice %arg12[%dma_wait3A_655, %dma_wait3A_656] : memref<10112x128xf32, #tpu.memory_space<vmem_shared>> -> memref<10112x128xf32, #tpu.memory_space<vmem_shared>>
      tpu.wait_indirect_dma semaphore(%arg20 : memref<!tpu.dma_semaphore, #tpu.memory_space<semaphore_mem>>) src(%arg11 : memref<80x128xf32, #tpu.memory_space<vmem>>) dst(%dma_wait3A_657 : memref<10112x128xf32, #tpu.memory_space<vmem_shared>>)
      %dma_start3A_658 = arith.constant 0 : i32
      %dma_start3A_659 = tpu.memref_slice %arg7[%add3A_643, %dma_start3A_658] : memref<25x80xi32, #tpu.memory_space<vmem>> -> memref<1x80xi32, #tpu.memory_space<vmem>>
      %dma_start3A_660 = tpu.memref_squeeze %dma_start3A_659 : memref<1x80xi32, #tpu.memory_space<vmem>> -> memref<80xi32, #tpu.memory_space<vmem>>
      %dma_start3A_661 = arith.constant 0 : i32
      %dma_start3A_662 = arith.constant 0 : i32
      %dma_start3A_663 = tpu.memref_slice %arg12[%dma_start3A_661, %dma_start3A_662] : memref<10112x128xf32, #tpu.memory_space<vmem_shared>> -> memref<10112x128xf32, #tpu.memory_space<vmem_shared>>
      tpu.enqueue_indirect_dma source(%arg8 : memref<80x128xf32, #tpu.memory_space<vmem>>) target(%dma_start3A_663 : memref<10112x128xf32, #tpu.memory_space<vmem_shared>>) offsets(%dma_start3A_660 : memref<80xi32, #tpu.memory_space<vmem>>) semaphore(%arg17 : memref<!tpu.dma_semaphore, #tpu.memory_space<semaphore_mem>>) {add = true}
      %add3A_664 = arith.constant 3 : i32
      %add3A_665 = arith.addi %add3A_643, %add3A_664 : i32
      %lt3A_666 = arith.constant 25 : i32
      %lt3A_667 = arith.cmpi slt, %add3A_665, %lt3A_666 : i32
      %convert_element_type3A_668 = arith.extui %lt3A_667 : i1 to i32
      %cond3A_669 = arith.constant 0 : i32
      %cond3A_670 = arith.cmpi ne, %convert_element_type3A_668, %cond3A_669 : i32
      scf.if %cond3A_670 {
        %add3A_671 = arith.constant 3 : i32
        %add3A_672 = arith.addi %add3A_643, %add3A_671 : i32
        %dma_start3A_673 = arith.constant 0 : i32
        %dma_start3A_674 = tpu.memref_slice %arg6[%add3A_672, %dma_start3A_673] : memref<25x80xi32, #tpu.memory_space<vmem>> -> memref<1x80xi32, #tpu.memory_space<vmem>>
        %dma_start3A_675 = tpu.memref_squeeze %dma_start3A_674 : memref<1x80xi32, #tpu.memory_space<vmem>> -> memref<80xi32, #tpu.memory_space<vmem>>
        %dma_start3A_676 = arith.constant 0 : i32
        %dma_start3A_677 = arith.constant 0 : i32
        %dma_start3A_678 = tpu.memref_slice %arg2[%dma_start3A_676, %dma_start3A_677] : memref<10000x128xf32, #tpu.memory_space<hbm>> -> memref<10000x128xf32, #tpu.memory_space<hbm>>
        tpu.enqueue_indirect_dma source(%dma_start3A_678 : memref<10000x128xf32, #tpu.memory_space<hbm>>) target(%arg11 : memref<80x128xf32, #tpu.memory_space<vmem>>) offsets(%dma_start3A_675 : memref<80xi32, #tpu.memory_space<vmem>>) semaphore(%arg16 : memref<!tpu.dma_semaphore, #tpu.memory_space<semaphore_mem>>)
      } else {
      }
    }
    %scan3A_545 = arith.constant 6 : i32
    %dma_wait3A_546 = arith.constant 24 : i32
    %dma_wait3A_547 = arith.constant 0 : i32
    %dma_wait3A_548 = tpu.memref_slice %arg7[%dma_wait3A_546, %dma_wait3A_547] : memref<25x80xi32, #tpu.memory_space<vmem>> -> memref<1x80xi32, #tpu.memory_space<vmem>>
    %dma_wait3A_549 = tpu.memref_squeeze %dma_wait3A_548 : memref<1x80xi32, #tpu.memory_space<vmem>> -> memref<80xi32, #tpu.memory_space<vmem>>
    %dma_wait3A_550 = arith.constant 0 : i32
    %dma_wait3A_551 = arith.constant 0 : i32
    %dma_wait3A_552 = tpu.memref_slice %arg12[%dma_wait3A_550, %dma_wait3A_551] : memref<10112x128xf32, #tpu.memory_space<vmem_shared>> -> memref<10112x128xf32, #tpu.memory_space<vmem_shared>>
    tpu.wait_indirect_dma semaphore(%arg17 : memref<!tpu.dma_semaphore, #tpu.memory_space<semaphore_mem>>) src(%arg8 : memref<80x128xf32, #tpu.memory_space<vmem>>) dst(%dma_wait3A_552 : memref<10112x128xf32, #tpu.memory_space<vmem_shared>>)
    %barrier3A_553 = arith.constant 0 : index
    tpu.barrier barrier_id(%barrier3A_553)
    "tpu.region"() ({
      %run_scoped3A = tpu.sem_alloc : memref<!tpu.dma_semaphore, #tpu.memory_space<semaphore_mem>>
      %dma_start3A_554 = arith.constant 0 : i32
      %dma_start3A_555 = tpu.memref_slice %arg5[%arg0, %mul3A_2, %dma_start3A_554] : memref<2x10112x128xf32, #tpu.memory_space<hbm>> -> memref<1x632x128xf32, #tpu.memory_space<hbm>>
      %dma_start3A_556 = tpu.memref_squeeze %dma_start3A_555 : memref<1x632x128xf32, #tpu.memory_space<hbm>> -> memref<632x128xf32, #tpu.memory_space<hbm>>
      %dma_start3A_557 = arith.constant 0 : i32
      %dma_start3A_558 = tpu.memref_slice %arg12[%mul3A_2, %dma_start3A_557] : memref<10112x128xf32, #tpu.memory_space<vmem_shared>> -> memref<632x128xf32, #tpu.memory_space<vmem_shared>>
      tpu.enqueue_dma source(%dma_start3A_558 : memref<632x128xf32, #tpu.memory_space<vmem_shared>>) target(%dma_start3A_556 : memref<632x128xf32, #tpu.memory_space<hbm>>) target_semaphore(%run_scoped3A : memref<!tpu.dma_semaphore, #tpu.memory_space<semaphore_mem>>)
      %dma_wait3A_559 = arith.constant 0 : i32
      %dma_wait3A_560 = tpu.memref_slice %arg5[%arg0, %mul3A_2, %dma_wait3A_559] : memref<2x10112x128xf32, #tpu.memory_space<hbm>> -> memref<1x632x128xf32, #tpu.memory_space<hbm>>
      %dma_wait3A_561 = tpu.memref_squeeze %dma_wait3A_560 : memref<1x632x128xf32, #tpu.memory_space<hbm>> -> memref<632x128xf32, #tpu.memory_space<hbm>>
      %dma_wait3A_562 = arith.constant 0 : i32
      %dma_wait3A_563 = tpu.memref_slice %arg12[%mul3A_2, %dma_wait3A_562] : memref<10112x128xf32, #tpu.memory_space<vmem_shared>> -> memref<632x128xf32, #tpu.memory_space<vmem_shared>>
      tpu.wait_dma2 semaphore(%run_scoped3A : memref<!tpu.dma_semaphore, #tpu.memory_space<semaphore_mem>>) src(%dma_wait3A_563 : memref<632x128xf32, #tpu.memory_space<vmem_shared>>) dst(%dma_wait3A_561 : memref<632x128xf32, #tpu.memory_space<hbm>>)
      tpu.yield
    }) : () -> ()
    return
  }
}

module attributes {stable_mosaic.version = 14 : i64} {
  func.func @_post_body(%arg0: i32, %arg1: memref<1x2000x128xf32, #tpu.memory_space<vmem>>, %arg2: memref<1x2000x128xf32, #tpu.memory_space<vmem>>, %arg3: memref<2000x128xf32, #tpu.memory_space<vmem>>, %arg4: memref<128x128xf32, #tpu.memory_space<vmem>>, %arg5: memref<384x128xf32, #tpu.memory_space<vmem>>, %arg6: memref<384x128xf32, #tpu.memory_space<vmem>>, %arg7: memref<1x384xf32, #tpu.memory_space<vmem>>, %arg8: memref<1x384xf32, #tpu.memory_space<vmem>>, %arg9: memref<2000x128xf32, #tpu.memory_space<vmem>>) attributes {dimension_semantics = [#tpu.dimension_semantics<arbitrary>], iteration_bounds = array<i64: 5>, scalar_prefetch = 0 : i64, scratch_operands = 0 : i64, tpu.core_type = #tpu.core_type<tc>, window_params = [{transform_indices = @transform_0, window_bounds = array<i64: 1, 2000, 128>}, {transform_indices = @transform_1, window_bounds = array<i64: 1, 2000, 128>}, {transform_indices = @transform_2, window_bounds = array<i64: 2000, 128>}, {pipeline_mode = #tpu.pipeline_mode<synchronous>, transform_indices = @transform_3, window_bounds = array<i64: 128, 128>}, {pipeline_mode = #tpu.pipeline_mode<synchronous>, transform_indices = @transform_4, window_bounds = array<i64: 384, 128>}, {pipeline_mode = #tpu.pipeline_mode<synchronous>, transform_indices = @transform_5, window_bounds = array<i64: 384, 128>}, {pipeline_mode = #tpu.pipeline_mode<synchronous>, transform_indices = @transform_6, window_bounds = array<i64: 1, 384>}, {pipeline_mode = #tpu.pipeline_mode<synchronous>, transform_indices = @transform_7, window_bounds = array<i64: 1, 384>}, {transform_indices = @transform_8, window_bounds = array<i64: 2000, 128>}]} {
    %get3A = arith.constant 0 : index
    %get3A_0 = arith.constant 0 : index
    %get3A_1 = vector.load %arg3[%get3A, %get3A_0] : memref<2000x128xf32, #tpu.memory_space<vmem>>, vector<2000x128xf32>
    %get3A_2 = arith.constant 0 : index
    %get3A_3 = arith.constant 0 : index
    %get3A_4 = vector.load %arg4[%get3A_2, %get3A_3] : memref<128x128xf32, #tpu.memory_space<vmem>>, vector<128x128xf32>
    %get3A_5 = arith.constant 0 : index
    %get3A_6 = arith.constant 0 : index
    %get3A_7 = vector.load %arg5[%get3A_5, %get3A_6] : memref<384x128xf32, #tpu.memory_space<vmem>>, vector<384x128xf32>
    %dot_general3A = arith.constant dense<0.000000e+00> : vector<128x384xf32>
    %dot_general3A_8 = tpu.matmul %get3A_4, %get3A_7, %dot_general3A {dimension_numbers = #tpu.dot_dimension_numbers<[1], [1], [0], [0], [0, 0, 1, 0], [], []>, transpose_lhs_hint = false} : vector<128x128xf32>, vector<384x128xf32>, vector<128x384xf32> -> vector<128x384xf32>
    %get3A_9 = arith.constant 0 : index
    %get3A_10 = arith.constant 0 : index
    %get3A_11 = arith.constant 0 : index
    %get3A_12 = vector.load %arg1[%get3A_9, %get3A_10, %get3A_11] : memref<1x2000x128xf32, #tpu.memory_space<vmem>>, vector<1x2000x128xf32>
    %get3A_13 = vector.shape_cast %get3A_12 : vector<1x2000x128xf32> to vector<2000x128xf32>
    %get3A_14 = arith.constant 0 : index
    %get3A_15 = arith.constant 0 : index
    %get3A_16 = arith.constant 0 : index
    %get3A_17 = vector.load %arg2[%get3A_14, %get3A_15, %get3A_16] : memref<1x2000x128xf32, #tpu.memory_space<vmem>>, vector<1x2000x128xf32>
    %get3A_18 = vector.shape_cast %get3A_17 : vector<1x2000x128xf32> to vector<2000x128xf32>
    %add3A = arith.addf %get3A_13, %get3A_18 : vector<2000x128xf32>
    %dot_general3A_19 = arith.constant dense<0.000000e+00> : vector<2000x384xf32>
    %dot_general3A_20 = tpu.matmul %add3A, %dot_general3A_8, %dot_general3A_19 {dimension_numbers = #tpu.dot_dimension_numbers<[1], [0], [0], [1], [0, 0, 1, 1], [], []>, transpose_lhs_hint = false} : vector<2000x128xf32>, vector<128x384xf32>, vector<2000x384xf32> -> vector<2000x384xf32>
    %get3A_21 = arith.constant 0 : index
    %get3A_22 = arith.constant 0 : index
    %get3A_23 = vector.load %arg7[%get3A_21, %get3A_22] : memref<1x384xf32, #tpu.memory_space<vmem>>, vector<1x384xf32>
    %add3A_24 = vector.broadcast %get3A_23 : vector<1x384xf32> to vector<2000x384xf32>
    %add3A_25 = arith.addf %dot_general3A_20, %add3A_24 : vector<2000x384xf32>
    %get3A_26 = arith.constant 0 : index
    %get3A_27 = arith.constant 0 : index
    %get3A_28 = vector.load %arg6[%get3A_26, %get3A_27] : memref<384x128xf32, #tpu.memory_space<vmem>>, vector<384x128xf32>
    %dot_general3A_29 = arith.constant dense<0.000000e+00> : vector<2000x384xf32>
    %dot_general3A_30 = tpu.matmul %get3A_1, %get3A_28, %dot_general3A_29 {dimension_numbers = #tpu.dot_dimension_numbers<[1], [1], [0], [0], [0, 0, 1, 0], [], []>, transpose_lhs_hint = false} : vector<2000x128xf32>, vector<384x128xf32>, vector<2000x384xf32> -> vector<2000x384xf32>
    %get3A_31 = arith.constant 0 : index
    %get3A_32 = arith.constant 0 : index
    %get3A_33 = vector.load %arg8[%get3A_31, %get3A_32] : memref<1x384xf32, #tpu.memory_space<vmem>>, vector<1x384xf32>
    %add3A_34 = vector.broadcast %get3A_33 : vector<1x384xf32> to vector<2000x384xf32>
    %add3A_35 = arith.addf %dot_general3A_30, %add3A_34 : vector<2000x384xf32>
    %slice3A = vector.extract_strided_slice %add3A_25 {offsets = [0, 0], sizes = [2000, 128], strides = [1, 1]} : vector<2000x384xf32> to vector<2000x128xf32>
    %slice3A_36 = vector.extract_strided_slice %add3A_35 {offsets = [0, 0], sizes = [2000, 128], strides = [1, 1]} : vector<2000x384xf32> to vector<2000x128xf32>
    %add3A_37 = arith.addf %slice3A, %slice3A_36 : vector<2000x128xf32>
    %logistic3A = arith.negf %add3A_37 : vector<2000x128xf32>
    %logistic3A_38 = math.exp %logistic3A : vector<2000x128xf32>
    %logistic3A_39 = arith.constant 1.000000e+00 : f32
    %logistic3A_40 = vector.broadcast %logistic3A_39 : f32 to vector<2000x128xf32>
    %logistic3A_41 = arith.addf %logistic3A_40, %logistic3A_38 : vector<2000x128xf32>
    %logistic3A_42 = arith.divf %logistic3A_40, %logistic3A_41 : vector<2000x128xf32>
    %slice3A_43 = vector.extract_strided_slice %add3A_25 {offsets = [0, 128], sizes = [2000, 128], strides = [1, 1]} : vector<2000x384xf32> to vector<2000x128xf32>
    %slice3A_44 = vector.extract_strided_slice %add3A_35 {offsets = [0, 128], sizes = [2000, 128], strides = [1, 1]} : vector<2000x384xf32> to vector<2000x128xf32>
    %add3A_45 = arith.addf %slice3A_43, %slice3A_44 : vector<2000x128xf32>
    %logistic3A_46 = arith.negf %add3A_45 : vector<2000x128xf32>
    %logistic3A_47 = math.exp %logistic3A_46 : vector<2000x128xf32>
    %logistic3A_48 = arith.constant 1.000000e+00 : f32
    %logistic3A_49 = vector.broadcast %logistic3A_48 : f32 to vector<2000x128xf32>
    %logistic3A_50 = arith.addf %logistic3A_49, %logistic3A_47 : vector<2000x128xf32>
    %logistic3A_51 = arith.divf %logistic3A_49, %logistic3A_50 : vector<2000x128xf32>
    %slice3A_52 = vector.extract_strided_slice %add3A_25 {offsets = [0, 256], sizes = [2000, 128], strides = [1, 1]} : vector<2000x384xf32> to vector<2000x128xf32>
    %slice3A_53 = vector.extract_strided_slice %add3A_35 {offsets = [0, 256], sizes = [2000, 128], strides = [1, 1]} : vector<2000x384xf32> to vector<2000x128xf32>
    %mul3A = arith.mulf %logistic3A_42, %slice3A_53 : vector<2000x128xf32>
    %add3A_54 = arith.addf %slice3A_52, %mul3A : vector<2000x128xf32>
    %tanh3A = math.tanh %add3A_54 : vector<2000x128xf32>
    %sub3A = arith.constant 1.000000e+00 : f32
    %sub3A_55 = vector.broadcast %sub3A : f32 to vector<2000x128xf32>
    %sub3A_56 = arith.subf %sub3A_55, %logistic3A_51 : vector<2000x128xf32>
    %mul3A_57 = arith.mulf %sub3A_56, %tanh3A : vector<2000x128xf32>
    %mul3A_58 = arith.mulf %logistic3A_51, %get3A_1 : vector<2000x128xf32>
    %add3A_59 = arith.addf %mul3A_57, %mul3A_58 : vector<2000x128xf32>
    %max3A = arith.constant 0.000000e+00 : f32
    %max3A_60 = vector.broadcast %max3A : f32 to vector<2000x128xf32>
    %max3A_61 = arith.maximumf %add3A_59, %max3A_60 : vector<2000x128xf32>
    %add3A_62 = arith.addf %get3A_1, %max3A_61 : vector<2000x128xf32>
    %swap3A = arith.constant 0 : index
    %swap3A_63 = arith.constant 0 : index
    %swap3A_64 = vector.load %arg9[%swap3A, %swap3A_63] : memref<2000x128xf32, #tpu.memory_space<vmem>>, vector<2000x128xf32>
    tpu.vector_store %arg9[%swap3A, %swap3A_63], %add3A_62 {strides = array<i32>} : memref<2000x128xf32, #tpu.memory_space<vmem>>, vector<2000x128xf32>,
    return
  }
  func.func @transform_0(%arg0: i32) -> (i32, i32, i32) {
    %c0_i32 = arith.constant 0 : i32
    %c0_i32_0 = arith.constant 0 : i32
    %c0_i32_1 = arith.constant 0 : i32
    return %c0_i32, %arg0, %c0_i32_0 : i32, i32, i32
  }
  func.func @transform_1(%arg0: i32) -> (i32, i32, i32) {
    %c1_i32 = arith.constant 1 : i32
    %c0_i32 = arith.constant 0 : i32
    %c0_i32_0 = arith.constant 0 : i32
    return %c1_i32, %arg0, %c0_i32 : i32, i32, i32
  }
  func.func @transform_2(%arg0: i32) -> (i32, i32) {
    %c0_i32 = arith.constant 0 : i32
    %c0_i32_0 = arith.constant 0 : i32
    return %arg0, %c0_i32 : i32, i32
  }
  func.func @transform_3(%arg0: i32) -> (i32, i32) {
    %c0_i32 = arith.constant 0 : i32
    %c0_i32_0 = arith.constant 0 : i32
    %c0_i32_1 = arith.constant 0 : i32
    return %c0_i32, %c0_i32_0 : i32, i32
  }
  func.func @transform_4(%arg0: i32) -> (i32, i32) {
    %c0_i32 = arith.constant 0 : i32
    %c0_i32_0 = arith.constant 0 : i32
    %c0_i32_1 = arith.constant 0 : i32
    return %c0_i32, %c0_i32_0 : i32, i32
  }
  func.func @transform_5(%arg0: i32) -> (i32, i32) {
    %c0_i32 = arith.constant 0 : i32
    %c0_i32_0 = arith.constant 0 : i32
    %c0_i32_1 = arith.constant 0 : i32
    return %c0_i32, %c0_i32_0 : i32, i32
  }
  func.func @transform_6(%arg0: i32) -> (i32, i32) {
    %c0_i32 = arith.constant 0 : i32
    %c0_i32_0 = arith.constant 0 : i32
    %c0_i32_1 = arith.constant 0 : i32
    return %c0_i32, %c0_i32_0 : i32, i32
  }
  func.func @transform_7(%arg0: i32) -> (i32, i32) {
    %c0_i32 = arith.constant 0 : i32
    %c0_i32_0 = arith.constant 0 : i32
    %c0_i32_1 = arith.constant 0 : i32
    return %c0_i32, %c0_i32_0 : i32, i32
  }
  func.func @transform_8(%arg0: i32) -> (i32, i32) {
    %c0_i32 = arith.constant 0 : i32
    %c0_i32_0 = arith.constant 0 : i32
    return %arg0, %c0_i32 : i32, i32
  }
}

</mosaic_0001>

<sc_bundles>
// kernel: kernel.4.cloned.1.call-start
scs
__scs_entry_jumppad:
0x0: {  	(pc) =	sbr.rel $0x88, $3  }
0x1: {  	(tag) =	ssettag $0x0;
	lr =	simm.s32 $0x1  }
0x2: {  	[smem:$0x3F9A] =	sst lr;
	_ =	strace $0xD0000000  }
0x3: {  	_ = 	snop  }
0x4: {  	_ = 	snop  }
0x5: {  	_ = 	snop  }
0x6: {  	_ = 	snop  }
0x7: {  	_ = 	snop  }
__scs_overlays_trampoline_lowered:
0x8: {  	[smem:$0x3FA9] =	sst s0  }
0x9: {  	[smem:$0x3FAA] =	sst s1  }
0xa: {  	[smem:$0x3FAB] =	sst s2  }
0xb: {  	[smem:$0x3FAC] =	sst s3  }
0xc: {  	[smem:$0x3FAD] =	sst s4  }
0xd: {  	[smem:$0x3FAE] =	sst s5  }
0xe: {  	[smem:$0x3FAF] =	sst s6  }
0xf: {  	[smem:$0x3FB0] =	sst s7  }
0x10: {  	[smem:$0x3FB1] =	sst s8  }
0x11: {  	[smem:$0x3FB2] =	sst s9;
	s0 =	simm.s32 @!p0 $0x0  }
0x12: {  	s1 =	sld [smem:$0x3F98];
	s0 =	simm.s32 @p0 $0x1  }
0x13: {  	[smem:$0x3FB3] =	sst s0;
	s0 =	simm.s32 @!p1 $0x0  }
0x14: {  	s2 =	sld [smem:$0x3F97];
	s0 =	simm.s32 @p1 $0x1  }
0x15: {  	[smem:$0x3FB4] =	sst s0;
	s0 =	simm.s32 @!p2 $0x0  }
0x16: {  	s3 =	sld [smem:$0x3FDB];
	s0 =	simm.s32 @p2 $0x1  }
0x17: {  	s4 =	simm.s32 $0x1BF5;
	[smem:$0x3FB6] =	sst s0  }
0x18: {  	s0 =	sld [smem:$0x3F99];
	_ =	swait.ge [sflag:s4], $0x0  }
0x19: {  	s7 =	sld [smem:$0x3F9A]  }
0x1a: {  	s8 =	sadd.s32 $0xFFFFE003, lr  }
0x1b: {  	s9 =	sadd.s32 $0xFFFFFEF7, lr;
	s5 =	simm.s32 $0xFFFFFFFF;
	p2 =	slt.u32 s8, $0xFFFFF086  }
0x1c: {  	p1 =	slt.u32 s9, $0xF7A;
	s5 =	simm.s32 @!p2 $0x0  }
0x1d: {  	s5 =	simm.s32 @p1 $0x1;
	p0 =	seq.s32 s7, s2  }
0x1e: {  	s7 =	smul.u32 @!p0 $0xF7A, s2;
	p2 =	seq.s32 @!p0 s5, $0x0  }
0x1f: {  	s9 =	smul.u32 $0xF7A, s1;
	s8 =	simm.s32 @!p0 $0x1BF5;
	p2 =	por !p2, p0  }
0x20: {  	[sflag:s8] =	ssyncset.s32 @!p0 $0xFFFFF086;
	s6 =	sadd.s32 @!p0 s3, s7;
	s7 =	simm.s32 @!p0 $0x108  }
0x21: {  	s3 =	sadd.s32 s3, s9;
	s6 =	sadd.s32 @!p0 $0x88, s6;
	s7 =	simm.s32 @p2 $0x1082  }
0x22: {  	[simem:s7], [sflag:s8] =	dma.local @!p0 [hbm:s6], $0xF7A  }
0x23: {  	s9 =	sor.u32 $0xD0000000, s2;
	s6 =	simm.s32 $0x108;
	_ =	swait.ge @!p0 [sflag:s8], $0x0  }
0x24: {  	s3 =	sadd.s32 $0x88, s3;
	s6 =	simm.s32 @!p1 $0x1082;
	[sflag:s4] =	ssyncset.s32 $0xFFFFF086  }
0x25: {  	[simem:s6], [sflag:s4] =	dma.local [hbm:s3], $0xF7A  }
0x26: {  	[smem:$0x3F9A] =	sst s1;
	(tag) =	ssettag s2;
	_ =	strace s9  }
0x27: {  	s1 =	sld [smem:$0x3FAA]  }
0x28: {  	s2 =	sld [smem:$0x3FAB]  }
0x29: {  	s4 =	sld [smem:$0x3FAD]  }
0x2a: {  	p0 =	seq.s32 s5, $0x0;
	s5 =	sld [smem:$0x3FAE]  }
0x2b: {  	s6 =	sld [smem:$0x3FAF]  }
0x2c: {  	s7 =	sld [smem:$0x3FB0]  }
0x2d: {  	s3 =	simm.s32 $0x108;
	s8 =	sld [smem:$0x3FB1]  }
0x2e: {  	s3 =	simm.s32 @!p0 $0x1082;
	s9 =	sld [smem:$0x3FB2]  }
0x2f: {  	lr =	sadd.s32 s0, s3;
	s0 =	sld [smem:$0x3FA9]  }
0x30: {  	s3 =	sld [smem:$0x3FAC]  }
0x31: {  	[smem:$0x3FB5] =	sst s10  }
0x32: {  	s10 =	sld [smem:$0x3FB3];
	_ =	sdelay $0x3  }
0x33: {  	p0 =	seq.s32 s10, $0x1;
	s10 =	sld [smem:$0x3FB5];
	_ =	sdelay $0x3  }
0x34: {  	[smem:$0x3FB5] =	sst s10  }
0x35: {  	s10 =	sld [smem:$0x3FB4];
	_ =	sdelay $0x3  }
0x36: {  	p1 =	seq.s32 s10, $0x1;
	s10 =	sld [smem:$0x3FB5];
	_ =	sdelay $0x3  }
0x37: {  	[smem:$0x3FB5] =	sst s10  }
0x38: {  	s10 =	sld [smem:$0x3FB6]  }
0x39: {  	_ = 	snop;
	(pc) =	sbr.ind lr, $3  }
0x3a: {  	_ = 	snop  }
0x3b: {  	_ = 	snop  }
0x3c: {  	p2 =	seq.s32 s10, $0x1;
	s10 =	sld [smem:$0x3FB5]  }
0x3d: {  	_ =	shalt  }
0x3e: {  	_ =	shalt  }
0x3f: {  	_ =	shalt  }
0x40: {  	_ =	shalt  }
0x41: {  	_ =	shalt  }
0x42: {  	_ =	shalt  }
0x43: {  	_ =	shalt  }
0x44: {  	_ =	shalt  }
0x45: {  	_ =	shalt  }
0x46: {  	_ =	shalt  }
0x47: {  	_ =	shalt  }
0x48: {  	_ =	shalt  }
0x49: {  	_ =	shalt  }
0x4a: {  	_ =	shalt  }
0x4b: {  	_ =	shalt  }
0x4c: {  	_ =	shalt  }
0x4d: {  	_ =	shalt  }
0x4e: {  	_ =	shalt  }
0x4f: {  	_ =	shalt  }
0x50: {  	_ =	shalt  }
0x51: {  	_ =	shalt  }
0x52: {  	_ =	shalt  }
0x53: {  	_ =	shalt  }
0x54: {  	_ =	shalt  }
0x55: {  	_ =	shalt  }
0x56: {  	_ =	shalt  }
0x57: {  	_ =	shalt  }
0x58: {  	_ =	shalt  }
0x59: {  	_ =	shalt  }
0x5a: {  	_ =	shalt  }
0x5b: {  	_ =	shalt  }
0x5c: {  	_ =	shalt  }
0x5d: {  	_ =	shalt  }
0x5e: {  	_ =	shalt  }
0x5f: {  	_ =	shalt  }
0x60: {  	_ =	shalt  }
0x61: {  	_ =	shalt  }
0x62: {  	_ =	shalt  }
0x63: {  	_ =	shalt  }
0x64: {  	_ =	shalt  }
0x65: {  	_ =	shalt  }
0x66: {  	_ =	shalt  }
0x67: {  	_ =	shalt  }
0x68: {  	_ =	shalt  }
0x69: {  	_ =	shalt  }
0x6a: {  	_ =	shalt  }
0x6b: {  	_ =	shalt  }
0x6c: {  	_ =	shalt  }
0x6d: {  	_ =	shalt  }
0x6e: {  	_ =	shalt  }
0x6f: {  	_ =	shalt  }
0x70: {  	_ =	shalt  }
0x71: {  	_ =	shalt  }
0x72: {  	_ =	shalt  }
0x73: {  	_ =	shalt  }
0x74: {  	_ =	shalt  }
0x75: {  	_ =	shalt  }
0x76: {  	_ =	shalt  }
0x77: {  	_ =	shalt  }
0x78: {  	_ =	shalt  }
0x79: {  	_ =	shalt  }
0x7a: {  	_ =	shalt  }
0x7b: {  	_ =	shalt  }
0x7c: {  	_ =	shalt  }
0x7d: {  	_ =	shalt  }
0x7e: {  	_ =	shalt  }
0x7f: {  	_ =	shalt  }
0x80: {  	_ =	shalt  }
0x81: {  	_ =	shalt  }
0x82: {  	_ =	shalt  }
0x83: {  	_ =	shalt  }
0x84: {  	_ =	shalt  }
0x85: {  	_ =	shalt  }
0x86: {  	_ =	shalt  }
0x87: {  	_ =	shalt  }
.Lfunc_end0:
.L_simem_size_0:
called_computation_lowered:
.L_overlay_start_0:
0x88: {  	s2 =	sld [smem:$0x3FD9]  }
0x89: {  	s3 =	sld [smem:$0x3FFE];
	_ =	sdelay $0x1  }
0x8a: {  	s1 =	srdreg.scid  }
0x8b: {  	s0 =	sand.u32 $0x1, s1  }
0x8c: {  	s17 =	sshll.u32 s0, $0xA;
	s2 =	sadd.s32 s3, s2  }
0x8d: {  	s2 =	sadd.s32 s2, s17  }
0x8e: {  	[smem:$0x3FC1] =	sst s2  }
0x8f: {  	_ = 	snop  }
0x90: {  	s2 =	sld [smem:$0x3FC9]  }
0x91: {  	s18 =	sld [smem:$0x3FD0];
	(tm) =	ssettm $0x1  }
0x92: {  	s4 =	sld [smem:$0x3FFB];
	_ =	sdelay $0x3  }
0x93: {  	_ =	strace s4  }
0x94: {  	s4 =	sld [smem:$0x3FFC];
	_ =	sdelay $0x3  }
0x95: {  	_ =	strace s4  }
0x96: {  	s4 =	sld [smem:$0x3FFD];
	_ =	sdelay $0x3  }
0x97: {  	_ =	strace s4  }
0x98: {  	_ =	strace $0x8FFFFFFF  }
0x99: {  	s19 =	sld [smem:$0x3FDB];
	_ =	sdelay $0x1  }
0x9a: {  	s5 =	simm.s32 $_scs_section_size  }
0x9b: {  	s6 =	simm.s32 $_size__tile_overlayer_lowered;
	s7 =	simm.s32 $_tile_overlayer_lowered  }
0x9c: {  	s22 =	simm.s32 $0x1BFF;
	s21 =	sshll.u32 s7, $0x1;
	s4 =	sadd.s32 s5, s19  }
0x9d: {  	s8 =	simm.s32 $0x0;
	s20 =	sshll.u32 s6, $0x1;
	s6 =	sadd.s32 s21, s4  }
0x9e: {  	[timem:s8], [sflag:s22] =	dma.local [hbm:s6], s20  }
0x9f: {  	_ =	swait.ge [sflag:s22], s20  }
0xa0: {  	s5 =	ssub.s32 $0x0, s20;
	[sflag:s22] =	ssyncset.done $0x0  }
0xa1: {  	[sflag:s22] =	ssyncadd.s32 s5;
	_ =	sdelay $0x1  }
0xa2: {  	s23 =	simm.s32 $0x1B8B  }
0xa3: {  	_ =	swait.ge [sflag:s23], $0x1  }
0xa4: {  	[sflag:s23] =	ssyncset.done $0x0  }
0xa5: {  	s25 =	simm.s32 $0x1B8E;
	s24 =	sld [smem:$0x3FFE];
	[sflag:s23] =	ssyncadd.s32 $0xFFFFFFFF  }
0xa6: {  	s26 =	simm.s32 $execute0_lowered;
	[smem:$0x3FD2] =	sst s25  }
0xa7: {  	s6 =	sshll.u32 s26, $0x1;
	_ =	strace $0x80000046;
	[dreg:$0x1] =	wrdreg $0xFFFFFFFF  }
0xa8: {  	s28 =	simm.s32 $_size_execute0_lowered;
	s4 =	sadd.s32 s4, s6;
	[dreg:$0x0] =	wrdreg $0x0  }
0xa9: {  	s6 =	sshll.u32 s28, $0x1;
	[dreg:$0x2] =	wrdreg s4  }
0xaa: {  	[dreg:$0x3] =	wrdreg s6  }
0xab: {  	[dreg:$0x4] =	wrdreg $0xC0  }
0xac: {  	_ =	task [dreg:s8], $0x5FFFF  }
0xad: {  	[dreg:$0x1] =	wrdreg $0xFFFFFFFF  }
0xae: {  	[dreg:$0x0] =	wrdreg $0x60  }
0xaf: {  	[dreg:$0x2] =	wrdreg s2  }
0xb0: {  	[dreg:$0x3] =	wrdreg s18  }
0xb1: {  	[dreg:$0x4] =	wrdreg s24  }
0xb2: {  	[dreg:$0x5] =	wrdreg $0xC0000  }
0xb3: {  	[dreg:$0x6] =	wrdreg $0x9  }
0xb4: {  	_ =	task.clear_ibuf [dreg:s8], $0x7FFFF;
	_ =	strace $0x90000046  }
0xb5: {  	s29 =	simm.s32 $0x9;
	_ =	strace $0x80000048  }
0xb6: {  	_ =	swait.ge [sflag:s29], $0x1  }
0xb7: {  	[sflag:s29] =	ssyncadd.s32 $0xFFFFFFFF  }
0xb8: {  	_ =	strace $0x90000048  }
0xb9: {  	_ =	sfence  }
0xba: {  	s30 =	sld [smem:$0x0];
	_ =	sdelay $0x2  }
0xbb: {  	s31 =	sshll.u32 s1, $0xD;
	s1 =	sshrl.u32 s1, $0x2  }
0xbc: {  	s3 =	sand.u32 $0x4000, s31;
	s1 =	sadd.s32 s1, s30  }
0xbd: {  	s0 =	sor.u32 s3, s0;
	s1 =	sshll.u32 s1, $0x11  }
0xbe: {  	s0 =	sor.u32 s1, s0  }
0xbf: {  	s0 =	sadd.s32 $0x8F2B, s0  }
0xc0: {  	[sflag:s0] =	ssyncadd.remote.s32 $0x1  }
0xc1: {  	_ =	sfence.sel $0xFFFF  }
0xc2: {  	[dreg:$0x0] =	wrdreg $0xFFFFFFFF;
	(pc) =	sbr.abs _section_cstart, $3  }
0xc3: {  	[dreg:$0x1] =	wrdreg $0xFFFFFFFF  }
0xc4: {  	_ =	task.clear_ibuf [dreg:s8], $0x2FFFF;
	_ =	strace $0x9FFFFFFF  }
0xc5: {  	(tm) =	ssettm $0x7FFFFFFF  }
tec
execute0_lowered:
.L_overlay_start_1:
0x0: {  	(tag) =	ssettag $0x1  }
0x1: {  	s1 =	rddreg [dreg:$0x0]  }
0x2: {  	s0 =	rddreg [dreg:$0x1]  }
0x3: {  	s3 =	rddreg [dreg:$0x2]  }
0x4: {  	s2 =	rddreg [dreg:$0x3];
	s4 =	srdreg.scid  }
0x5: {  	s25 =	simm.s32 $0x0;
	s10 =	stileid.u32;
	s30 =	simm.s32 $0x1000  }
0x6: {  	s28 =	simm.s32 $0x50;
	s29 =	simm.s32 $0x2000;
	s24 =	smul.u32 $0x4F000, s10  }
0x7: {  	s31 =	simm.s32 $0x4800;
	s5 =	sand.u32 $0x1, s4;
	s9 =	sshll.u32 s10, $0x1  }
0x8: {  	[smem:$0x7FF] =	sst s25;
	s23 =	sor.u32 s5, s9;
	s9 =	sshrl.u32 s24, $0x2  }
0x9: {  	s7 =	smul.u32 $0x13C00, s10;
	s8 =	sadd.s32 $0x1000, s3;
	s9 =	sadd.s32 s9, s2  }
0xa: {  	_ =	strace $0x80000047;
	s11 =	sadd.s32 $0x2800, s9;
	[dreg:$0x5] =	wrdreg s9  }
0xb: {  	s6 =	smul.u32 $0x13C000, s5;
	s12 =	sadd.s32 $0x5000, s9;
	[dreg:$0x8] =	wrdreg s11  }
0xc: {  	s5 =	ssub.s32 $0x2, s5;
	s13 =	sadd.s32 $0x7800, s9;
	[dreg:$0x9] =	wrdreg s12  }
0xd: {  	s26 =	sshrl.u32 s5, $0x1;
	s14 =	sadd.s32 $0xA000, s9;
	[dreg:$0xa] =	wrdreg s13  }
0xe: {  	s6 =	sadd.s32 s7, s6;
	s15 =	sadd.s32 $0xC800, s9;
	[dreg:$0xb] =	wrdreg s14  }
0xf: {  	s7 =	smul.u32 $0x5000, s23;
	s16 =	sadd.s32 $0xF000, s9;
	[dreg:$0xc] =	wrdreg s15  }
0x10: {  	s5 =	ssub.s32 s5, s26;
	s9 =	sadd.s32 $0x11800, s9;
	[dreg:$0xd] =	wrdreg s16  }
0x11: {  	s6 =	sshrl.u32 s6, $0x3;
	s26 =	smax.u32 s5, $0x1;
	[dreg:$0xe] =	wrdreg s9  }
0x12: {  	s3 =	sadd.s32 s6, s3;
	s4 =	sshrl.u32 s7, $0x3;
	[dreg:$0x18] =	wrdreg s26  }
0x13: {  	s26 =	simm.s32 $0x7;
	s11 =	simm.s32 $0x5;
	s7 =	sadd.s32 s0, s4  }
0x14: {  	s14 =	simm.s32 $0x3;
	s10 =	sadd.s32 s8, s4;
	[dreg:$0x6] =	wrdreg s7  }
0x15: {  	s17 =	sadd.s32 $0x200, s4;
	s24 =	sadd.s32 $0x15000, s3;
	[dreg:$0x7] =	wrdreg s10  }
0x16: {  	s15 =	simm.s32 $0x6;
	s18 =	sadd.s32 s0, s17;
	[dreg:$0x17] =	wrdreg s24  }
0x17: {  	s19 =	sadd.s32 $0x400, s4;
	s7 =	sadd.s32 s8, s17;
	[dreg:$0xf] =	wrdreg s18  }
0x18: {  	s21 =	sadd.s32 $0x600, s4;
	s20 =	sadd.s32 s0, s19;
	[dreg:$0x10] =	wrdreg s7  }
0x19: {  	s6 =	sadd.s32 $0x800, s4;
	s9 =	sadd.s32 s8, s19;
	[dreg:$0x11] =	wrdreg s20  }
0x1a: {  	s3 =	simm.s32 $0x7000;
	s22 =	sadd.s32 s0, s21;
	[dreg:$0x12] =	wrdreg s9  }
0x1b: {  	s4 =	simm.s32 $0x0;
	s0 =	sadd.s32 s0, s6;
	[dreg:$0x13] =	wrdreg s22  }
0x1c: {  	s23 =	sadd.s32 s8, s6;
	s6 =	simm.s32 $0x9800;
	[dreg:$0x15] =	wrdreg s0  }
0x1d: {  	s10 =	simm.s32 $0x2;
	s7 =	sadd.s32 s8, s21;
	[dreg:$0x16] =	wrdreg s23  }
0x1e: {  	s21 =	simm.s32 $0x80;
	s20 =	simm.s32 $0x100;
	s8 =	simm.s32 $0x1  }
0x1f: {  	v0 =	vimm.f32 $0.0e+00;
	s18 =	simm.s32 $0x4;
	[dreg:$0x14] =	wrdreg s7;
	s7 =	simm.s32 $0x8  }
.LBB2_1:
0x20: {  	[dreg:$0x19] =	wrdreg s4  }
0x21: {  	s19 =	rddreg [dreg:$0x6]  }
0x22: {  	[tilespmem:s25], [sflag:$0x7] =	stream.linear.gather [hbm4b:s19+s25], $0xC80, $0x38;
	[tilespmem:$0x1FC00] =	vst v63  }
0x23: {  	s24 =	rddreg [dreg:$0x7]  }
0x24: {  	[tilespmem:s30], [sflag:$0x8] =	stream.linear.gather [hbm4b:s24+s25], $0xC80, $0x38;
	[tilespmem:$0x1FC00] =	vst v63  }
0x25: {  	_ =	swait.ge [sflag:s26], $0xC80  }
0x26: {  	[sflag:s26] =	ssyncset.done $0x0  }
0x27: {  	[sflag:s26] =	ssyncadd.s32 $0xFFFFF380  }
0x28: {  	[tilespmem:s29], [sflag:$0x1] =	stream.indirect.gather [hbm4b:s1+s28], $0x80, s25, s28, $0xb8;
	[tilespmem:$0x1FC00] =	vst v63  }
0x29: {  	_ = 	snop  }
0x2a: {  	[tilespmem:s31], [sflag:$0x2] =	stream.indirect.gather [hbm4b:s1+s28], $0x80, s21, s28, $0xb8;
	[tilespmem:$0x1FC00] =	vst v63  }
0x2b: {  	_ = 	snop  }
0x2c: {  	[tilespmem:s3], [sflag:$0x3] =	stream.indirect.gather [hbm4b:s1+s28], $0x80, s20, s28, $0xb8;
	[tilespmem:$0x1FC00] =	vst v63  }
0x2d: {  	s19 =	simm.s32 $0x0;
	s20 =	simm.s32 $0x200  }
.LBB2_2:
0x2e: {  	p0 =	sne.s32 s20, $0x9E00;
	[tilespmem:s19+$0x9870] =	vst v0  }
0x2f: {  	[tilespmem:s19+$0x9800] =	vst v0  }
0x30: {  	[tilespmem:s19+$0x9810] =	vst v0  }
.Ltmp0:
0x31: {  	[tilespmem:s19+$0x9820] =	vst v0;
	(pc) =	sbr.rel @p0 .LBB2_2-.Ltmp0, $4  }
0x32: {  	[tilespmem:s19+$0x9830] =	vst v0  }
0x33: {  	[tilespmem:s19+$0x9840] =	vst v0  }
0x34: {  	[tilespmem:s19+$0x9850] =	vst v0  }
0x35: {  	[tilespmem:s19+$0x9860] =	vst v0;
	s19 =	sshra.s32 s20, $0x2;
	s20 =	sadd.s32 $0x200, s20  }
0x36: {  	[tilespmem:s19+$0x9870] =	vst v0  }
0x37: {  	[tilespmem:s19+$0x9800] =	vst v0  }
0x38: {  	[tilespmem:s19+$0x9810] =	vst v0  }
0x39: {  	[tilespmem:s19+$0x9820] =	vst v0  }
0x3a: {  	[tilespmem:s19+$0x9830] =	vst v0  }
0x3b: {  	[tilespmem:s19+$0x9840] =	vst v0  }
0x3c: {  	[tilespmem:s19+$0x9850] =	vst v0  }
0x3d: {  	[tilespmem:s19+$0x9860] =	vst v0;
	s0 =	rddreg [dreg:$0x5]  }
0x3e: {  	[spmem:s0] =	stream.linear.scatter [tilespmem:s6], [sflag:$0x7], $0x2800, $0x38;
	[tilespmem:$0x1FC00] =	vst v63  }
0x3f: {  	s4 =	rddreg [dreg:$0x8]  }
0x40: {  	[spmem:s4] =	stream.linear.scatter [tilespmem:s6], [sflag:$0x7], $0x2800, $0x38;
	[tilespmem:$0x1FC00] =	vst v63  }
0x41: {  	s5 =	rddreg [dreg:$0x9]  }
0x42: {  	[spmem:s5] =	stream.linear.scatter [tilespmem:s6], [sflag:$0x7], $0x2800, $0x38;
	[tilespmem:$0x1FC00] =	vst v63  }
0x43: {  	s9 =	rddreg [dreg:$0xa]  }
0x44: {  	[spmem:s9] =	stream.linear.scatter [tilespmem:s6], [sflag:$0x7], $0x2800, $0x38;
	[tilespmem:$0x1FC00] =	vst v63  }
0x45: {  	s12 =	rddreg [dreg:$0xb]  }
0x46: {  	[spmem:s12] =	stream.linear.scatter [tilespmem:s6], [sflag:$0x7], $0x2800, $0x38;
	[tilespmem:$0x1FC00] =	vst v63  }
0x47: {  	s13 =	rddreg [dreg:$0xc]  }
0x48: {  	[spmem:s13] =	stream.linear.scatter [tilespmem:s6], [sflag:$0x7], $0x2800, $0x38;
	[tilespmem:$0x1FC00] =	vst v63  }
0x49: {  	s16 =	rddreg [dreg:$0xd]  }
0x4a: {  	[spmem:s16] =	stream.linear.scatter [tilespmem:s6], [sflag:$0x7], $0x2800, $0x38;
	[tilespmem:$0x1FC00] =	vst v63  }
0x4b: {  	s17 =	rddreg [dreg:$0xe]  }
0x4c: {  	[spmem:s17] =	stream.linear.scatter [tilespmem:s6], [sflag:$0x7], $0x2400, $0x38;
	[tilespmem:$0x1FC00] =	vst v63  }
0x4d: {  	_ =	swait.ge [sflag:s26], $0x2800  }
0x4e: {  	[sflag:s26] =	ssyncset.done $0x0  }
0x4f: {  	[sflag:s26] =	ssyncadd.s32 $0xFFFFD800  }
0x50: {  	_ =	swait.ge [sflag:s26], $0x2800  }
0x51: {  	[sflag:s26] =	ssyncset.done $0x0  }
0x52: {  	[sflag:s26] =	ssyncadd.s32 $0xFFFFD800  }
0x53: {  	_ =	swait.ge [sflag:s26], $0x2800  }
0x54: {  	[sflag:s26] =	ssyncset.done $0x0  }
0x55: {  	[sflag:s26] =	ssyncadd.s32 $0xFFFFD800  }
0x56: {  	_ =	swait.ge [sflag:s26], $0x2800  }
0x57: {  	[sflag:s26] =	ssyncset.done $0x0  }
0x58: {  	[sflag:s26] =	ssyncadd.s32 $0xFFFFD800  }
0x59: {  	_ =	swait.ge [sflag:s26], $0x2800  }
0x5a: {  	[sflag:s26] =	ssyncset.done $0x0  }
0x5b: {  	[sflag:s26] =	ssyncadd.s32 $0xFFFFD800  }
0x5c: {  	_ =	swait.ge [sflag:s26], $0x2800  }
0x5d: {  	[sflag:s26] =	ssyncset.done $0x0  }
0x5e: {  	[sflag:s26] =	ssyncadd.s32 $0xFFFFD800  }
0x5f: {  	_ =	swait.ge [sflag:s26], $0x2800  }
0x60: {  	[sflag:s26] =	ssyncset.done $0x0  }
0x61: {  	[sflag:s26] =	ssyncadd.s32 $0xFFFFD800  }
0x62: {  	_ =	swait.ge [sflag:s26], $0x2400  }
0x63: {  	[sflag:s26] =	ssyncset.done $0x0  }
0x64: {  	[sflag:s26] =	ssyncadd.s32 $0xFFFFDC00  }
0x65: {  	[bflag:$0x0] =	sbarrier.arrive $0xFFFF  }
0x66: {  	_ =	swait.ge [sflag:s7], $0xC80  }
0x67: {  	[sflag:s7] =	ssyncset.done $0x0  }
0x68: {  	[sflag:s7] =	ssyncadd.s32 $0xFFFFF380  }
0x69: {  	_ =	swait.ge [sflag:s8], $0x2800  }
0x6a: {  	[sflag:s8] =	ssyncset.done $0x0  }
0x6b: {  	[sflag:s8] =	ssyncadd.s32 $0xFFFFD800  }
0x6c: {  	[spmem:s2] =	stream.indirect.scatter.add.f32 [tilespmem:s29], [sflag:$0x5], $0x80, s30, s28, $0xb8;
	[tilespmem:$0x1FC00] =	vst v63  }
0x6d: {  	s20 =	simm.s32 $0x180  }
0x6e: {  	[tilespmem:s6], [sflag:$0x4] =	stream.indirect.gather [hbm4b:s1+s28], $0x80, s20, s28, $0xb8;
	[tilespmem:$0x1FC00] =	vst v63  }
0x6f: {  	_ =	swait.ge [sflag:s10], $0x2800  }
0x70: {  	[sflag:s10] =	ssyncset.done $0x0  }
0x71: {  	[sflag:s10] =	ssyncadd.s32 $0xFFFFD800  }
0x72: {  	_ =	swait.ge [sflag:s11], $0x2800  }
0x73: {  	[sflag:s11] =	ssyncset.done $0x0  }
0x74: {  	s22 =	simm.s32 $0x1080;
	[sflag:s11] =	ssyncadd.s32 $0xFFFFD800  }
0x75: {  	[spmem:s2] =	stream.indirect.scatter.add.f32 [tilespmem:s31], [sflag:$0x6], $0x80, s22, s28, $0xb8;
	[tilespmem:$0x1FC00] =	vst v63  }
0x76: {  	s23 =	simm.s32 $0x200  }
0x77: {  	[tilespmem:s29], [sflag:$0x1] =	stream.indirect.gather [hbm4b:s1+s28], $0x80, s23, s28, $0xb8;
	[tilespmem:$0x1FC00] =	vst v63  }
0x78: {  	_ =	swait.ge [sflag:s14], $0x2800  }
0x79: {  	[sflag:s14] =	ssyncset.done $0x0  }
0x7a: {  	[sflag:s14] =	ssyncadd.s32 $0xFFFFD800  }
0x7b: {  	_ =	swait.ge [sflag:s15], $0x2800  }
0x7c: {  	[sflag:s15] =	ssyncset.done $0x0  }
0x7d: {  	s24 =	simm.s32 $0x1100;
	[sflag:s15] =	ssyncadd.s32 $0xFFFFD800  }
0x7e: {  	[spmem:s2] =	stream.indirect.scatter.add.f32 [tilespmem:s3], [sflag:$0x7], $0x80, s24, s28, $0xb8;
	[tilespmem:$0x1FC00] =	vst v63  }
0x7f: {  	s5 =	simm.s32 $0x280  }
0x80: {  	[tilespmem:s31], [sflag:$0x2] =	stream.indirect.gather [hbm4b:s1+s28], $0x80, s5, s28, $0xb8;
	[tilespmem:$0x1FC00] =	vst v63  }
0x81: {  	_ =	swait.ge [sflag:s18], $0x2800  }
0x82: {  	[sflag:s18] =	ssyncset.done $0x0  }
0x83: {  	[sflag:s18] =	ssyncadd.s32 $0xFFFFD800  }
0x84: {  	_ =	swait.ge [sflag:s26], $0x2800  }
0x85: {  	[sflag:s26] =	ssyncset.done $0x0  }
0x86: {  	s9 =	simm.s32 $0x1180;
	[sflag:s26] =	ssyncadd.s32 $0xFFFFD800  }
0x87: {  	[spmem:s2] =	stream.indirect.scatter.add.f32 [tilespmem:s6], [sflag:$0x8], $0x80, s9, s28, $0xb8;
	[tilespmem:$0x1FC00] =	vst v63  }
0x88: {  	s12 =	simm.s32 $0x300  }
0x89: {  	[tilespmem:s3], [sflag:$0x3] =	stream.indirect.gather [hbm4b:s1+s28], $0x80, s12, s28, $0xb8;
	[tilespmem:$0x1FC00] =	vst v63  }
0x8a: {  	_ =	swait.ge [sflag:s8], $0x2800  }
0x8b: {  	[sflag:s8] =	ssyncset.done $0x0  }
0x8c: {  	[sflag:s8] =	ssyncadd.s32 $0xFFFFD800  }
0x8d: {  	_ =	swait.ge [sflag:s7], $0x2800  }
0x8e: {  	[sflag:s7] =	ssyncset.done $0x0  }
0x8f: {  	s17 =	simm.s32 $0x1200;
	[sflag:s7] =	ssyncadd.s32 $0xFFFFD800  }
0x90: {  	[spmem:s2] =	stream.indirect.scatter.add.f32 [tilespmem:s29], [sflag:$0x5], $0x80, s17, s28, $0xb8;
	[tilespmem:$0x1FC00] =	vst v63  }
0x91: {  	s19 =	simm.s32 $0x380  }
0x92: {  	[tilespmem:s6], [sflag:$0x4] =	stream.indirect.gather [hbm4b:s1+s28], $0x80, s19, s28, $0xb8;
	[tilespmem:$0x1FC00] =	vst v63  }
0x93: {  	_ =	swait.ge [sflag:s10], $0x2800  }
0x94: {  	[sflag:s10] =	ssyncset.done $0x0  }
0x95: {  	[sflag:s10] =	ssyncadd.s32 $0xFFFFD800  }
0x96: {  	_ =	swait.ge [sflag:s11], $0x2800  }
0x97: {  	[sflag:s11] =	ssyncset.done $0x0  }
0x98: {  	s20 =	simm.s32 $0x1280;
	[sflag:s11] =	ssyncadd.s32 $0xFFFFD800  }
0x99: {  	[spmem:s2] =	stream.indirect.scatter.add.f32 [tilespmem:s31], [sflag:$0x6], $0x80, s20, s28, $0xb8;
	[tilespmem:$0x1FC00] =	vst v63  }
0x9a: {  	s5 =	simm.s32 $0x400  }
0x9b: {  	[tilespmem:s29], [sflag:$0x1] =	stream.indirect.gather [hbm4b:s1+s28], $0x80, s5, s28, $0xb8;
	[tilespmem:$0x1FC00] =	vst v63  }
0x9c: {  	_ =	swait.ge [sflag:s14], $0x2800  }
0x9d: {  	[sflag:s14] =	ssyncset.done $0x0  }
0x9e: {  	[sflag:s14] =	ssyncadd.s32 $0xFFFFD800  }
0x9f: {  	_ =	swait.ge [sflag:s15], $0x2800  }
0xa0: {  	[sflag:s15] =	ssyncset.done $0x0  }
0xa1: {  	s9 =	simm.s32 $0x1300;
	[sflag:s15] =	ssyncadd.s32 $0xFFFFD800  }
0xa2: {  	[spmem:s2] =	stream.indirect.scatter.add.f32 [tilespmem:s3], [sflag:$0x7], $0x80, s9, s28, $0xb8;
	[tilespmem:$0x1FC00] =	vst v63  }
0xa3: {  	s12 =	simm.s32 $0x480  }
0xa4: {  	[tilespmem:s31], [sflag:$0x2] =	stream.indirect.gather [hbm4b:s1+s28], $0x80, s12, s28, $0xb8;
	[tilespmem:$0x1FC00] =	vst v63  }
0xa5: {  	_ =	swait.ge [sflag:s18], $0x2800  }
0xa6: {  	[sflag:s18] =	ssyncset.done $0x0  }
0xa7: {  	[sflag:s18] =	ssyncadd.s32 $0xFFFFD800  }
0xa8: {  	_ =	swait.ge [sflag:s26], $0x2800  }
0xa9: {  	[sflag:s26] =	ssyncset.done $0x0  }
0xaa: {  	s17 =	simm.s32 $0x1380;
	[sflag:s26] =	ssyncadd.s32 $0xFFFFD800  }
0xab: {  	[spmem:s2] =	stream.indirect.scatter.add.f32 [tilespmem:s6], [sflag:$0x8], $0x80, s17, s28, $0xb8;
	[tilespmem:$0x1FC00] =	vst v63  }
0xac: {  	s20 =	simm.s32 $0x500  }
0xad: {  	[tilespmem:s3], [sflag:$0x3] =	stream.indirect.gather [hbm4b:s1+s28], $0x80, s20, s28, $0xb8;
	[tilespmem:$0x1FC00] =	vst v63  }
0xae: {  	_ =	swait.ge [sflag:s8], $0x2800  }
0xaf: {  	[sflag:s8] =	ssyncset.done $0x0  }
0xb0: {  	[sflag:s8] =	ssyncadd.s32 $0xFFFFD800  }
0xb1: {  	_ =	swait.ge [sflag:s7], $0x2800  }
0xb2: {  	[sflag:s7] =	ssyncset.done $0x0  }
0xb3: {  	s0 =	simm.s32 $0x1400;
	[sflag:s7] =	ssyncadd.s32 $0xFFFFD800  }
0xb4: {  	[spmem:s2] =	stream.indirect.scatter.add.f32 [tilespmem:s29], [sflag:$0x5], $0x80, s0, s28, $0xb8;
	[tilespmem:$0x1FC00] =	vst v63  }
0xb5: {  	s5 =	simm.s32 $0x580  }
0xb6: {  	[tilespmem:s6], [sflag:$0x4] =	stream.indirect.gather [hbm4b:s1+s28], $0x80, s5, s28, $0xb8;
	[tilespmem:$0x1FC00] =	vst v63  }
0xb7: {  	_ =	swait.ge [sflag:s10], $0x2800  }
0xb8: {  	[sflag:s10] =	ssyncset.done $0x0  }
0xb9: {  	[sflag:s10] =	ssyncadd.s32 $0xFFFFD800  }
0xba: {  	_ =	swait.ge [sflag:s11], $0x2800  }
0xbb: {  	[sflag:s11] =	ssyncset.done $0x0  }
0xbc: {  	s9 =	simm.s32 $0x1480;
	[sflag:s11] =	ssyncadd.s32 $0xFFFFD800  }
0xbd: {  	[spmem:s2] =	stream.indirect.scatter.add.f32 [tilespmem:s31], [sflag:$0x6], $0x80, s9, s28, $0xb8;
	[tilespmem:$0x1FC00] =	vst v63  }
0xbe: {  	s12 =	simm.s32 $0x600  }
0xbf: {  	[tilespmem:s29], [sflag:$0x1] =	stream.indirect.gather [hbm4b:s1+s28], $0x80, s12, s28, $0xb8;
	[tilespmem:$0x1FC00] =	vst v63  }
0xc0: {  	_ =	swait.ge [sflag:s14], $0x2800  }
0xc1: {  	[sflag:s14] =	ssyncset.done $0x0  }
0xc2: {  	[sflag:s14] =	ssyncadd.s32 $0xFFFFD800  }
0xc3: {  	_ =	swait.ge [sflag:s15], $0x2800  }
0xc4: {  	[sflag:s15] =	ssyncset.done $0x0  }
0xc5: {  	s20 =	simm.s32 $0x1500;
	[sflag:s15] =	ssyncadd.s32 $0xFFFFD800  }
0xc6: {  	[spmem:s2] =	stream.indirect.scatter.add.f32 [tilespmem:s3], [sflag:$0x7], $0x80, s20, s28, $0xb8;
	[tilespmem:$0x1FC00] =	vst v63  }
0xc7: {  	s0 =	simm.s32 $0x680  }
0xc8: {  	[tilespmem:s31], [sflag:$0x2] =	stream.indirect.gather [hbm4b:s1+s28], $0x80, s0, s28, $0xb8;
	[tilespmem:$0x1FC00] =	vst v63  }
0xc9: {  	_ =	swait.ge [sflag:s18], $0x2800  }
0xca: {  	[sflag:s18] =	ssyncset.done $0x0  }
0xcb: {  	[sflag:s18] =	ssyncadd.s32 $0xFFFFD800  }
0xcc: {  	_ =	swait.ge [sflag:s26], $0x2800  }
0xcd: {  	[sflag:s26] =	ssyncset.done $0x0  }
0xce: {  	s5 =	simm.s32 $0x1580;
	[sflag:s26] =	ssyncadd.s32 $0xFFFFD800  }
0xcf: {  	[spmem:s2] =	stream.indirect.scatter.add.f32 [tilespmem:s6], [sflag:$0x8], $0x80, s5, s28, $0xb8;
	[tilespmem:$0x1FC00] =	vst v63  }
0xd0: {  	s12 =	simm.s32 $0x700  }
0xd1: {  	[tilespmem:s3], [sflag:$0x3] =	stream.indirect.gather [hbm4b:s1+s28], $0x80, s12, s28, $0xb8;
	[tilespmem:$0x1FC00] =	vst v63  }
0xd2: {  	_ =	swait.ge [sflag:s8], $0x2800  }
0xd3: {  	[sflag:s8] =	ssyncset.done $0x0  }
0xd4: {  	[sflag:s8] =	ssyncadd.s32 $0xFFFFD800  }
0xd5: {  	_ =	swait.ge [sflag:s7], $0x2800  }
0xd6: {  	[sflag:s7] =	ssyncset.done $0x0  }
0xd7: {  	s20 =	simm.s32 $0x1600;
	[sflag:s7] =	ssyncadd.s32 $0xFFFFD800  }
0xd8: {  	[spmem:s2] =	stream.indirect.scatter.add.f32 [tilespmem:s29], [sflag:$0x5], $0x80, s20, s28, $0xb8;
	[tilespmem:$0x1FC00] =	vst v63  }
0xd9: {  	s0 =	simm.s32 $0x780  }
0xda: {  	[tilespmem:s6], [sflag:$0x4] =	stream.indirect.gather [hbm4b:s1+s28], $0x80, s0, s28, $0xb8;
	[tilespmem:$0x1FC00] =	vst v63  }
0xdb: {  	_ =	swait.ge [sflag:s10], $0x2800  }
0xdc: {  	[sflag:s10] =	ssyncset.done $0x0  }
0xdd: {  	[sflag:s10] =	ssyncadd.s32 $0xFFFFD800  }
0xde: {  	_ =	swait.ge [sflag:s11], $0x2800  }
0xdf: {  	[sflag:s11] =	ssyncset.done $0x0  }
0xe0: {  	s5 =	simm.s32 $0x1680;
	[sflag:s11] =	ssyncadd.s32 $0xFFFFD800  }
0xe1: {  	[spmem:s2] =	stream.indirect.scatter.add.f32 [tilespmem:s31], [sflag:$0x6], $0x80, s5, s28, $0xb8;
	[tilespmem:$0x1FC00] =	vst v63  }
0xe2: {  	s20 =	simm.s32 $0x800  }
0xe3: {  	[tilespmem:s29], [sflag:$0x1] =	stream.indirect.gather [hbm4b:s1+s28], $0x80, s20, s28, $0xb8;
	[tilespmem:$0x1FC00] =	vst v63  }
0xe4: {  	_ =	swait.ge [sflag:s14], $0x2800  }
0xe5: {  	[sflag:s14] =	ssyncset.done $0x0  }
0xe6: {  	[sflag:s14] =	ssyncadd.s32 $0xFFFFD800  }
0xe7: {  	_ =	swait.ge [sflag:s15], $0x2800  }
0xe8: {  	[sflag:s15] =	ssyncset.done $0x0  }
0xe9: {  	s0 =	simm.s32 $0x1700;
	[sflag:s15] =	ssyncadd.s32 $0xFFFFD800  }
0xea: {  	[spmem:s2] =	stream.indirect.scatter.add.f32 [tilespmem:s3], [sflag:$0x7], $0x80, s0, s28, $0xb8;
	[tilespmem:$0x1FC00] =	vst v63  }
0xeb: {  	s5 =	simm.s32 $0x880  }
0xec: {  	[tilespmem:s31], [sflag:$0x2] =	stream.indirect.gather [hbm4b:s1+s28], $0x80, s5, s28, $0xb8;
	[tilespmem:$0x1FC00] =	vst v63  }
0xed: {  	_ =	swait.ge [sflag:s18], $0x2800  }
0xee: {  	[sflag:s18] =	ssyncset.done $0x0  }
0xef: {  	[sflag:s18] =	ssyncadd.s32 $0xFFFFD800  }
0xf0: {  	_ =	swait.ge [sflag:s26], $0x2800  }
0xf1: {  	[sflag:s26] =	ssyncset.done $0x0  }
0xf2: {  	s20 =	simm.s32 $0x1780;
	[sflag:s26] =	ssyncadd.s32 $0xFFFFD800  }
0xf3: {  	[spmem:s2] =	stream.indirect.scatter.add.f32 [tilespmem:s6], [sflag:$0x8], $0x80, s20, s28, $0xb8;
	[tilespmem:$0x1FC00] =	vst v63  }
0xf4: {  	s0 =	simm.s32 $0x900  }
0xf5: {  	[tilespmem:s3], [sflag:$0x3] =	stream.indirect.gather [hbm4b:s1+s28], $0x80, s0, s28, $0xb8;
	[tilespmem:$0x1FC00] =	vst v63  }
0xf6: {  	_ =	swait.ge [sflag:s8], $0x2800  }
0xf7: {  	[sflag:s8] =	ssyncset.done $0x0  }
0xf8: {  	[sflag:s8] =	ssyncadd.s32 $0xFFFFD800  }
0xf9: {  	_ =	swait.ge [sflag:s7], $0x2800  }
0xfa: {  	[sflag:s7] =	ssyncset.done $0x0  }
0xfb: {  	s5 =	simm.s32 $0x1800;
	[sflag:s7] =	ssyncadd.s32 $0xFFFFD800  }
0xfc: {  	[spmem:s2] =	stream.indirect.scatter.add.f32 [tilespmem:s29], [sflag:$0x5], $0x80, s5, s28, $0xb8;
	[tilespmem:$0x1FC00] =	vst v63  }
0xfd: {  	s20 =	simm.s32 $0x980  }
0xfe: {  	[tilespmem:s6], [sflag:$0x4] =	stream.indirect.gather [hbm4b:s1+s28], $0x80, s20, s28, $0xb8;
	[tilespmem:$0x1FC00] =	vst v63  }
0xff: {  	_ =	swait.ge [sflag:s10], $0x2800  }
0x100: {  	[sflag:s10] =	ssyncset.done $0x0  }
0x101: {  	[sflag:s10] =	ssyncadd.s32 $0xFFFFD800  }
0x102: {  	_ =	swait.ge [sflag:s11], $0x2800  }
0x103: {  	[sflag:s11] =	ssyncset.done $0x0  }
0x104: {  	s0 =	simm.s32 $0x1880;
	[sflag:s11] =	ssyncadd.s32 $0xFFFFD800  }
0x105: {  	[spmem:s2] =	stream.indirect.scatter.add.f32 [tilespmem:s31], [sflag:$0x6], $0x80, s0, s28, $0xb8;
	[tilespmem:$0x1FC00] =	vst v63  }
0x106: {  	s5 =	simm.s32 $0xA00  }
0x107: {  	[tilespmem:s29], [sflag:$0x1] =	stream.indirect.gather [hbm4b:s1+s28], $0x80, s5, s28, $0xb8;
	[tilespmem:$0x1FC00] =	vst v63  }
0x108: {  	_ =	swait.ge [sflag:s14], $0x2800  }
0x109: {  	[sflag:s14] =	ssyncset.done $0x0  }
0x10a: {  	[sflag:s14] =	ssyncadd.s32 $0xFFFFD800  }
0x10b: {  	_ =	swait.ge [sflag:s15], $0x2800  }
0x10c: {  	[sflag:s15] =	ssyncset.done $0x0  }
0x10d: {  	s20 =	simm.s32 $0x1900;
	[sflag:s15] =	ssyncadd.s32 $0xFFFFD800  }
0x10e: {  	[spmem:s2] =	stream.indirect.scatter.add.f32 [tilespmem:s3], [sflag:$0x7], $0x80, s20, s28, $0xb8;
	[tilespmem:$0x1FC00] =	vst v63  }
0x10f: {  	s20 =	simm.s32 $0xA80  }
0x110: {  	[tilespmem:s31], [sflag:$0x2] =	stream.indirect.gather [hbm4b:s1+s28], $0x80, s20, s28, $0xb8;
	[tilespmem:$0x1FC00] =	vst v63  }
0x111: {  	_ =	swait.ge [sflag:s18], $0x2800  }
0x112: {  	[sflag:s18] =	ssyncset.done $0x0  }
0x113: {  	[sflag:s18] =	ssyncadd.s32 $0xFFFFD800  }
0x114: {  	_ =	swait.ge [sflag:s26], $0x2800  }
0x115: {  	[sflag:s26] =	ssyncset.done $0x0  }
0x116: {  	s20 =	simm.s32 $0x1980;
	[sflag:s26] =	ssyncadd.s32 $0xFFFFD800  }
0x117: {  	[spmem:s2] =	stream.indirect.scatter.add.f32 [tilespmem:s6], [sflag:$0x8], $0x80, s20, s28, $0xb8;
	[tilespmem:$0x1FC00] =	vst v63  }
0x118: {  	s20 =	simm.s32 $0xB00  }
0x119: {  	[tilespmem:s3], [sflag:$0x3] =	stream.indirect.gather [hbm4b:s1+s28], $0x80, s20, s28, $0xb8;
	[tilespmem:$0x1FC00] =	vst v63  }
0x11a: {  	_ =	swait.ge [sflag:s8], $0x2800  }
0x11b: {  	[sflag:s8] =	ssyncset.done $0x0  }
0x11c: {  	[sflag:s8] =	ssyncadd.s32 $0xFFFFD800  }
0x11d: {  	_ =	swait.ge [sflag:s7], $0x2800  }
0x11e: {  	[sflag:s7] =	ssyncset.done $0x0  }
0x11f: {  	s20 =	simm.s32 $0x1A00;
	[sflag:s7] =	ssyncadd.s32 $0xFFFFD800  }
0x120: {  	[spmem:s2] =	stream.indirect.scatter.add.f32 [tilespmem:s29], [sflag:$0x5], $0x80, s20, s28, $0xb8;
	[tilespmem:$0x1FC00] =	vst v63  }
0x121: {  	s20 =	simm.s32 $0xB80  }
0x122: {  	[tilespmem:s6], [sflag:$0x4] =	stream.indirect.gather [hbm4b:s1+s28], $0x80, s20, s28, $0xb8;
	[tilespmem:$0x1FC00] =	vst v63  }
0x123: {  	_ =	swait.ge [sflag:s10], $0x2800  }
0x124: {  	[sflag:s10] =	ssyncset.done $0x0  }
0x125: {  	[sflag:s10] =	ssyncadd.s32 $0xFFFFD800  }
0x126: {  	_ =	swait.ge [sflag:s11], $0x2800  }
0x127: {  	[sflag:s11] =	ssyncset.done $0x0  }
0x128: {  	s20 =	simm.s32 $0x1A80;
	[sflag:s11] =	ssyncadd.s32 $0xFFFFD800  }
0x129: {  	[spmem:s2] =	stream.indirect.scatter.add.f32 [tilespmem:s31], [sflag:$0x6], $0x80, s20, s28, $0xb8;
	[tilespmem:$0x1FC00] =	vst v63  }
0x12a: {  	s20 =	simm.s32 $0xC00  }
0x12b: {  	[tilespmem:s29], [sflag:$0x1] =	stream.indirect.gather [hbm4b:s1+s28], $0x80, s20, s28, $0xb8;
	[tilespmem:$0x1FC00] =	vst v63  }
0x12c: {  	_ =	swait.ge [sflag:s14], $0x2800  }
0x12d: {  	[sflag:s14] =	ssyncset.done $0x0  }
0x12e: {  	[sflag:s14] =	ssyncadd.s32 $0xFFFFD800  }
0x12f: {  	_ =	swait.ge [sflag:s15], $0x2800  }
0x130: {  	[sflag:s15] =	ssyncset.done $0x0  }
0x131: {  	s20 =	simm.s32 $0x1B00;
	[sflag:s15] =	ssyncadd.s32 $0xFFFFD800  }
0x132: {  	[spmem:s2] =	stream.indirect.scatter.add.f32 [tilespmem:s3], [sflag:$0x7], $0x80, s20, s28, $0xb8;
	[tilespmem:$0x1FC00] =	vst v63  }
0x133: {  	_ =	swait.ge [sflag:s18], $0x2800  }
0x134: {  	[sflag:s18] =	ssyncset.done $0x0  }
0x135: {  	[sflag:s18] =	ssyncadd.s32 $0xFFFFD800  }
0x136: {  	_ =	swait.ge [sflag:s26], $0x2800  }
0x137: {  	[sflag:s26] =	ssyncset.done $0x0  }
0x138: {  	s20 =	simm.s32 $0x1B80;
	[sflag:s26] =	ssyncadd.s32 $0xFFFFD800  }
0x139: {  	[spmem:s2] =	stream.indirect.scatter.add.f32 [tilespmem:s6], [sflag:$0x8], $0x80, s20, s28, $0xb8;
	[tilespmem:$0x1FC00] =	vst v63  }
0x13a: {  	_ =	swait.ge [sflag:s8], $0x2800  }
0x13b: {  	[sflag:s8] =	ssyncset.done $0x0  }
0x13c: {  	[sflag:s8] =	ssyncadd.s32 $0xFFFFD800  }
0x13d: {  	_ =	swait.ge [sflag:s7], $0x2800  }
0x13e: {  	[sflag:s7] =	ssyncset.done $0x0  }
0x13f: {  	s20 =	simm.s32 $0x1C00;
	[sflag:s7] =	ssyncadd.s32 $0xFFFFD800  }
0x140: {  	[spmem:s2] =	stream.indirect.scatter.add.f32 [tilespmem:s29], [sflag:$0x5], $0x80, s20, s28, $0xb8;
	[tilespmem:$0x1FC00] =	vst v63  }
0x141: {  	_ =	swait.ge [sflag:s11], $0x2800  }
0x142: {  	[sflag:s11] =	ssyncset.done $0x0  }
0x143: {  	s20 =	rddreg [dreg:$0xf];
	[sflag:s11] =	ssyncadd.s32 $0xFFFFD800  }
0x144: {  	[tilespmem:s25], [sflag:$0x7] =	stream.linear.gather [hbm4b:s20+s25], $0xC80, $0x38;
	[tilespmem:$0x1FC00] =	vst v63  }
0x145: {  	s0 =	simm.s32 $0x1000;
	s20 =	rddreg [dreg:$0x10]  }
0x146: {  	[tilespmem:s0], [sflag:$0x8] =	stream.linear.gather [hbm4b:s20+s25], $0xC80, $0x38;
	[tilespmem:$0x1FC00] =	vst v63  }
0x147: {  	_ =	swait.ge [sflag:s26], $0xC80  }
0x148: {  	[sflag:s26] =	ssyncset.done $0x0  }
0x149: {  	[sflag:s26] =	ssyncadd.s32 $0xFFFFF380  }
0x14a: {  	[tilespmem:s29], [sflag:$0x1] =	stream.indirect.gather [hbm4b:s1+s28], $0x80, s25, s28, $0xb8;
	[tilespmem:$0x1FC00] =	vst v63  }
0x14b: {  	_ = 	snop  }
0x14c: {  	[tilespmem:s31], [sflag:$0x2] =	stream.indirect.gather [hbm4b:s1+s28], $0x80, s21, s28, $0xb8;
	[tilespmem:$0x1FC00] =	vst v63  }
0x14d: {  	s20 =	simm.s32 $0x100  }
0x14e: {  	[tilespmem:s3], [sflag:$0x3] =	stream.indirect.gather [hbm4b:s1+s28], $0x80, s20, s28, $0xb8;
	[tilespmem:$0x1FC00] =	vst v63  }
0x14f: {  	_ =	swait.ge [sflag:s7], $0xC80  }
0x150: {  	[sflag:s7] =	ssyncset.done $0x0  }
0x151: {  	[sflag:s7] =	ssyncadd.s32 $0xFFFFF380  }
0x152: {  	_ =	swait.ge [sflag:s8], $0x2800  }
0x153: {  	[sflag:s8] =	ssyncset.done $0x0  }
0x154: {  	[sflag:s8] =	ssyncadd.s32 $0xFFFFD800  }
0x155: {  	[spmem:s2] =	stream.indirect.scatter.add.f32 [tilespmem:s29], [sflag:$0x5], $0x80, s0, s28, $0xb8;
	[tilespmem:$0x1FC00] =	vst v63  }
0x156: {  	s20 =	simm.s32 $0x180  }
0x157: {  	[tilespmem:s6], [sflag:$0x4] =	stream.indirect.gather [hbm4b:s1+s28], $0x80, s20, s28, $0xb8;
	[tilespmem:$0x1FC00] =	vst v63  }
0x158: {  	_ =	swait.ge [sflag:s10], $0x2800  }
0x159: {  	[sflag:s10] =	ssyncset.done $0x0  }
0x15a: {  	[sflag:s10] =	ssyncadd.s32 $0xFFFFD800  }
0x15b: {  	_ =	swait.ge [sflag:s11], $0x2800  }
0x15c: {  	[sflag:s11] =	ssyncset.done $0x0  }
0x15d: {  	s4 =	simm.s32 $0x1080;
	[sflag:s11] =	ssyncadd.s32 $0xFFFFD800  }
0x15e: {  	[spmem:s2] =	stream.indirect.scatter.add.f32 [tilespmem:s31], [sflag:$0x6], $0x80, s4, s28, $0xb8;
	[tilespmem:$0x1FC00] =	vst v63  }
0x15f: {  	s22 =	simm.s32 $0x200  }
0x160: {  	[tilespmem:s29], [sflag:$0x1] =	stream.indirect.gather [hbm4b:s1+s28], $0x80, s22, s28, $0xb8;
	[tilespmem:$0x1FC00] =	vst v63  }
0x161: {  	_ =	swait.ge [sflag:s14], $0x2800  }
0x162: {  	[sflag:s14] =	ssyncset.done $0x0  }
0x163: {  	[sflag:s14] =	ssyncadd.s32 $0xFFFFD800  }
0x164: {  	_ =	swait.ge [sflag:s15], $0x2800  }
0x165: {  	[sflag:s15] =	ssyncset.done $0x0  }
0x166: {  	s13 =	simm.s32 $0x1100;
	[sflag:s15] =	ssyncadd.s32 $0xFFFFD800  }
0x167: {  	[spmem:s2] =	stream.indirect.scatter.add.f32 [tilespmem:s3], [sflag:$0x7], $0x80, s13, s28, $0xb8;
	[tilespmem:$0x1FC00] =	vst v63  }
0x168: {  	s16 =	simm.s32 $0x280  }
0x169: {  	[tilespmem:s31], [sflag:$0x2] =	stream.indirect.gather [hbm4b:s1+s28], $0x80, s16, s28, $0xb8;
	[tilespmem:$0x1FC00] =	vst v63  }
0x16a: {  	_ =	swait.ge [sflag:s18], $0x2800  }
0x16b: {  	[sflag:s18] =	ssyncset.done $0x0  }
0x16c: {  	[sflag:s18] =	ssyncadd.s32 $0xFFFFD800  }
0x16d: {  	_ =	swait.ge [sflag:s26], $0x2800  }
0x16e: {  	[sflag:s26] =	ssyncset.done $0x0  }
0x16f: {  	s4 =	simm.s32 $0x1180;
	[sflag:s26] =	ssyncadd.s32 $0xFFFFD800  }
0x170: {  	[spmem:s2] =	stream.indirect.scatter.add.f32 [tilespmem:s6], [sflag:$0x8], $0x80, s4, s28, $0xb8;
	[tilespmem:$0x1FC00] =	vst v63  }
0x171: {  	s23 =	simm.s32 $0x300  }
0x172: {  	[tilespmem:s3], [sflag:$0x3] =	stream.indirect.gather [hbm4b:s1+s28], $0x80, s23, s28, $0xb8;
	[tilespmem:$0x1FC00] =	vst v63  }
0x173: {  	_ =	swait.ge [sflag:s8], $0x2800  }
0x174: {  	[sflag:s8] =	ssyncset.done $0x0  }
0x175: {  	[sflag:s8] =	ssyncadd.s32 $0xFFFFD800  }
0x176: {  	_ =	swait.ge [sflag:s7], $0x2800  }
0x177: {  	[sflag:s7] =	ssyncset.done $0x0  }
0x178: {  	s13 =	simm.s32 $0x1200;
	[sflag:s7] =	ssyncadd.s32 $0xFFFFD800  }
0x179: {  	[spmem:s2] =	stream.indirect.scatter.add.f32 [tilespmem:s29], [sflag:$0x5], $0x80, s13, s28, $0xb8;
	[tilespmem:$0x1FC00] =	vst v63  }
0x17a: {  	s24 =	simm.s32 $0x380  }
0x17b: {  	[tilespmem:s6], [sflag:$0x4] =	stream.indirect.gather [hbm4b:s1+s28], $0x80, s24, s28, $0xb8;
	[tilespmem:$0x1FC00] =	vst v63  }
0x17c: {  	_ =	swait.ge [sflag:s10], $0x2800  }
0x17d: {  	[sflag:s10] =	ssyncset.done $0x0  }
0x17e: {  	[sflag:s10] =	ssyncadd.s32 $0xFFFFD800  }
0x17f: {  	_ =	swait.ge [sflag:s11], $0x2800  }
0x180: {  	[sflag:s11] =	ssyncset.done $0x0  }
0x181: {  	s16 =	simm.s32 $0x1280;
	[sflag:s11] =	ssyncadd.s32 $0xFFFFD800  }
0x182: {  	[spmem:s2] =	stream.indirect.scatter.add.f32 [tilespmem:s31], [sflag:$0x6], $0x80, s16, s28, $0xb8;
	[tilespmem:$0x1FC00] =	vst v63  }
0x183: {  	s22 =	simm.s32 $0x400  }
0x184: {  	[tilespmem:s29], [sflag:$0x1] =	stream.indirect.gather [hbm4b:s1+s28], $0x80, s22, s28, $0xb8;
	[tilespmem:$0x1FC00] =	vst v63  }
0x185: {  	_ =	swait.ge [sflag:s14], $0x2800  }
0x186: {  	[sflag:s14] =	ssyncset.done $0x0  }
0x187: {  	[sflag:s14] =	ssyncadd.s32 $0xFFFFD800  }
0x188: {  	_ =	swait.ge [sflag:s15], $0x2800  }
0x189: {  	[sflag:s15] =	ssyncset.done $0x0  }
0x18a: {  	s25 =	simm.s32 $0x1300;
	[sflag:s15] =	ssyncadd.s32 $0xFFFFD800  }
0x18b: {  	[spmem:s2] =	stream.indirect.scatter.add.f32 [tilespmem:s3], [sflag:$0x7], $0x80, s25, s28, $0xb8;
	[tilespmem:$0x1FC00] =	vst v63  }
0x18c: {  	s23 =	simm.s32 $0x480  }
0x18d: {  	[tilespmem:s31], [sflag:$0x2] =	stream.indirect.gather [hbm4b:s1+s28], $0x80, s23, s28, $0xb8;
	[tilespmem:$0x1FC00] =	vst v63  }
0x18e: {  	_ =	swait.ge [sflag:s18], $0x2800  }
0x18f: {  	[sflag:s18] =	ssyncset.done $0x0  }
0x190: {  	[sflag:s18] =	ssyncadd.s32 $0xFFFFD800  }
0x191: {  	_ =	swait.ge [sflag:s26], $0x2800  }
0x192: {  	[sflag:s26] =	ssyncset.done $0x0  }
0x193: {  	s17 =	simm.s32 $0x1380;
	[sflag:s26] =	ssyncadd.s32 $0xFFFFD800  }
0x194: {  	[spmem:s2] =	stream.indirect.scatter.add.f32 [tilespmem:s6], [sflag:$0x8], $0x80, s17, s28, $0xb8;
	[tilespmem:$0x1FC00] =	vst v63  }
0x195: {  	s24 =	simm.s32 $0x500  }
0x196: {  	[tilespmem:s3], [sflag:$0x3] =	stream.indirect.gather [hbm4b:s1+s28], $0x80, s24, s28, $0xb8;
	[tilespmem:$0x1FC00] =	vst v63  }
0x197: {  	_ =	swait.ge [sflag:s8], $0x2800  }
0x198: {  	[sflag:s8] =	ssyncset.done $0x0  }
0x199: {  	[sflag:s8] =	ssyncadd.s32 $0xFFFFD800  }
0x19a: {  	_ =	swait.ge [sflag:s7], $0x2800  }
0x19b: {  	[sflag:s7] =	ssyncset.done $0x0  }
0x19c: {  	s17 =	simm.s32 $0x1400;
	[sflag:s7] =	ssyncadd.s32 $0xFFFFD800  }
0x19d: {  	[spmem:s2] =	stream.indirect.scatter.add.f32 [tilespmem:s29], [sflag:$0x5], $0x80, s17, s28, $0xb8;
	[tilespmem:$0x1FC00] =	vst v63  }
0x19e: {  	s25 =	simm.s32 $0x580  }
0x19f: {  	[tilespmem:s6], [sflag:$0x4] =	stream.indirect.gather [hbm4b:s1+s28], $0x80, s25, s28, $0xb8;
	[tilespmem:$0x1FC00] =	vst v63  }
0x1a0: {  	_ =	swait.ge [sflag:s10], $0x2800  }
0x1a1: {  	[sflag:s10] =	ssyncset.done $0x0  }
0x1a2: {  	[sflag:s10] =	ssyncadd.s32 $0xFFFFD800  }
0x1a3: {  	_ =	swait.ge [sflag:s11], $0x2800  }
0x1a4: {  	[sflag:s11] =	ssyncset.done $0x0  }
0x1a5: {  	s19 =	simm.s32 $0x1480;
	[sflag:s11] =	ssyncadd.s32 $0xFFFFD800  }
0x1a6: {  	[spmem:s2] =	stream.indirect.scatter.add.f32 [tilespmem:s31], [sflag:$0x6], $0x80, s19, s28, $0xb8;
	[tilespmem:$0x1FC00] =	vst v63  }
0x1a7: {  	s19 =	simm.s32 $0x600  }
0x1a8: {  	[tilespmem:s29], [sflag:$0x1] =	stream.indirect.gather [hbm4b:s1+s28], $0x80, s19, s28, $0xb8;
	[tilespmem:$0x1FC00] =	vst v63  }
0x1a9: {  	_ =	swait.ge [sflag:s14], $0x2800  }
0x1aa: {  	[sflag:s14] =	ssyncset.done $0x0  }
0x1ab: {  	[sflag:s14] =	ssyncadd.s32 $0xFFFFD800  }
0x1ac: {  	_ =	swait.ge [sflag:s15], $0x2800  }
0x1ad: {  	[sflag:s15] =	ssyncset.done $0x0  }
0x1ae: {  	s19 =	simm.s32 $0x1500;
	[sflag:s15] =	ssyncadd.s32 $0xFFFFD800  }
0x1af: {  	[spmem:s2] =	stream.indirect.scatter.add.f32 [tilespmem:s3], [sflag:$0x7], $0x80, s19, s28, $0xb8;
	[tilespmem:$0x1FC00] =	vst v63  }
0x1b0: {  	s9 =	simm.s32 $0x680  }
0x1b1: {  	[tilespmem:s31], [sflag:$0x2] =	stream.indirect.gather [hbm4b:s1+s28], $0x80, s9, s28, $0xb8;
	[tilespmem:$0x1FC00] =	vst v63  }
0x1b2: {  	_ =	swait.ge [sflag:s18], $0x2800  }
0x1b3: {  	[sflag:s18] =	ssyncset.done $0x0  }
0x1b4: {  	[sflag:s18] =	ssyncadd.s32 $0xFFFFD800  }
0x1b5: {  	_ =	swait.ge [sflag:s26], $0x2800  }
0x1b6: {  	[sflag:s26] =	ssyncset.done $0x0  }
0x1b7: {  	s9 =	simm.s32 $0x1580;
	[sflag:s26] =	ssyncadd.s32 $0xFFFFD800  }
0x1b8: {  	[spmem:s2] =	stream.indirect.scatter.add.f32 [tilespmem:s6], [sflag:$0x8], $0x80, s9, s28, $0xb8;
	[tilespmem:$0x1FC00] =	vst v63  }
0x1b9: {  	s12 =	simm.s32 $0x700  }
0x1ba: {  	[tilespmem:s3], [sflag:$0x3] =	stream.indirect.gather [hbm4b:s1+s28], $0x80, s12, s28, $0xb8;
	[tilespmem:$0x1FC00] =	vst v63  }
0x1bb: {  	_ =	swait.ge [sflag:s8], $0x2800  }
0x1bc: {  	[sflag:s8] =	ssyncset.done $0x0  }
0x1bd: {  	[sflag:s8] =	ssyncadd.s32 $0xFFFFD800  }
0x1be: {  	_ =	swait.ge [sflag:s7], $0x2800  }
0x1bf: {  	[sflag:s7] =	ssyncset.done $0x0  }
0x1c0: {  	s19 =	simm.s32 $0x1600;
	[sflag:s7] =	ssyncadd.s32 $0xFFFFD800  }
0x1c1: {  	[spmem:s2] =	stream.indirect.scatter.add.f32 [tilespmem:s29], [sflag:$0x5], $0x80, s19, s28, $0xb8;
	[tilespmem:$0x1FC00] =	vst v63  }
0x1c2: {  	s9 =	simm.s32 $0x780  }
0x1c3: {  	[tilespmem:s6], [sflag:$0x4] =	stream.indirect.gather [hbm4b:s1+s28], $0x80, s9, s28, $0xb8;
	[tilespmem:$0x1FC00] =	vst v63  }
0x1c4: {  	_ =	swait.ge [sflag:s10], $0x2800  }
0x1c5: {  	[sflag:s10] =	ssyncset.done $0x0  }
0x1c6: {  	[sflag:s10] =	ssyncadd.s32 $0xFFFFD800  }
0x1c7: {  	_ =	swait.ge [sflag:s11], $0x2800  }
0x1c8: {  	[sflag:s11] =	ssyncset.done $0x0  }
0x1c9: {  	s12 =	simm.s32 $0x1680;
	[sflag:s11] =	ssyncadd.s32 $0xFFFFD800  }
0x1ca: {  	[spmem:s2] =	stream.indirect.scatter.add.f32 [tilespmem:s31], [sflag:$0x6], $0x80, s12, s28, $0xb8;
	[tilespmem:$0x1FC00] =	vst v63  }
0x1cb: {  	s30 =	simm.s32 $0x800  }
0x1cc: {  	[tilespmem:s29], [sflag:$0x1] =	stream.indirect.gather [hbm4b:s1+s28], $0x80, s30, s28, $0xb8;
	[tilespmem:$0x1FC00] =	vst v63  }
0x1cd: {  	_ =	swait.ge [sflag:s14], $0x2800  }
0x1ce: {  	[sflag:s14] =	ssyncset.done $0x0  }
0x1cf: {  	[sflag:s14] =	ssyncadd.s32 $0xFFFFD800  }
0x1d0: {  	_ =	swait.ge [sflag:s15], $0x2800  }
0x1d1: {  	[sflag:s15] =	ssyncset.done $0x0  }
0x1d2: {  	s19 =	simm.s32 $0x1700;
	[sflag:s15] =	ssyncadd.s32 $0xFFFFD800  }
0x1d3: {  	[spmem:s2] =	stream.indirect.scatter.add.f32 [tilespmem:s3], [sflag:$0x7], $0x80, s19, s28, $0xb8;
	[tilespmem:$0x1FC00] =	vst v63  }
0x1d4: {  	s9 =	simm.s32 $0x880  }
0x1d5: {  	[tilespmem:s31], [sflag:$0x2] =	stream.indirect.gather [hbm4b:s1+s28], $0x80, s9, s28, $0xb8;
	[tilespmem:$0x1FC00] =	vst v63  }
0x1d6: {  	_ =	swait.ge [sflag:s18], $0x2800  }
0x1d7: {  	[sflag:s18] =	ssyncset.done $0x0  }
0x1d8: {  	[sflag:s18] =	ssyncadd.s32 $0xFFFFD800  }
0x1d9: {  	_ =	swait.ge [sflag:s26], $0x2800  }
0x1da: {  	[sflag:s26] =	ssyncset.done $0x0  }
0x1db: {  	s12 =	simm.s32 $0x1780;
	[sflag:s26] =	ssyncadd.s32 $0xFFFFD800  }
0x1dc: {  	[spmem:s2] =	stream.indirect.scatter.add.f32 [tilespmem:s6], [sflag:$0x8], $0x80, s12, s28, $0xb8;
	[tilespmem:$0x1FC00] =	vst v63  }
0x1dd: {  	s19 =	simm.s32 $0x900  }
0x1de: {  	[tilespmem:s3], [sflag:$0x3] =	stream.indirect.gather [hbm4b:s1+s28], $0x80, s19, s28, $0xb8;
	[tilespmem:$0x1FC00] =	vst v63  }
0x1df: {  	_ =	swait.ge [sflag:s8], $0x2800  }
0x1e0: {  	[sflag:s8] =	ssyncset.done $0x0  }
0x1e1: {  	[sflag:s8] =	ssyncadd.s32 $0xFFFFD800  }
0x1e2: {  	_ =	swait.ge [sflag:s7], $0x2800  }
0x1e3: {  	[sflag:s7] =	ssyncset.done $0x0  }
0x1e4: {  	s9 =	simm.s32 $0x1800;
	[sflag:s7] =	ssyncadd.s32 $0xFFFFD800  }
0x1e5: {  	[spmem:s2] =	stream.indirect.scatter.add.f32 [tilespmem:s29], [sflag:$0x5], $0x80, s9, s28, $0xb8;
	[tilespmem:$0x1FC00] =	vst v63  }
0x1e6: {  	s12 =	simm.s32 $0x980  }
0x1e7: {  	[tilespmem:s6], [sflag:$0x4] =	stream.indirect.gather [hbm4b:s1+s28], $0x80, s12, s28, $0xb8;
	[tilespmem:$0x1FC00] =	vst v63  }
0x1e8: {  	_ =	swait.ge [sflag:s10], $0x2800  }
0x1e9: {  	[sflag:s10] =	ssyncset.done $0x0  }
0x1ea: {  	[sflag:s10] =	ssyncadd.s32 $0xFFFFD800  }
0x1eb: {  	_ =	swait.ge [sflag:s11], $0x2800  }
0x1ec: {  	[sflag:s11] =	ssyncset.done $0x0  }
0x1ed: {  	s19 =	simm.s32 $0x1880;
	[sflag:s11] =	ssyncadd.s32 $0xFFFFD800  }
0x1ee: {  	[spmem:s2] =	stream.indirect.scatter.add.f32 [tilespmem:s31], [sflag:$0x6], $0x80, s19, s28, $0xb8;
	[tilespmem:$0x1FC00] =	vst v63  }
0x1ef: {  	s5 =	simm.s32 $0xA00  }
0x1f0: {  	[tilespmem:s29], [sflag:$0x1] =	stream.indirect.gather [hbm4b:s1+s28], $0x80, s5, s28, $0xb8;
	[tilespmem:$0x1FC00] =	vst v63  }
0x1f1: {  	_ =	swait.ge [sflag:s14], $0x2800  }
0x1f2: {  	[sflag:s14] =	ssyncset.done $0x0  }
0x1f3: {  	[sflag:s14] =	ssyncadd.s32 $0xFFFFD800  }
0x1f4: {  	_ =	swait.ge [sflag:s15], $0x2800  }
0x1f5: {  	[sflag:s15] =	ssyncset.done $0x0  }
0x1f6: {  	s0 =	simm.s32 $0x1900;
	[sflag:s15] =	ssyncadd.s32 $0xFFFFD800  }
0x1f7: {  	[spmem:s2] =	stream.indirect.scatter.add.f32 [tilespmem:s3], [sflag:$0x7], $0x80, s0, s28, $0xb8;
	[tilespmem:$0x1FC00] =	vst v63  }
0x1f8: {  	s9 =	simm.s32 $0xA80  }
0x1f9: {  	[tilespmem:s31], [sflag:$0x2] =	stream.indirect.gather [hbm4b:s1+s28], $0x80, s9, s28, $0xb8;
	[tilespmem:$0x1FC00] =	vst v63  }
0x1fa: {  	_ =	swait.ge [sflag:s18], $0x2800  }
0x1fb: {  	[sflag:s18] =	ssyncset.done $0x0  }
0x1fc: {  	[sflag:s18] =	ssyncadd.s32 $0xFFFFD800  }
0x1fd: {  	_ =	swait.ge [sflag:s26], $0x2800  }
0x1fe: {  	[sflag:s26] =	ssyncset.done $0x0  }
0x1ff: {  	s5 =	simm.s32 $0x1980;
	[sflag:s26] =	ssyncadd.s32 $0xFFFFD800  }
0x200: {  	[spmem:s2] =	stream.indirect.scatter.add.f32 [tilespmem:s6], [sflag:$0x8], $0x80, s5, s28, $0xb8;
	[tilespmem:$0x1FC00] =	vst v63  }
0x201: {  	s12 =	simm.s32 $0xB00  }
0x202: {  	[tilespmem:s3], [sflag:$0x3] =	stream.indirect.gather [hbm4b:s1+s28], $0x80, s12, s28, $0xb8;
	[tilespmem:$0x1FC00] =	vst v63  }
0x203: {  	_ =	swait.ge [sflag:s8], $0x2800  }
0x204: {  	[sflag:s8] =	ssyncset.done $0x0  }
0x205: {  	[sflag:s8] =	ssyncadd.s32 $0xFFFFD800  }
0x206: {  	_ =	swait.ge [sflag:s7], $0x2800  }
0x207: {  	[sflag:s7] =	ssyncset.done $0x0  }
0x208: {  	s9 =	simm.s32 $0x1A00;
	[sflag:s7] =	ssyncadd.s32 $0xFFFFD800  }
0x209: {  	[spmem:s2] =	stream.indirect.scatter.add.f32 [tilespmem:s29], [sflag:$0x5], $0x80, s9, s28, $0xb8;
	[tilespmem:$0x1FC00] =	vst v63  }
0x20a: {  	s19 =	simm.s32 $0xB80  }
0x20b: {  	[tilespmem:s6], [sflag:$0x4] =	stream.indirect.gather [hbm4b:s1+s28], $0x80, s19, s28, $0xb8;
	[tilespmem:$0x1FC00] =	vst v63  }
0x20c: {  	_ =	swait.ge [sflag:s10], $0x2800  }
0x20d: {  	[sflag:s10] =	ssyncset.done $0x0  }
0x20e: {  	[sflag:s10] =	ssyncadd.s32 $0xFFFFD800  }
0x20f: {  	_ =	swait.ge [sflag:s11], $0x2800  }
0x210: {  	[sflag:s11] =	ssyncset.done $0x0  }
0x211: {  	s19 =	simm.s32 $0x1A80;
	[sflag:s11] =	ssyncadd.s32 $0xFFFFD800  }
0x212: {  	[spmem:s2] =	stream.indirect.scatter.add.f32 [tilespmem:s31], [sflag:$0x6], $0x80, s19, s28, $0xb8;
	[tilespmem:$0x1FC00] =	vst v63  }
0x213: {  	s19 =	simm.s32 $0xC00  }
0x214: {  	[tilespmem:s29], [sflag:$0x1] =	stream.indirect.gather [hbm4b:s1+s28], $0x80, s19, s28, $0xb8;
	[tilespmem:$0x1FC00] =	vst v63  }
0x215: {  	_ =	swait.ge [sflag:s14], $0x2800  }
0x216: {  	[sflag:s14] =	ssyncset.done $0x0  }
0x217: {  	[sflag:s14] =	ssyncadd.s32 $0xFFFFD800  }
0x218: {  	_ =	swait.ge [sflag:s15], $0x2800  }
0x219: {  	[sflag:s15] =	ssyncset.done $0x0  }
0x21a: {  	s19 =	simm.s32 $0x1B00;
	[sflag:s15] =	ssyncadd.s32 $0xFFFFD800  }
0x21b: {  	[spmem:s2] =	stream.indirect.scatter.add.f32 [tilespmem:s3], [sflag:$0x7], $0x80, s19, s28, $0xb8;
	[tilespmem:$0x1FC00] =	vst v63  }
0x21c: {  	_ =	swait.ge [sflag:s18], $0x2800  }
0x21d: {  	[sflag:s18] =	ssyncset.done $0x0  }
0x21e: {  	[sflag:s18] =	ssyncadd.s32 $0xFFFFD800  }
0x21f: {  	_ =	swait.ge [sflag:s26], $0x2800  }
0x220: {  	[sflag:s26] =	ssyncset.done $0x0  }
0x221: {  	s19 =	simm.s32 $0x1B80;
	[sflag:s26] =	ssyncadd.s32 $0xFFFFD800  }
0x222: {  	[spmem:s2] =	stream.indirect.scatter.add.f32 [tilespmem:s6], [sflag:$0x8], $0x80, s19, s28, $0xb8;
	[tilespmem:$0x1FC00] =	vst v63  }
0x223: {  	_ =	swait.ge [sflag:s8], $0x2800  }
0x224: {  	[sflag:s8] =	ssyncset.done $0x0  }
0x225: {  	[sflag:s8] =	ssyncadd.s32 $0xFFFFD800  }
0x226: {  	_ =	swait.ge [sflag:s7], $0x2800  }
0x227: {  	[sflag:s7] =	ssyncset.done $0x0  }
0x228: {  	s19 =	simm.s32 $0x1C00;
	[sflag:s7] =	ssyncadd.s32 $0xFFFFD800  }
0x229: {  	[spmem:s2] =	stream.indirect.scatter.add.f32 [tilespmem:s29], [sflag:$0x5], $0x80, s19, s28, $0xb8;
	[tilespmem:$0x1FC00] =	vst v63  }
0x22a: {  	_ =	swait.ge [sflag:s11], $0x2800  }
0x22b: {  	[sflag:s11] =	ssyncset.done $0x0  }
0x22c: {  	s17 =	simm.s32 $0x0;
	s12 =	rddreg [dreg:$0x11];
	[sflag:s11] =	ssyncadd.s32 $0xFFFFD800  }
0x22d: {  	[tilespmem:s17], [sflag:$0x7] =	stream.linear.gather [hbm4b:s12+s17], $0xC80, $0x38;
	[tilespmem:$0x1FC00] =	vst v63  }
0x22e: {  	s30 =	simm.s32 $0x1000;
	s12 =	rddreg [dreg:$0x12]  }
0x22f: {  	[tilespmem:s30], [sflag:$0x8] =	stream.linear.gather [hbm4b:s12+s17], $0xC80, $0x38;
	[tilespmem:$0x1FC00] =	vst v63  }
0x230: {  	_ =	swait.ge [sflag:s26], $0xC80  }
0x231: {  	[sflag:s26] =	ssyncset.done $0x0  }
0x232: {  	[sflag:s26] =	ssyncadd.s32 $0xFFFFF380  }
0x233: {  	[tilespmem:s29], [sflag:$0x1] =	stream.indirect.gather [hbm4b:s1+s28], $0x80, s17, s28, $0xb8;
	[tilespmem:$0x1FC00] =	vst v63  }
0x234: {  	_ = 	snop  }
0x235: {  	[tilespmem:s31], [sflag:$0x2] =	stream.indirect.gather [hbm4b:s1+s28], $0x80, s21, s28, $0xb8;
	[tilespmem:$0x1FC00] =	vst v63  }
0x236: {  	s19 =	simm.s32 $0x100  }
0x237: {  	[tilespmem:s3], [sflag:$0x3] =	stream.indirect.gather [hbm4b:s1+s28], $0x80, s19, s28, $0xb8;
	[tilespmem:$0x1FC00] =	vst v63  }
0x238: {  	_ =	swait.ge [sflag:s7], $0xC80  }
0x239: {  	[sflag:s7] =	ssyncset.done $0x0  }
0x23a: {  	[sflag:s7] =	ssyncadd.s32 $0xFFFFF380  }
0x23b: {  	_ =	swait.ge [sflag:s8], $0x2800  }
0x23c: {  	[sflag:s8] =	ssyncset.done $0x0  }
0x23d: {  	[sflag:s8] =	ssyncadd.s32 $0xFFFFD800  }
0x23e: {  	[spmem:s2] =	stream.indirect.scatter.add.f32 [tilespmem:s29], [sflag:$0x5], $0x80, s30, s28, $0xb8;
	[tilespmem:$0x1FC00] =	vst v63  }
0x23f: {  	_ = 	snop  }
0x240: {  	[tilespmem:s6], [sflag:$0x4] =	stream.indirect.gather [hbm4b:s1+s28], $0x80, s20, s28, $0xb8;
	[tilespmem:$0x1FC00] =	vst v63  }
0x241: {  	_ =	swait.ge [sflag:s10], $0x2800  }
0x242: {  	[sflag:s10] =	ssyncset.done $0x0  }
0x243: {  	[sflag:s10] =	ssyncadd.s32 $0xFFFFD800  }
0x244: {  	_ =	swait.ge [sflag:s11], $0x2800  }
0x245: {  	[sflag:s11] =	ssyncset.done $0x0  }
0x246: {  	s12 =	simm.s32 $0x1080;
	[sflag:s11] =	ssyncadd.s32 $0xFFFFD800  }
0x247: {  	[spmem:s2] =	stream.indirect.scatter.add.f32 [tilespmem:s31], [sflag:$0x6], $0x80, s12, s28, $0xb8;
	[tilespmem:$0x1FC00] =	vst v63  }
0x248: {  	s19 =	simm.s32 $0x200  }
0x249: {  	[tilespmem:s29], [sflag:$0x1] =	stream.indirect.gather [hbm4b:s1+s28], $0x80, s19, s28, $0xb8;
	[tilespmem:$0x1FC00] =	vst v63  }
0x24a: {  	_ =	swait.ge [sflag:s14], $0x2800  }
0x24b: {  	[sflag:s14] =	ssyncset.done $0x0  }
0x24c: {  	[sflag:s14] =	ssyncadd.s32 $0xFFFFD800  }
0x24d: {  	_ =	swait.ge [sflag:s15], $0x2800  }
0x24e: {  	[sflag:s15] =	ssyncset.done $0x0  }
0x24f: {  	s20 =	simm.s32 $0x1100;
	[sflag:s15] =	ssyncadd.s32 $0xFFFFD800  }
0x250: {  	[spmem:s2] =	stream.indirect.scatter.add.f32 [tilespmem:s3], [sflag:$0x7], $0x80, s20, s28, $0xb8;
	[tilespmem:$0x1FC00] =	vst v63  }
0x251: {  	s12 =	simm.s32 $0x280  }
0x252: {  	[tilespmem:s31], [sflag:$0x2] =	stream.indirect.gather [hbm4b:s1+s28], $0x80, s12, s28, $0xb8;
	[tilespmem:$0x1FC00] =	vst v63  }
0x253: {  	_ =	swait.ge [sflag:s18], $0x2800  }
0x254: {  	[sflag:s18] =	ssyncset.done $0x0  }
0x255: {  	[sflag:s18] =	ssyncadd.s32 $0xFFFFD800  }
0x256: {  	_ =	swait.ge [sflag:s26], $0x2800  }
0x257: {  	[sflag:s26] =	ssyncset.done $0x0  }
0x258: {  	[sflag:s26] =	ssyncadd.s32 $0xFFFFD800  }
0x259: {  	[spmem:s2] =	stream.indirect.scatter.add.f32 [tilespmem:s6], [sflag:$0x8], $0x80, s4, s28, $0xb8;
	[tilespmem:$0x1FC00] =	vst v63  }
0x25a: {  	s12 =	simm.s32 $0x300  }
0x25b: {  	[tilespmem:s3], [sflag:$0x3] =	stream.indirect.gather [hbm4b:s1+s28], $0x80, s12, s28, $0xb8;
	[tilespmem:$0x1FC00] =	vst v63  }
0x25c: {  	_ =	swait.ge [sflag:s8], $0x2800  }
0x25d: {  	[sflag:s8] =	ssyncset.done $0x0  }
0x25e: {  	[sflag:s8] =	ssyncadd.s32 $0xFFFFD800  }
0x25f: {  	_ =	swait.ge [sflag:s7], $0x2800  }
0x260: {  	[sflag:s7] =	ssyncset.done $0x0  }
0x261: {  	[sflag:s7] =	ssyncadd.s32 $0xFFFFD800  }
0x262: {  	[spmem:s2] =	stream.indirect.scatter.add.f32 [tilespmem:s29], [sflag:$0x5], $0x80, s13, s28, $0xb8;
	[tilespmem:$0x1FC00] =	vst v63  }
0x263: {  	s13 =	simm.s32 $0x380  }
0x264: {  	[tilespmem:s6], [sflag:$0x4] =	stream.indirect.gather [hbm4b:s1+s28], $0x80, s13, s28, $0xb8;
	[tilespmem:$0x1FC00] =	vst v63  }
0x265: {  	_ =	swait.ge [sflag:s10], $0x2800  }
0x266: {  	[sflag:s10] =	ssyncset.done $0x0  }
0x267: {  	[sflag:s10] =	ssyncadd.s32 $0xFFFFD800  }
0x268: {  	_ =	swait.ge [sflag:s11], $0x2800  }
0x269: {  	[sflag:s11] =	ssyncset.done $0x0  }
0x26a: {  	[sflag:s11] =	ssyncadd.s32 $0xFFFFD800  }
0x26b: {  	[spmem:s2] =	stream.indirect.scatter.add.f32 [tilespmem:s31], [sflag:$0x6], $0x80, s16, s28, $0xb8;
	[tilespmem:$0x1FC00] =	vst v63  }
0x26c: {  	_ = 	snop  }
0x26d: {  	[tilespmem:s29], [sflag:$0x1] =	stream.indirect.gather [hbm4b:s1+s28], $0x80, s22, s28, $0xb8;
	[tilespmem:$0x1FC00] =	vst v63  }
0x26e: {  	_ =	swait.ge [sflag:s14], $0x2800  }
0x26f: {  	[sflag:s14] =	ssyncset.done $0x0  }
0x270: {  	[sflag:s14] =	ssyncadd.s32 $0xFFFFD800  }
0x271: {  	_ =	swait.ge [sflag:s15], $0x2800  }
0x272: {  	[sflag:s15] =	ssyncset.done $0x0  }
0x273: {  	s16 =	simm.s32 $0x1300;
	[sflag:s15] =	ssyncadd.s32 $0xFFFFD800  }
0x274: {  	[spmem:s2] =	stream.indirect.scatter.add.f32 [tilespmem:s3], [sflag:$0x7], $0x80, s16, s28, $0xb8;
	[tilespmem:$0x1FC00] =	vst v63  }
0x275: {  	_ = 	snop  }
0x276: {  	[tilespmem:s31], [sflag:$0x2] =	stream.indirect.gather [hbm4b:s1+s28], $0x80, s23, s28, $0xb8;
	[tilespmem:$0x1FC00] =	vst v63  }
0x277: {  	_ =	swait.ge [sflag:s18], $0x2800  }
0x278: {  	[sflag:s18] =	ssyncset.done $0x0  }
0x279: {  	[sflag:s18] =	ssyncadd.s32 $0xFFFFD800  }
0x27a: {  	_ =	swait.ge [sflag:s26], $0x2800  }
0x27b: {  	[sflag:s26] =	ssyncset.done $0x0  }
0x27c: {  	s17 =	simm.s32 $0x1380;
	[sflag:s26] =	ssyncadd.s32 $0xFFFFD800  }
0x27d: {  	[spmem:s2] =	stream.indirect.scatter.add.f32 [tilespmem:s6], [sflag:$0x8], $0x80, s17, s28, $0xb8;
	[tilespmem:$0x1FC00] =	vst v63  }
0x27e: {  	_ = 	snop  }
0x27f: {  	[tilespmem:s3], [sflag:$0x3] =	stream.indirect.gather [hbm4b:s1+s28], $0x80, s24, s28, $0xb8;
	[tilespmem:$0x1FC00] =	vst v63  }
0x280: {  	_ =	swait.ge [sflag:s8], $0x2800  }
0x281: {  	[sflag:s8] =	ssyncset.done $0x0  }
0x282: {  	[sflag:s8] =	ssyncadd.s32 $0xFFFFD800  }
0x283: {  	_ =	swait.ge [sflag:s7], $0x2800  }
0x284: {  	[sflag:s7] =	ssyncset.done $0x0  }
0x285: {  	s19 =	simm.s32 $0x1400;
	[sflag:s7] =	ssyncadd.s32 $0xFFFFD800  }
0x286: {  	[spmem:s2] =	stream.indirect.scatter.add.f32 [tilespmem:s29], [sflag:$0x5], $0x80, s19, s28, $0xb8;
	[tilespmem:$0x1FC00] =	vst v63  }
0x287: {  	_ = 	snop  }
0x288: {  	[tilespmem:s6], [sflag:$0x4] =	stream.indirect.gather [hbm4b:s1+s28], $0x80, s25, s28, $0xb8;
	[tilespmem:$0x1FC00] =	vst v63  }
0x289: {  	_ =	swait.ge [sflag:s10], $0x2800  }
0x28a: {  	[sflag:s10] =	ssyncset.done $0x0  }
0x28b: {  	[sflag:s10] =	ssyncadd.s32 $0xFFFFD800  }
0x28c: {  	_ =	swait.ge [sflag:s11], $0x2800  }
0x28d: {  	[sflag:s11] =	ssyncset.done $0x0  }
0x28e: {  	s20 =	simm.s32 $0x1480;
	[sflag:s11] =	ssyncadd.s32 $0xFFFFD800  }
0x28f: {  	[spmem:s2] =	stream.indirect.scatter.add.f32 [tilespmem:s31], [sflag:$0x6], $0x80, s20, s28, $0xb8;
	[tilespmem:$0x1FC00] =	vst v63  }
0x290: {  	s17 =	simm.s32 $0x600  }
0x291: {  	[tilespmem:s29], [sflag:$0x1] =	stream.indirect.gather [hbm4b:s1+s28], $0x80, s17, s28, $0xb8;
	[tilespmem:$0x1FC00] =	vst v63  }
0x292: {  	_ =	swait.ge [sflag:s14], $0x2800  }
0x293: {  	[sflag:s14] =	ssyncset.done $0x0  }
0x294: {  	[sflag:s14] =	ssyncadd.s32 $0xFFFFD800  }
0x295: {  	_ =	swait.ge [sflag:s15], $0x2800  }
0x296: {  	[sflag:s15] =	ssyncset.done $0x0  }
0x297: {  	s22 =	simm.s32 $0x1500;
	[sflag:s15] =	ssyncadd.s32 $0xFFFFD800  }
0x298: {  	[spmem:s2] =	stream.indirect.scatter.add.f32 [tilespmem:s3], [sflag:$0x7], $0x80, s22, s28, $0xb8;
	[tilespmem:$0x1FC00] =	vst v63  }
0x299: {  	s23 =	simm.s32 $0x680  }
0x29a: {  	[tilespmem:s31], [sflag:$0x2] =	stream.indirect.gather [hbm4b:s1+s28], $0x80, s23, s28, $0xb8;
	[tilespmem:$0x1FC00] =	vst v63  }
0x29b: {  	_ =	swait.ge [sflag:s18], $0x2800  }
0x29c: {  	[sflag:s18] =	ssyncset.done $0x0  }
0x29d: {  	[sflag:s18] =	ssyncadd.s32 $0xFFFFD800  }
0x29e: {  	_ =	swait.ge [sflag:s26], $0x2800  }
0x29f: {  	[sflag:s26] =	ssyncset.done $0x0  }
0x2a0: {  	s24 =	simm.s32 $0x1580;
	[sflag:s26] =	ssyncadd.s32 $0xFFFFD800  }
0x2a1: {  	[spmem:s2] =	stream.indirect.scatter.add.f32 [tilespmem:s6], [sflag:$0x8], $0x80, s24, s28, $0xb8;
	[tilespmem:$0x1FC00] =	vst v63  }
0x2a2: {  	s16 =	simm.s32 $0x700  }
0x2a3: {  	[tilespmem:s3], [sflag:$0x3] =	stream.indirect.gather [hbm4b:s1+s28], $0x80, s16, s28, $0xb8;
	[tilespmem:$0x1FC00] =	vst v63  }
0x2a4: {  	_ =	swait.ge [sflag:s8], $0x2800  }
0x2a5: {  	[sflag:s8] =	ssyncset.done $0x0  }
0x2a6: {  	[sflag:s8] =	ssyncadd.s32 $0xFFFFD800  }
0x2a7: {  	_ =	swait.ge [sflag:s7], $0x2800  }
0x2a8: {  	[sflag:s7] =	ssyncset.done $0x0  }
0x2a9: {  	s19 =	simm.s32 $0x1600;
	[sflag:s7] =	ssyncadd.s32 $0xFFFFD800  }
0x2aa: {  	[spmem:s2] =	stream.indirect.scatter.add.f32 [tilespmem:s29], [sflag:$0x5], $0x80, s19, s28, $0xb8;
	[tilespmem:$0x1FC00] =	vst v63  }
0x2ab: {  	s16 =	simm.s32 $0x780  }
0x2ac: {  	[tilespmem:s6], [sflag:$0x4] =	stream.indirect.gather [hbm4b:s1+s28], $0x80, s16, s28, $0xb8;
	[tilespmem:$0x1FC00] =	vst v63  }
0x2ad: {  	_ =	swait.ge [sflag:s10], $0x2800  }
0x2ae: {  	[sflag:s10] =	ssyncset.done $0x0  }
0x2af: {  	[sflag:s10] =	ssyncadd.s32 $0xFFFFD800  }
0x2b0: {  	_ =	swait.ge [sflag:s11], $0x2800  }
0x2b1: {  	[sflag:s11] =	ssyncset.done $0x0  }
0x2b2: {  	s20 =	simm.s32 $0x1680;
	[sflag:s11] =	ssyncadd.s32 $0xFFFFD800  }
0x2b3: {  	[spmem:s2] =	stream.indirect.scatter.add.f32 [tilespmem:s31], [sflag:$0x6], $0x80, s20, s28, $0xb8;
	[tilespmem:$0x1FC00] =	vst v63  }
0x2b4: {  	s20 =	simm.s32 $0x800  }
0x2b5: {  	[tilespmem:s29], [sflag:$0x1] =	stream.indirect.gather [hbm4b:s1+s28], $0x80, s20, s28, $0xb8;
	[tilespmem:$0x1FC00] =	vst v63  }
0x2b6: {  	_ =	swait.ge [sflag:s14], $0x2800  }
0x2b7: {  	[sflag:s14] =	ssyncset.done $0x0  }
0x2b8: {  	[sflag:s14] =	ssyncadd.s32 $0xFFFFD800  }
0x2b9: {  	_ =	swait.ge [sflag:s15], $0x2800  }
0x2ba: {  	[sflag:s15] =	ssyncset.done $0x0  }
0x2bb: {  	s22 =	simm.s32 $0x1700;
	[sflag:s15] =	ssyncadd.s32 $0xFFFFD800  }
0x2bc: {  	[spmem:s2] =	stream.indirect.scatter.add.f32 [tilespmem:s3], [sflag:$0x7], $0x80, s22, s28, $0xb8;
	[tilespmem:$0x1FC00] =	vst v63  }
0x2bd: {  	s22 =	simm.s32 $0x880  }
0x2be: {  	[tilespmem:s31], [sflag:$0x2] =	stream.indirect.gather [hbm4b:s1+s28], $0x80, s22, s28, $0xb8;
	[tilespmem:$0x1FC00] =	vst v63  }
0x2bf: {  	_ =	swait.ge [sflag:s18], $0x2800  }
0x2c0: {  	[sflag:s18] =	ssyncset.done $0x0  }
0x2c1: {  	[sflag:s18] =	ssyncadd.s32 $0xFFFFD800  }
0x2c2: {  	_ =	swait.ge [sflag:s26], $0x2800  }
0x2c3: {  	[sflag:s26] =	ssyncset.done $0x0  }
0x2c4: {  	s23 =	simm.s32 $0x1780;
	[sflag:s26] =	ssyncadd.s32 $0xFFFFD800  }
0x2c5: {  	[spmem:s2] =	stream.indirect.scatter.add.f32 [tilespmem:s6], [sflag:$0x8], $0x80, s23, s28, $0xb8;
	[tilespmem:$0x1FC00] =	vst v63  }
0x2c6: {  	s23 =	simm.s32 $0x900  }
0x2c7: {  	[tilespmem:s3], [sflag:$0x3] =	stream.indirect.gather [hbm4b:s1+s28], $0x80, s23, s28, $0xb8;
	[tilespmem:$0x1FC00] =	vst v63  }
0x2c8: {  	_ =	swait.ge [sflag:s8], $0x2800  }
0x2c9: {  	[sflag:s8] =	ssyncset.done $0x0  }
0x2ca: {  	[sflag:s8] =	ssyncadd.s32 $0xFFFFD800  }
0x2cb: {  	_ =	swait.ge [sflag:s7], $0x2800  }
0x2cc: {  	[sflag:s7] =	ssyncset.done $0x0  }
0x2cd: {  	s24 =	simm.s32 $0x1800;
	[sflag:s7] =	ssyncadd.s32 $0xFFFFD800  }
0x2ce: {  	[spmem:s2] =	stream.indirect.scatter.add.f32 [tilespmem:s29], [sflag:$0x5], $0x80, s24, s28, $0xb8;
	[tilespmem:$0x1FC00] =	vst v63  }
0x2cf: {  	s24 =	simm.s32 $0x980  }
0x2d0: {  	[tilespmem:s6], [sflag:$0x4] =	stream.indirect.gather [hbm4b:s1+s28], $0x80, s24, s28, $0xb8;
	[tilespmem:$0x1FC00] =	vst v63  }
0x2d1: {  	_ =	swait.ge [sflag:s10], $0x2800  }
0x2d2: {  	[sflag:s10] =	ssyncset.done $0x0  }
0x2d3: {  	[sflag:s10] =	ssyncadd.s32 $0xFFFFD800  }
0x2d4: {  	_ =	swait.ge [sflag:s11], $0x2800  }
0x2d5: {  	[sflag:s11] =	ssyncset.done $0x0  }
0x2d6: {  	s19 =	simm.s32 $0x1880;
	[sflag:s11] =	ssyncadd.s32 $0xFFFFD800  }
0x2d7: {  	[spmem:s2] =	stream.indirect.scatter.add.f32 [tilespmem:s31], [sflag:$0x6], $0x80, s19, s28, $0xb8;
	[tilespmem:$0x1FC00] =	vst v63  }
0x2d8: {  	s19 =	simm.s32 $0xA00  }
0x2d9: {  	[tilespmem:s29], [sflag:$0x1] =	stream.indirect.gather [hbm4b:s1+s28], $0x80, s19, s28, $0xb8;
	[tilespmem:$0x1FC00] =	vst v63  }
0x2da: {  	_ =	swait.ge [sflag:s14], $0x2800  }
0x2db: {  	[sflag:s14] =	ssyncset.done $0x0  }
0x2dc: {  	[sflag:s14] =	ssyncadd.s32 $0xFFFFD800  }
0x2dd: {  	_ =	swait.ge [sflag:s15], $0x2800  }
0x2de: {  	[sflag:s15] =	ssyncset.done $0x0  }
0x2df: {  	[sflag:s15] =	ssyncadd.s32 $0xFFFFD800  }
0x2e0: {  	[spmem:s2] =	stream.indirect.scatter.add.f32 [tilespmem:s3], [sflag:$0x7], $0x80, s0, s28, $0xb8;
	[tilespmem:$0x1FC00] =	vst v63  }
0x2e1: {  	s0 =	simm.s32 $0xA80  }
0x2e2: {  	[tilespmem:s31], [sflag:$0x2] =	stream.indirect.gather [hbm4b:s1+s28], $0x80, s0, s28, $0xb8;
	[tilespmem:$0x1FC00] =	vst v63  }
0x2e3: {  	_ =	swait.ge [sflag:s18], $0x2800  }
0x2e4: {  	[sflag:s18] =	ssyncset.done $0x0  }
0x2e5: {  	[sflag:s18] =	ssyncadd.s32 $0xFFFFD800  }
0x2e6: {  	_ =	swait.ge [sflag:s26], $0x2800  }
0x2e7: {  	[sflag:s26] =	ssyncset.done $0x0  }
0x2e8: {  	[sflag:s26] =	ssyncadd.s32 $0xFFFFD800  }
0x2e9: {  	[spmem:s2] =	stream.indirect.scatter.add.f32 [tilespmem:s6], [sflag:$0x8], $0x80, s5, s28, $0xb8;
	[tilespmem:$0x1FC00] =	vst v63  }
0x2ea: {  	s4 =	simm.s32 $0xB00  }
0x2eb: {  	[tilespmem:s3], [sflag:$0x3] =	stream.indirect.gather [hbm4b:s1+s28], $0x80, s4, s28, $0xb8;
	[tilespmem:$0x1FC00] =	vst v63  }
0x2ec: {  	_ =	swait.ge [sflag:s8], $0x2800  }
0x2ed: {  	[sflag:s8] =	ssyncset.done $0x0  }
0x2ee: {  	[sflag:s8] =	ssyncadd.s32 $0xFFFFD800  }
0x2ef: {  	_ =	swait.ge [sflag:s7], $0x2800  }
0x2f0: {  	[sflag:s7] =	ssyncset.done $0x0  }
0x2f1: {  	[sflag:s7] =	ssyncadd.s32 $0xFFFFD800  }
0x2f2: {  	[spmem:s2] =	stream.indirect.scatter.add.f32 [tilespmem:s29], [sflag:$0x5], $0x80, s9, s28, $0xb8;
	[tilespmem:$0x1FC00] =	vst v63  }
0x2f3: {  	s5 =	simm.s32 $0xB80  }
0x2f4: {  	[tilespmem:s6], [sflag:$0x4] =	stream.indirect.gather [hbm4b:s1+s28], $0x80, s5, s28, $0xb8;
	[tilespmem:$0x1FC00] =	vst v63  }
0x2f5: {  	_ =	swait.ge [sflag:s10], $0x2800  }
0x2f6: {  	[sflag:s10] =	ssyncset.done $0x0  }
0x2f7: {  	[sflag:s10] =	ssyncadd.s32 $0xFFFFD800  }
0x2f8: {  	_ =	swait.ge [sflag:s11], $0x2800  }
0x2f9: {  	[sflag:s11] =	ssyncset.done $0x0  }
0x2fa: {  	s19 =	simm.s32 $0x1A80;
	[sflag:s11] =	ssyncadd.s32 $0xFFFFD800  }
0x2fb: {  	[spmem:s2] =	stream.indirect.scatter.add.f32 [tilespmem:s31], [sflag:$0x6], $0x80, s19, s28, $0xb8;
	[tilespmem:$0x1FC00] =	vst v63  }
0x2fc: {  	s9 =	simm.s32 $0xC00  }
0x2fd: {  	[tilespmem:s29], [sflag:$0x1] =	stream.indirect.gather [hbm4b:s1+s28], $0x80, s9, s28, $0xb8;
	[tilespmem:$0x1FC00] =	vst v63  }
0x2fe: {  	_ =	swait.ge [sflag:s14], $0x2800  }
0x2ff: {  	[sflag:s14] =	ssyncset.done $0x0  }
0x300: {  	[sflag:s14] =	ssyncadd.s32 $0xFFFFD800  }
0x301: {  	_ =	swait.ge [sflag:s15], $0x2800  }
0x302: {  	[sflag:s15] =	ssyncset.done $0x0  }
0x303: {  	s19 =	simm.s32 $0x1B00;
	[sflag:s15] =	ssyncadd.s32 $0xFFFFD800  }
0x304: {  	[spmem:s2] =	stream.indirect.scatter.add.f32 [tilespmem:s3], [sflag:$0x7], $0x80, s19, s28, $0xb8;
	[tilespmem:$0x1FC00] =	vst v63  }
0x305: {  	_ =	swait.ge [sflag:s18], $0x2800  }
0x306: {  	[sflag:s18] =	ssyncset.done $0x0  }
0x307: {  	[sflag:s18] =	ssyncadd.s32 $0xFFFFD800  }
0x308: {  	_ =	swait.ge [sflag:s26], $0x2800  }
0x309: {  	[sflag:s26] =	ssyncset.done $0x0  }
0x30a: {  	s19 =	simm.s32 $0x1B80;
	[sflag:s26] =	ssyncadd.s32 $0xFFFFD800  }
0x30b: {  	[spmem:s2] =	stream.indirect.scatter.add.f32 [tilespmem:s6], [sflag:$0x8], $0x80, s19, s28, $0xb8;
	[tilespmem:$0x1FC00] =	vst v63  }
0x30c: {  	_ =	swait.ge [sflag:s8], $0x2800  }
0x30d: {  	[sflag:s8] =	ssyncset.done $0x0  }
0x30e: {  	[sflag:s8] =	ssyncadd.s32 $0xFFFFD800  }
0x30f: {  	_ =	swait.ge [sflag:s7], $0x2800  }
0x310: {  	[sflag:s7] =	ssyncset.done $0x0  }
0x311: {  	s19 =	simm.s32 $0x1C00;
	[sflag:s7] =	ssyncadd.s32 $0xFFFFD800  }
0x312: {  	[spmem:s2] =	stream.indirect.scatter.add.f32 [tilespmem:s29], [sflag:$0x5], $0x80, s19, s28, $0xb8;
	[tilespmem:$0x1FC00] =	vst v63  }
0x313: {  	_ =	swait.ge [sflag:s11], $0x2800  }
0x314: {  	[sflag:s11] =	ssyncset.done $0x0  }
0x315: {  	s25 =	simm.s32 $0x0;
	s19 =	rddreg [dreg:$0x13];
	[sflag:s11] =	ssyncadd.s32 $0xFFFFD800  }
0x316: {  	[tilespmem:s25], [sflag:$0x7] =	stream.linear.gather [hbm4b:s19+s25], $0xC80, $0x38;
	[tilespmem:$0x1FC00] =	vst v63  }
0x317: {  	s19 =	rddreg [dreg:$0x14]  }
0x318: {  	[tilespmem:s30], [sflag:$0x8] =	stream.linear.gather [hbm4b:s19+s25], $0xC80, $0x38;
	[tilespmem:$0x1FC00] =	vst v63  }
0x319: {  	_ =	swait.ge [sflag:s26], $0xC80  }
0x31a: {  	[sflag:s26] =	ssyncset.done $0x0  }
0x31b: {  	[sflag:s26] =	ssyncadd.s32 $0xFFFFF380  }
0x31c: {  	[tilespmem:s29], [sflag:$0x1] =	stream.indirect.gather [hbm4b:s1+s28], $0x80, s25, s28, $0xb8;
	[tilespmem:$0x1FC00] =	vst v63  }
0x31d: {  	_ = 	snop  }
0x31e: {  	[tilespmem:s31], [sflag:$0x2] =	stream.indirect.gather [hbm4b:s1+s28], $0x80, s21, s28, $0xb8;
	[tilespmem:$0x1FC00] =	vst v63  }
0x31f: {  	s19 =	simm.s32 $0x100  }
0x320: {  	[tilespmem:s3], [sflag:$0x3] =	stream.indirect.gather [hbm4b:s1+s28], $0x80, s19, s28, $0xb8;
	[tilespmem:$0x1FC00] =	vst v63  }
0x321: {  	_ =	swait.ge [sflag:s7], $0xC80  }
0x322: {  	[sflag:s7] =	ssyncset.done $0x0  }
0x323: {  	[sflag:s7] =	ssyncadd.s32 $0xFFFFF380  }
0x324: {  	_ =	swait.ge [sflag:s8], $0x2800  }
0x325: {  	[sflag:s8] =	ssyncset.done $0x0  }
0x326: {  	[sflag:s8] =	ssyncadd.s32 $0xFFFFD800  }
0x327: {  	[spmem:s2] =	stream.indirect.scatter.add.f32 [tilespmem:s29], [sflag:$0x5], $0x80, s30, s28, $0xb8;
	[tilespmem:$0x1FC00] =	vst v63  }
0x328: {  	s19 =	simm.s32 $0x180  }
0x329: {  	[tilespmem:s6], [sflag:$0x4] =	stream.indirect.gather [hbm4b:s1+s28], $0x80, s19, s28, $0xb8;
	[tilespmem:$0x1FC00] =	vst v63  }
0x32a: {  	_ =	swait.ge [sflag:s10], $0x2800  }
0x32b: {  	[sflag:s10] =	ssyncset.done $0x0  }
0x32c: {  	[sflag:s10] =	ssyncadd.s32 $0xFFFFD800  }
0x32d: {  	_ =	swait.ge [sflag:s11], $0x2800  }
0x32e: {  	[sflag:s11] =	ssyncset.done $0x0  }
0x32f: {  	s19 =	simm.s32 $0x1080;
	[sflag:s11] =	ssyncadd.s32 $0xFFFFD800  }
0x330: {  	[spmem:s2] =	stream.indirect.scatter.add.f32 [tilespmem:s31], [sflag:$0x6], $0x80, s19, s28, $0xb8;
	[tilespmem:$0x1FC00] =	vst v63  }
0x331: {  	s19 =	simm.s32 $0x200  }
0x332: {  	[tilespmem:s29], [sflag:$0x1] =	stream.indirect.gather [hbm4b:s1+s28], $0x80, s19, s28, $0xb8;
	[tilespmem:$0x1FC00] =	vst v63  }
0x333: {  	_ =	swait.ge [sflag:s14], $0x2800  }
0x334: {  	[sflag:s14] =	ssyncset.done $0x0  }
0x335: {  	[sflag:s14] =	ssyncadd.s32 $0xFFFFD800  }
0x336: {  	_ =	swait.ge [sflag:s15], $0x2800  }
0x337: {  	[sflag:s15] =	ssyncset.done $0x0  }
0x338: {  	s19 =	simm.s32 $0x1100;
	[sflag:s15] =	ssyncadd.s32 $0xFFFFD800  }
0x339: {  	[spmem:s2] =	stream.indirect.scatter.add.f32 [tilespmem:s3], [sflag:$0x7], $0x80, s19, s28, $0xb8;
	[tilespmem:$0x1FC00] =	vst v63  }
0x33a: {  	s19 =	simm.s32 $0x280  }
0x33b: {  	[tilespmem:s31], [sflag:$0x2] =	stream.indirect.gather [hbm4b:s1+s28], $0x80, s19, s28, $0xb8;
	[tilespmem:$0x1FC00] =	vst v63  }
0x33c: {  	_ =	swait.ge [sflag:s18], $0x2800  }
0x33d: {  	[sflag:s18] =	ssyncset.done $0x0  }
0x33e: {  	[sflag:s18] =	ssyncadd.s32 $0xFFFFD800  }
0x33f: {  	_ =	swait.ge [sflag:s26], $0x2800  }
0x340: {  	[sflag:s26] =	ssyncset.done $0x0  }
0x341: {  	s19 =	simm.s32 $0x1180;
	[sflag:s26] =	ssyncadd.s32 $0xFFFFD800  }
0x342: {  	[spmem:s2] =	stream.indirect.scatter.add.f32 [tilespmem:s6], [sflag:$0x8], $0x80, s19, s28, $0xb8;
	[tilespmem:$0x1FC00] =	vst v63  }
0x343: {  	_ = 	snop  }
0x344: {  	[tilespmem:s3], [sflag:$0x3] =	stream.indirect.gather [hbm4b:s1+s28], $0x80, s12, s28, $0xb8;
	[tilespmem:$0x1FC00] =	vst v63  }
0x345: {  	_ =	swait.ge [sflag:s8], $0x2800  }
0x346: {  	[sflag:s8] =	ssyncset.done $0x0  }
0x347: {  	[sflag:s8] =	ssyncadd.s32 $0xFFFFD800  }
0x348: {  	_ =	swait.ge [sflag:s7], $0x2800  }
0x349: {  	[sflag:s7] =	ssyncset.done $0x0  }
0x34a: {  	s19 =	simm.s32 $0x1200;
	[sflag:s7] =	ssyncadd.s32 $0xFFFFD800  }
0x34b: {  	[spmem:s2] =	stream.indirect.scatter.add.f32 [tilespmem:s29], [sflag:$0x5], $0x80, s19, s28, $0xb8;
	[tilespmem:$0x1FC00] =	vst v63  }
0x34c: {  	_ = 	snop  }
0x34d: {  	[tilespmem:s6], [sflag:$0x4] =	stream.indirect.gather [hbm4b:s1+s28], $0x80, s13, s28, $0xb8;
	[tilespmem:$0x1FC00] =	vst v63  }
0x34e: {  	_ =	swait.ge [sflag:s10], $0x2800  }
0x34f: {  	[sflag:s10] =	ssyncset.done $0x0  }
0x350: {  	[sflag:s10] =	ssyncadd.s32 $0xFFFFD800  }
0x351: {  	_ =	swait.ge [sflag:s11], $0x2800  }
0x352: {  	[sflag:s11] =	ssyncset.done $0x0  }
0x353: {  	s13 =	simm.s32 $0x1280;
	[sflag:s11] =	ssyncadd.s32 $0xFFFFD800  }
0x354: {  	[spmem:s2] =	stream.indirect.scatter.add.f32 [tilespmem:s31], [sflag:$0x6], $0x80, s13, s28, $0xb8;
	[tilespmem:$0x1FC00] =	vst v63  }
0x355: {  	s19 =	simm.s32 $0x400  }
0x356: {  	[tilespmem:s29], [sflag:$0x1] =	stream.indirect.gather [hbm4b:s1+s28], $0x80, s19, s28, $0xb8;
	[tilespmem:$0x1FC00] =	vst v63  }
0x357: {  	_ =	swait.ge [sflag:s14], $0x2800  }
0x358: {  	[sflag:s14] =	ssyncset.done $0x0  }
0x359: {  	[sflag:s14] =	ssyncadd.s32 $0xFFFFD800  }
0x35a: {  	_ =	swait.ge [sflag:s15], $0x2800  }
0x35b: {  	[sflag:s15] =	ssyncset.done $0x0  }
0x35c: {  	s13 =	simm.s32 $0x1300;
	[sflag:s15] =	ssyncadd.s32 $0xFFFFD800  }
0x35d: {  	[spmem:s2] =	stream.indirect.scatter.add.f32 [tilespmem:s3], [sflag:$0x7], $0x80, s13, s28, $0xb8;
	[tilespmem:$0x1FC00] =	vst v63  }
0x35e: {  	s19 =	simm.s32 $0x480  }
0x35f: {  	[tilespmem:s31], [sflag:$0x2] =	stream.indirect.gather [hbm4b:s1+s28], $0x80, s19, s28, $0xb8;
	[tilespmem:$0x1FC00] =	vst v63  }
0x360: {  	_ =	swait.ge [sflag:s18], $0x2800  }
0x361: {  	[sflag:s18] =	ssyncset.done $0x0  }
0x362: {  	[sflag:s18] =	ssyncadd.s32 $0xFFFFD800  }
0x363: {  	_ =	swait.ge [sflag:s26], $0x2800  }
0x364: {  	[sflag:s26] =	ssyncset.done $0x0  }
0x365: {  	s13 =	simm.s32 $0x1380;
	[sflag:s26] =	ssyncadd.s32 $0xFFFFD800  }
0x366: {  	[spmem:s2] =	stream.indirect.scatter.add.f32 [tilespmem:s6], [sflag:$0x8], $0x80, s13, s28, $0xb8;
	[tilespmem:$0x1FC00] =	vst v63  }
0x367: {  	s19 =	simm.s32 $0x500  }
0x368: {  	[tilespmem:s3], [sflag:$0x3] =	stream.indirect.gather [hbm4b:s1+s28], $0x80, s19, s28, $0xb8;
	[tilespmem:$0x1FC00] =	vst v63  }
0x369: {  	_ =	swait.ge [sflag:s8], $0x2800  }
0x36a: {  	[sflag:s8] =	ssyncset.done $0x0  }
0x36b: {  	[sflag:s8] =	ssyncadd.s32 $0xFFFFD800  }
0x36c: {  	_ =	swait.ge [sflag:s7], $0x2800  }
0x36d: {  	[sflag:s7] =	ssyncset.done $0x0  }
0x36e: {  	s13 =	simm.s32 $0x1400;
	[sflag:s7] =	ssyncadd.s32 $0xFFFFD800  }
0x36f: {  	[spmem:s2] =	stream.indirect.scatter.add.f32 [tilespmem:s29], [sflag:$0x5], $0x80, s13, s28, $0xb8;
	[tilespmem:$0x1FC00] =	vst v63  }
0x370: {  	s19 =	simm.s32 $0x580  }
0x371: {  	[tilespmem:s6], [sflag:$0x4] =	stream.indirect.gather [hbm4b:s1+s28], $0x80, s19, s28, $0xb8;
	[tilespmem:$0x1FC00] =	vst v63  }
0x372: {  	_ =	swait.ge [sflag:s10], $0x2800  }
0x373: {  	[sflag:s10] =	ssyncset.done $0x0  }
0x374: {  	[sflag:s10] =	ssyncadd.s32 $0xFFFFD800  }
0x375: {  	_ =	swait.ge [sflag:s11], $0x2800  }
0x376: {  	[sflag:s11] =	ssyncset.done $0x0  }
0x377: {  	s12 =	simm.s32 $0x1480;
	[sflag:s11] =	ssyncadd.s32 $0xFFFFD800  }
0x378: {  	[spmem:s2] =	stream.indirect.scatter.add.f32 [tilespmem:s31], [sflag:$0x6], $0x80, s12, s28, $0xb8;
	[tilespmem:$0x1FC00] =	vst v63  }
0x379: {  	_ = 	snop  }
0x37a: {  	[tilespmem:s29], [sflag:$0x1] =	stream.indirect.gather [hbm4b:s1+s28], $0x80, s17, s28, $0xb8;
	[tilespmem:$0x1FC00] =	vst v63  }
0x37b: {  	_ =	swait.ge [sflag:s14], $0x2800  }
0x37c: {  	[sflag:s14] =	ssyncset.done $0x0  }
0x37d: {  	[sflag:s14] =	ssyncadd.s32 $0xFFFFD800  }
0x37e: {  	_ =	swait.ge [sflag:s15], $0x2800  }
0x37f: {  	[sflag:s15] =	ssyncset.done $0x0  }
0x380: {  	s13 =	simm.s32 $0x1500;
	[sflag:s15] =	ssyncadd.s32 $0xFFFFD800  }
0x381: {  	[spmem:s2] =	stream.indirect.scatter.add.f32 [tilespmem:s3], [sflag:$0x7], $0x80, s13, s28, $0xb8;
	[tilespmem:$0x1FC00] =	vst v63  }
0x382: {  	s19 =	simm.s32 $0x680  }
0x383: {  	[tilespmem:s31], [sflag:$0x2] =	stream.indirect.gather [hbm4b:s1+s28], $0x80, s19, s28, $0xb8;
	[tilespmem:$0x1FC00] =	vst v63  }
0x384: {  	_ =	swait.ge [sflag:s18], $0x2800  }
0x385: {  	[sflag:s18] =	ssyncset.done $0x0  }
0x386: {  	[sflag:s18] =	ssyncadd.s32 $0xFFFFD800  }
0x387: {  	_ =	swait.ge [sflag:s26], $0x2800  }
0x388: {  	[sflag:s26] =	ssyncset.done $0x0  }
0x389: {  	s13 =	simm.s32 $0x1580;
	[sflag:s26] =	ssyncadd.s32 $0xFFFFD800  }
0x38a: {  	[spmem:s2] =	stream.indirect.scatter.add.f32 [tilespmem:s6], [sflag:$0x8], $0x80, s13, s28, $0xb8;
	[tilespmem:$0x1FC00] =	vst v63  }
0x38b: {  	s19 =	simm.s32 $0x700  }
0x38c: {  	[tilespmem:s3], [sflag:$0x3] =	stream.indirect.gather [hbm4b:s1+s28], $0x80, s19, s28, $0xb8;
	[tilespmem:$0x1FC00] =	vst v63  }
0x38d: {  	_ =	swait.ge [sflag:s8], $0x2800  }
0x38e: {  	[sflag:s8] =	ssyncset.done $0x0  }
0x38f: {  	[sflag:s8] =	ssyncadd.s32 $0xFFFFD800  }
0x390: {  	_ =	swait.ge [sflag:s7], $0x2800  }
0x391: {  	[sflag:s7] =	ssyncset.done $0x0  }
0x392: {  	s12 =	simm.s32 $0x1600;
	[sflag:s7] =	ssyncadd.s32 $0xFFFFD800  }
0x393: {  	[spmem:s2] =	stream.indirect.scatter.add.f32 [tilespmem:s29], [sflag:$0x5], $0x80, s12, s28, $0xb8;
	[tilespmem:$0x1FC00] =	vst v63  }
0x394: {  	_ = 	snop  }
0x395: {  	[tilespmem:s6], [sflag:$0x4] =	stream.indirect.gather [hbm4b:s1+s28], $0x80, s16, s28, $0xb8;
	[tilespmem:$0x1FC00] =	vst v63  }
0x396: {  	_ =	swait.ge [sflag:s10], $0x2800  }
0x397: {  	[sflag:s10] =	ssyncset.done $0x0  }
0x398: {  	[sflag:s10] =	ssyncadd.s32 $0xFFFFD800  }
0x399: {  	_ =	swait.ge [sflag:s11], $0x2800  }
0x39a: {  	[sflag:s11] =	ssyncset.done $0x0  }
0x39b: {  	s12 =	simm.s32 $0x1680;
	[sflag:s11] =	ssyncadd.s32 $0xFFFFD800  }
0x39c: {  	[spmem:s2] =	stream.indirect.scatter.add.f32 [tilespmem:s31], [sflag:$0x6], $0x80, s12, s28, $0xb8;
	[tilespmem:$0x1FC00] =	vst v63  }
0x39d: {  	_ = 	snop  }
0x39e: {  	[tilespmem:s29], [sflag:$0x1] =	stream.indirect.gather [hbm4b:s1+s28], $0x80, s20, s28, $0xb8;
	[tilespmem:$0x1FC00] =	vst v63  }
0x39f: {  	_ =	swait.ge [sflag:s14], $0x2800  }
0x3a0: {  	[sflag:s14] =	ssyncset.done $0x0  }
0x3a1: {  	[sflag:s14] =	ssyncadd.s32 $0xFFFFD800  }
0x3a2: {  	_ =	swait.ge [sflag:s15], $0x2800  }
0x3a3: {  	[sflag:s15] =	ssyncset.done $0x0  }
0x3a4: {  	s12 =	simm.s32 $0x1700;
	[sflag:s15] =	ssyncadd.s32 $0xFFFFD800  }
0x3a5: {  	[spmem:s2] =	stream.indirect.scatter.add.f32 [tilespmem:s3], [sflag:$0x7], $0x80, s12, s28, $0xb8;
	[tilespmem:$0x1FC00] =	vst v63  }
0x3a6: {  	_ = 	snop  }
0x3a7: {  	[tilespmem:s31], [sflag:$0x2] =	stream.indirect.gather [hbm4b:s1+s28], $0x80, s22, s28, $0xb8;
	[tilespmem:$0x1FC00] =	vst v63  }
0x3a8: {  	_ =	swait.ge [sflag:s18], $0x2800  }
0x3a9: {  	[sflag:s18] =	ssyncset.done $0x0  }
0x3aa: {  	[sflag:s18] =	ssyncadd.s32 $0xFFFFD800  }
0x3ab: {  	_ =	swait.ge [sflag:s26], $0x2800  }
0x3ac: {  	[sflag:s26] =	ssyncset.done $0x0  }
0x3ad: {  	s12 =	simm.s32 $0x1780;
	[sflag:s26] =	ssyncadd.s32 $0xFFFFD800  }
0x3ae: {  	[spmem:s2] =	stream.indirect.scatter.add.f32 [tilespmem:s6], [sflag:$0x8], $0x80, s12, s28, $0xb8;
	[tilespmem:$0x1FC00] =	vst v63  }
0x3af: {  	_ = 	snop  }
0x3b0: {  	[tilespmem:s3], [sflag:$0x3] =	stream.indirect.gather [hbm4b:s1+s28], $0x80, s23, s28, $0xb8;
	[tilespmem:$0x1FC00] =	vst v63  }
0x3b1: {  	_ =	swait.ge [sflag:s8], $0x2800  }
0x3b2: {  	[sflag:s8] =	ssyncset.done $0x0  }
0x3b3: {  	[sflag:s8] =	ssyncadd.s32 $0xFFFFD800  }
0x3b4: {  	_ =	swait.ge [sflag:s7], $0x2800  }
0x3b5: {  	[sflag:s7] =	ssyncset.done $0x0  }
0x3b6: {  	s12 =	simm.s32 $0x1800;
	[sflag:s7] =	ssyncadd.s32 $0xFFFFD800  }
0x3b7: {  	[spmem:s2] =	stream.indirect.scatter.add.f32 [tilespmem:s29], [sflag:$0x5], $0x80, s12, s28, $0xb8;
	[tilespmem:$0x1FC00] =	vst v63  }
0x3b8: {  	_ = 	snop  }
0x3b9: {  	[tilespmem:s6], [sflag:$0x4] =	stream.indirect.gather [hbm4b:s1+s28], $0x80, s24, s28, $0xb8;
	[tilespmem:$0x1FC00] =	vst v63  }
0x3ba: {  	_ =	swait.ge [sflag:s10], $0x2800  }
0x3bb: {  	[sflag:s10] =	ssyncset.done $0x0  }
0x3bc: {  	[sflag:s10] =	ssyncadd.s32 $0xFFFFD800  }
0x3bd: {  	_ =	swait.ge [sflag:s11], $0x2800  }
0x3be: {  	[sflag:s11] =	ssyncset.done $0x0  }
0x3bf: {  	s12 =	simm.s32 $0x1880;
	[sflag:s11] =	ssyncadd.s32 $0xFFFFD800  }
0x3c0: {  	[spmem:s2] =	stream.indirect.scatter.add.f32 [tilespmem:s31], [sflag:$0x6], $0x80, s12, s28, $0xb8;
	[tilespmem:$0x1FC00] =	vst v63  }
0x3c1: {  	s19 =	simm.s32 $0xA00  }
0x3c2: {  	[tilespmem:s29], [sflag:$0x1] =	stream.indirect.gather [hbm4b:s1+s28], $0x80, s19, s28, $0xb8;
	[tilespmem:$0x1FC00] =	vst v63  }
0x3c3: {  	_ =	swait.ge [sflag:s14], $0x2800  }
0x3c4: {  	[sflag:s14] =	ssyncset.done $0x0  }
0x3c5: {  	[sflag:s14] =	ssyncadd.s32 $0xFFFFD800  }
0x3c6: {  	_ =	swait.ge [sflag:s15], $0x2800  }
0x3c7: {  	[sflag:s15] =	ssyncset.done $0x0  }
0x3c8: {  	s19 =	simm.s32 $0x1900;
	[sflag:s15] =	ssyncadd.s32 $0xFFFFD800  }
0x3c9: {  	[spmem:s2] =	stream.indirect.scatter.add.f32 [tilespmem:s3], [sflag:$0x7], $0x80, s19, s28, $0xb8;
	[tilespmem:$0x1FC00] =	vst v63  }
0x3ca: {  	_ = 	snop  }
0x3cb: {  	[tilespmem:s31], [sflag:$0x2] =	stream.indirect.gather [hbm4b:s1+s28], $0x80, s0, s28, $0xb8;
	[tilespmem:$0x1FC00] =	vst v63  }
0x3cc: {  	_ =	swait.ge [sflag:s18], $0x2800  }
0x3cd: {  	[sflag:s18] =	ssyncset.done $0x0  }
0x3ce: {  	[sflag:s18] =	ssyncadd.s32 $0xFFFFD800  }
0x3cf: {  	_ =	swait.ge [sflag:s26], $0x2800  }
0x3d0: {  	[sflag:s26] =	ssyncset.done $0x0  }
0x3d1: {  	s0 =	simm.s32 $0x1980;
	[sflag:s26] =	ssyncadd.s32 $0xFFFFD800  }
0x3d2: {  	[spmem:s2] =	stream.indirect.scatter.add.f32 [tilespmem:s6], [sflag:$0x8], $0x80, s0, s28, $0xb8;
	[tilespmem:$0x1FC00] =	vst v63  }
0x3d3: {  	_ = 	snop  }
0x3d4: {  	[tilespmem:s3], [sflag:$0x3] =	stream.indirect.gather [hbm4b:s1+s28], $0x80, s4, s28, $0xb8;
	[tilespmem:$0x1FC00] =	vst v63  }
0x3d5: {  	_ =	swait.ge [sflag:s8], $0x2800  }
0x3d6: {  	[sflag:s8] =	ssyncset.done $0x0  }
0x3d7: {  	[sflag:s8] =	ssyncadd.s32 $0xFFFFD800  }
0x3d8: {  	_ =	swait.ge [sflag:s7], $0x2800  }
0x3d9: {  	[sflag:s7] =	ssyncset.done $0x0  }
0x3da: {  	s4 =	simm.s32 $0x1A00;
	[sflag:s7] =	ssyncadd.s32 $0xFFFFD800  }
0x3db: {  	[spmem:s2] =	stream.indirect.scatter.add.f32 [tilespmem:s29], [sflag:$0x5], $0x80, s4, s28, $0xb8;
	[tilespmem:$0x1FC00] =	vst v63  }
0x3dc: {  	_ = 	snop  }
0x3dd: {  	[tilespmem:s6], [sflag:$0x4] =	stream.indirect.gather [hbm4b:s1+s28], $0x80, s5, s28, $0xb8;
	[tilespmem:$0x1FC00] =	vst v63  }
0x3de: {  	_ =	swait.ge [sflag:s10], $0x2800  }
0x3df: {  	[sflag:s10] =	ssyncset.done $0x0  }
0x3e0: {  	[sflag:s10] =	ssyncadd.s32 $0xFFFFD800  }
0x3e1: {  	_ =	swait.ge [sflag:s11], $0x2800  }
0x3e2: {  	[sflag:s11] =	ssyncset.done $0x0  }
0x3e3: {  	s5 =	simm.s32 $0x1A80;
	[sflag:s11] =	ssyncadd.s32 $0xFFFFD800  }
0x3e4: {  	[spmem:s2] =	stream.indirect.scatter.add.f32 [tilespmem:s31], [sflag:$0x6], $0x80, s5, s28, $0xb8;
	[tilespmem:$0x1FC00] =	vst v63  }
0x3e5: {  	_ = 	snop  }
0x3e6: {  	[tilespmem:s29], [sflag:$0x1] =	stream.indirect.gather [hbm4b:s1+s28], $0x80, s9, s28, $0xb8;
	[tilespmem:$0x1FC00] =	vst v63  }
0x3e7: {  	_ =	swait.ge [sflag:s14], $0x2800  }
0x3e8: {  	[sflag:s14] =	ssyncset.done $0x0  }
0x3e9: {  	[sflag:s14] =	ssyncadd.s32 $0xFFFFD800  }
0x3ea: {  	_ =	swait.ge [sflag:s15], $0x2800  }
0x3eb: {  	[sflag:s15] =	ssyncset.done $0x0  }
0x3ec: {  	s19 =	simm.s32 $0x1B00;
	[sflag:s15] =	ssyncadd.s32 $0xFFFFD800  }
0x3ed: {  	[spmem:s2] =	stream.indirect.scatter.add.f32 [tilespmem:s3], [sflag:$0x7], $0x80, s19, s28, $0xb8;
	[tilespmem:$0x1FC00] =	vst v63  }
0x3ee: {  	_ =	swait.ge [sflag:s18], $0x2800  }
0x3ef: {  	[sflag:s18] =	ssyncset.done $0x0  }
0x3f0: {  	[sflag:s18] =	ssyncadd.s32 $0xFFFFD800  }
0x3f1: {  	_ =	swait.ge [sflag:s26], $0x2800  }
0x3f2: {  	[sflag:s26] =	ssyncset.done $0x0  }
0x3f3: {  	s19 =	simm.s32 $0x1B80;
	[sflag:s26] =	ssyncadd.s32 $0xFFFFD800  }
0x3f4: {  	[spmem:s2] =	stream.indirect.scatter.add.f32 [tilespmem:s6], [sflag:$0x8], $0x80, s19, s28, $0xb8;
	[tilespmem:$0x1FC00] =	vst v63  }
0x3f5: {  	_ =	swait.ge [sflag:s8], $0x2800  }
0x3f6: {  	[sflag:s8] =	ssyncset.done $0x0  }
0x3f7: {  	[sflag:s8] =	ssyncadd.s32 $0xFFFFD800  }
0x3f8: {  	_ =	swait.ge [sflag:s7], $0x2800  }
0x3f9: {  	[sflag:s7] =	ssyncset.done $0x0  }
0x3fa: {  	s19 =	simm.s32 $0x1C00;
	[sflag:s7] =	ssyncadd.s32 $0xFFFFD800  }
0x3fb: {  	[spmem:s2] =	stream.indirect.scatter.add.f32 [tilespmem:s29], [sflag:$0x5], $0x80, s19, s28, $0xb8;
	[tilespmem:$0x1FC00] =	vst v63  }
0x3fc: {  	_ =	swait.ge [sflag:s11], $0x2800  }
0x3fd: {  	[sflag:s11] =	ssyncset.done $0x0  }
0x3fe: {  	s19 =	rddreg [dreg:$0x15];
	[sflag:s11] =	ssyncadd.s32 $0xFFFFD800  }
0x3ff: {  	[tilespmem:s25], [sflag:$0x7] =	stream.linear.gather [hbm4b:s19+s25], $0xC80, $0x38;
	[tilespmem:$0x1FC00] =	vst v63  }
0x400: {  	s19 =	rddreg [dreg:$0x16]  }
0x401: {  	[tilespmem:s30], [sflag:$0x8] =	stream.linear.gather [hbm4b:s19+s25], $0xC80, $0x38;
	[tilespmem:$0x1FC00] =	vst v63  }
0x402: {  	_ =	swait.ge [sflag:s26], $0xC80  }
0x403: {  	[sflag:s26] =	ssyncset.done $0x0  }
0x404: {  	[sflag:s26] =	ssyncadd.s32 $0xFFFFF380  }
0x405: {  	[tilespmem:s29], [sflag:$0x1] =	stream.indirect.gather [hbm4b:s1+s28], $0x80, s25, s28, $0xb8;
	[tilespmem:$0x1FC00] =	vst v63  }
0x406: {  	_ = 	snop  }
0x407: {  	[tilespmem:s31], [sflag:$0x2] =	stream.indirect.gather [hbm4b:s1+s28], $0x80, s21, s28, $0xb8;
	[tilespmem:$0x1FC00] =	vst v63  }
0x408: {  	s21 =	simm.s32 $0x100  }
0x409: {  	[tilespmem:s3], [sflag:$0x3] =	stream.indirect.gather [hbm4b:s1+s28], $0x80, s21, s28, $0xb8;
	[tilespmem:$0x1FC00] =	vst v63  }
0x40a: {  	_ =	swait.ge [sflag:s7], $0xC80  }
0x40b: {  	[sflag:s7] =	ssyncset.done $0x0  }
0x40c: {  	[sflag:s7] =	ssyncadd.s32 $0xFFFFF380  }
0x40d: {  	_ =	swait.ge [sflag:s8], $0x2800  }
0x40e: {  	[sflag:s8] =	ssyncset.done $0x0  }
0x40f: {  	[sflag:s8] =	ssyncadd.s32 $0xFFFFD800  }
0x410: {  	[spmem:s2] =	stream.indirect.scatter.add.f32 [tilespmem:s29], [sflag:$0x5], $0x80, s30, s28, $0xb8;
	[tilespmem:$0x1FC00] =	vst v63  }
0x411: {  	s21 =	simm.s32 $0x180  }
0x412: {  	[tilespmem:s6], [sflag:$0x4] =	stream.indirect.gather [hbm4b:s1+s28], $0x80, s21, s28, $0xb8;
	[tilespmem:$0x1FC00] =	vst v63  }
0x413: {  	_ =	swait.ge [sflag:s10], $0x2800  }
0x414: {  	[sflag:s10] =	ssyncset.done $0x0  }
0x415: {  	[sflag:s10] =	ssyncadd.s32 $0xFFFFD800  }
0x416: {  	_ =	swait.ge [sflag:s11], $0x2800  }
0x417: {  	[sflag:s11] =	ssyncset.done $0x0  }
0x418: {  	s21 =	simm.s32 $0x1080;
	[sflag:s11] =	ssyncadd.s32 $0xFFFFD800  }
0x419: {  	[spmem:s2] =	stream.indirect.scatter.add.f32 [tilespmem:s31], [sflag:$0x6], $0x80, s21, s28, $0xb8;
	[tilespmem:$0x1FC00] =	vst v63  }
0x41a: {  	s21 =	simm.s32 $0x200  }
0x41b: {  	[tilespmem:s29], [sflag:$0x1] =	stream.indirect.gather [hbm4b:s1+s28], $0x80, s21, s28, $0xb8;
	[tilespmem:$0x1FC00] =	vst v63  }
0x41c: {  	_ =	swait.ge [sflag:s14], $0x2800  }
0x41d: {  	[sflag:s14] =	ssyncset.done $0x0  }
0x41e: {  	[sflag:s14] =	ssyncadd.s32 $0xFFFFD800  }
0x41f: {  	_ =	swait.ge [sflag:s15], $0x2800  }
0x420: {  	[sflag:s15] =	ssyncset.done $0x0  }
0x421: {  	s21 =	simm.s32 $0x1100;
	[sflag:s15] =	ssyncadd.s32 $0xFFFFD800  }
0x422: {  	[spmem:s2] =	stream.indirect.scatter.add.f32 [tilespmem:s3], [sflag:$0x7], $0x80, s21, s28, $0xb8;
	[tilespmem:$0x1FC00] =	vst v63  }
0x423: {  	s21 =	simm.s32 $0x280  }
0x424: {  	[tilespmem:s31], [sflag:$0x2] =	stream.indirect.gather [hbm4b:s1+s28], $0x80, s21, s28, $0xb8;
	[tilespmem:$0x1FC00] =	vst v63  }
0x425: {  	_ =	swait.ge [sflag:s18], $0x2800  }
0x426: {  	[sflag:s18] =	ssyncset.done $0x0  }
0x427: {  	[sflag:s18] =	ssyncadd.s32 $0xFFFFD800  }
0x428: {  	_ =	swait.ge [sflag:s26], $0x2800  }
0x429: {  	[sflag:s26] =	ssyncset.done $0x0  }
0x42a: {  	s21 =	simm.s32 $0x1180;
	[sflag:s26] =	ssyncadd.s32 $0xFFFFD800  }
0x42b: {  	[spmem:s2] =	stream.indirect.scatter.add.f32 [tilespmem:s6], [sflag:$0x8], $0x80, s21, s28, $0xb8;
	[tilespmem:$0x1FC00] =	vst v63  }
0x42c: {  	s21 =	simm.s32 $0x300  }
0x42d: {  	[tilespmem:s3], [sflag:$0x3] =	stream.indirect.gather [hbm4b:s1+s28], $0x80, s21, s28, $0xb8;
	[tilespmem:$0x1FC00] =	vst v63  }
0x42e: {  	_ =	swait.ge [sflag:s8], $0x2800  }
0x42f: {  	[sflag:s8] =	ssyncset.done $0x0  }
0x430: {  	[sflag:s8] =	ssyncadd.s32 $0xFFFFD800  }
0x431: {  	_ =	swait.ge [sflag:s7], $0x2800  }
0x432: {  	[sflag:s7] =	ssyncset.done $0x0  }
0x433: {  	s21 =	simm.s32 $0x1200;
	[sflag:s7] =	ssyncadd.s32 $0xFFFFD800  }
0x434: {  	[spmem:s2] =	stream.indirect.scatter.add.f32 [tilespmem:s29], [sflag:$0x5], $0x80, s21, s28, $0xb8;
	[tilespmem:$0x1FC00] =	vst v63  }
0x435: {  	s21 =	simm.s32 $0x380  }
0x436: {  	[tilespmem:s6], [sflag:$0x4] =	stream.indirect.gather [hbm4b:s1+s28], $0x80, s21, s28, $0xb8;
	[tilespmem:$0x1FC00] =	vst v63  }
0x437: {  	_ =	swait.ge [sflag:s10], $0x2800  }
0x438: {  	[sflag:s10] =	ssyncset.done $0x0  }
0x439: {  	[sflag:s10] =	ssyncadd.s32 $0xFFFFD800  }
0x43a: {  	_ =	swait.ge [sflag:s11], $0x2800  }
0x43b: {  	[sflag:s11] =	ssyncset.done $0x0  }
0x43c: {  	s21 =	simm.s32 $0x1280;
	[sflag:s11] =	ssyncadd.s32 $0xFFFFD800  }
0x43d: {  	[spmem:s2] =	stream.indirect.scatter.add.f32 [tilespmem:s31], [sflag:$0x6], $0x80, s21, s28, $0xb8;
	[tilespmem:$0x1FC00] =	vst v63  }
0x43e: {  	s21 =	simm.s32 $0x400  }
0x43f: {  	[tilespmem:s29], [sflag:$0x1] =	stream.indirect.gather [hbm4b:s1+s28], $0x80, s21, s28, $0xb8;
	[tilespmem:$0x1FC00] =	vst v63  }
0x440: {  	_ =	swait.ge [sflag:s14], $0x2800  }
0x441: {  	[sflag:s14] =	ssyncset.done $0x0  }
0x442: {  	[sflag:s14] =	ssyncadd.s32 $0xFFFFD800  }
0x443: {  	_ =	swait.ge [sflag:s15], $0x2800  }
0x444: {  	[sflag:s15] =	ssyncset.done $0x0  }
0x445: {  	s21 =	simm.s32 $0x1300;
	[sflag:s15] =	ssyncadd.s32 $0xFFFFD800  }
0x446: {  	[spmem:s2] =	stream.indirect.scatter.add.f32 [tilespmem:s3], [sflag:$0x7], $0x80, s21, s28, $0xb8;
	[tilespmem:$0x1FC00] =	vst v63  }
0x447: {  	s21 =	simm.s32 $0x480  }
0x448: {  	[tilespmem:s31], [sflag:$0x2] =	stream.indirect.gather [hbm4b:s1+s28], $0x80, s21, s28, $0xb8;
	[tilespmem:$0x1FC00] =	vst v63  }
0x449: {  	_ =	swait.ge [sflag:s18], $0x2800  }
0x44a: {  	[sflag:s18] =	ssyncset.done $0x0  }
0x44b: {  	[sflag:s18] =	ssyncadd.s32 $0xFFFFD800  }
0x44c: {  	_ =	swait.ge [sflag:s26], $0x2800  }
0x44d: {  	[sflag:s26] =	ssyncset.done $0x0  }
0x44e: {  	s21 =	simm.s32 $0x1380;
	[sflag:s26] =	ssyncadd.s32 $0xFFFFD800  }
0x44f: {  	[spmem:s2] =	stream.indirect.scatter.add.f32 [tilespmem:s6], [sflag:$0x8], $0x80, s21, s28, $0xb8;
	[tilespmem:$0x1FC00] =	vst v63  }
0x450: {  	s21 =	simm.s32 $0x500  }
0x451: {  	[tilespmem:s3], [sflag:$0x3] =	stream.indirect.gather [hbm4b:s1+s28], $0x80, s21, s28, $0xb8;
	[tilespmem:$0x1FC00] =	vst v63  }
0x452: {  	_ =	swait.ge [sflag:s8], $0x2800  }
0x453: {  	[sflag:s8] =	ssyncset.done $0x0  }
0x454: {  	[sflag:s8] =	ssyncadd.s32 $0xFFFFD800  }
0x455: {  	_ =	swait.ge [sflag:s7], $0x2800  }
0x456: {  	[sflag:s7] =	ssyncset.done $0x0  }
0x457: {  	s21 =	simm.s32 $0x1400;
	[sflag:s7] =	ssyncadd.s32 $0xFFFFD800  }
0x458: {  	[spmem:s2] =	stream.indirect.scatter.add.f32 [tilespmem:s29], [sflag:$0x5], $0x80, s21, s28, $0xb8;
	[tilespmem:$0x1FC00] =	vst v63  }
0x459: {  	s21 =	simm.s32 $0x580  }
0x45a: {  	[tilespmem:s6], [sflag:$0x4] =	stream.indirect.gather [hbm4b:s1+s28], $0x80, s21, s28, $0xb8;
	[tilespmem:$0x1FC00] =	vst v63  }
0x45b: {  	_ =	swait.ge [sflag:s10], $0x2800  }
0x45c: {  	[sflag:s10] =	ssyncset.done $0x0  }
0x45d: {  	[sflag:s10] =	ssyncadd.s32 $0xFFFFD800  }
0x45e: {  	_ =	swait.ge [sflag:s11], $0x2800  }
0x45f: {  	[sflag:s11] =	ssyncset.done $0x0  }
0x460: {  	s21 =	simm.s32 $0x1480;
	[sflag:s11] =	ssyncadd.s32 $0xFFFFD800  }
0x461: {  	[spmem:s2] =	stream.indirect.scatter.add.f32 [tilespmem:s31], [sflag:$0x6], $0x80, s21, s28, $0xb8;
	[tilespmem:$0x1FC00] =	vst v63  }
0x462: {  	s17 =	simm.s32 $0x600  }
0x463: {  	[tilespmem:s29], [sflag:$0x1] =	stream.indirect.gather [hbm4b:s1+s28], $0x80, s17, s28, $0xb8;
	[tilespmem:$0x1FC00] =	vst v63  }
0x464: {  	_ =	swait.ge [sflag:s14], $0x2800  }
0x465: {  	[sflag:s14] =	ssyncset.done $0x0  }
0x466: {  	[sflag:s14] =	ssyncadd.s32 $0xFFFFD800  }
0x467: {  	_ =	swait.ge [sflag:s15], $0x2800  }
0x468: {  	[sflag:s15] =	ssyncset.done $0x0  }
0x469: {  	s21 =	simm.s32 $0x1500;
	[sflag:s15] =	ssyncadd.s32 $0xFFFFD800  }
0x46a: {  	[spmem:s2] =	stream.indirect.scatter.add.f32 [tilespmem:s3], [sflag:$0x7], $0x80, s21, s28, $0xb8;
	[tilespmem:$0x1FC00] =	vst v63  }
0x46b: {  	s19 =	simm.s32 $0x680  }
0x46c: {  	[tilespmem:s31], [sflag:$0x2] =	stream.indirect.gather [hbm4b:s1+s28], $0x80, s19, s28, $0xb8;
	[tilespmem:$0x1FC00] =	vst v63  }
0x46d: {  	_ =	swait.ge [sflag:s18], $0x2800  }
0x46e: {  	[sflag:s18] =	ssyncset.done $0x0  }
0x46f: {  	[sflag:s18] =	ssyncadd.s32 $0xFFFFD800  }
0x470: {  	_ =	swait.ge [sflag:s26], $0x2800  }
0x471: {  	[sflag:s26] =	ssyncset.done $0x0  }
0x472: {  	s21 =	simm.s32 $0x1580;
	[sflag:s26] =	ssyncadd.s32 $0xFFFFD800  }
0x473: {  	[spmem:s2] =	stream.indirect.scatter.add.f32 [tilespmem:s6], [sflag:$0x8], $0x80, s21, s28, $0xb8;
	[tilespmem:$0x1FC00] =	vst v63  }
0x474: {  	s13 =	simm.s32 $0x700  }
0x475: {  	[tilespmem:s3], [sflag:$0x3] =	stream.indirect.gather [hbm4b:s1+s28], $0x80, s13, s28, $0xb8;
	[tilespmem:$0x1FC00] =	vst v63  }
0x476: {  	_ =	swait.ge [sflag:s8], $0x2800  }
0x477: {  	[sflag:s8] =	ssyncset.done $0x0  }
0x478: {  	[sflag:s8] =	ssyncadd.s32 $0xFFFFD800  }
0x479: {  	_ =	swait.ge [sflag:s7], $0x2800  }
0x47a: {  	[sflag:s7] =	ssyncset.done $0x0  }
0x47b: {  	s19 =	simm.s32 $0x1600;
	[sflag:s7] =	ssyncadd.s32 $0xFFFFD800  }
0x47c: {  	[spmem:s2] =	stream.indirect.scatter.add.f32 [tilespmem:s29], [sflag:$0x5], $0x80, s19, s28, $0xb8;
	[tilespmem:$0x1FC00] =	vst v63  }
0x47d: {  	s16 =	simm.s32 $0x780  }
0x47e: {  	[tilespmem:s6], [sflag:$0x4] =	stream.indirect.gather [hbm4b:s1+s28], $0x80, s16, s28, $0xb8;
	[tilespmem:$0x1FC00] =	vst v63  }
0x47f: {  	_ =	swait.ge [sflag:s10], $0x2800  }
0x480: {  	[sflag:s10] =	ssyncset.done $0x0  }
0x481: {  	[sflag:s10] =	ssyncadd.s32 $0xFFFFD800  }
0x482: {  	_ =	swait.ge [sflag:s11], $0x2800  }
0x483: {  	[sflag:s11] =	ssyncset.done $0x0  }
0x484: {  	s21 =	simm.s32 $0x1680;
	[sflag:s11] =	ssyncadd.s32 $0xFFFFD800  }
0x485: {  	[spmem:s2] =	stream.indirect.scatter.add.f32 [tilespmem:s31], [sflag:$0x6], $0x80, s21, s28, $0xb8;
	[tilespmem:$0x1FC00] =	vst v63  }
0x486: {  	s20 =	simm.s32 $0x800  }
0x487: {  	[tilespmem:s29], [sflag:$0x1] =	stream.indirect.gather [hbm4b:s1+s28], $0x80, s20, s28, $0xb8;
	[tilespmem:$0x1FC00] =	vst v63  }
0x488: {  	_ =	swait.ge [sflag:s14], $0x2800  }
0x489: {  	[sflag:s14] =	ssyncset.done $0x0  }
0x48a: {  	[sflag:s14] =	ssyncadd.s32 $0xFFFFD800  }
0x48b: {  	_ =	swait.ge [sflag:s15], $0x2800  }
0x48c: {  	[sflag:s15] =	ssyncset.done $0x0  }
0x48d: {  	s16 =	simm.s32 $0x1700;
	[sflag:s15] =	ssyncadd.s32 $0xFFFFD800  }
0x48e: {  	[spmem:s2] =	stream.indirect.scatter.add.f32 [tilespmem:s3], [sflag:$0x7], $0x80, s16, s28, $0xb8;
	[tilespmem:$0x1FC00] =	vst v63  }
0x48f: {  	s22 =	simm.s32 $0x880  }
0x490: {  	[tilespmem:s31], [sflag:$0x2] =	stream.indirect.gather [hbm4b:s1+s28], $0x80, s22, s28, $0xb8;
	[tilespmem:$0x1FC00] =	vst v63  }
0x491: {  	_ =	swait.ge [sflag:s18], $0x2800  }
0x492: {  	[sflag:s18] =	ssyncset.done $0x0  }
0x493: {  	[sflag:s18] =	ssyncadd.s32 $0xFFFFD800  }
0x494: {  	_ =	swait.ge [sflag:s26], $0x2800  }
0x495: {  	[sflag:s26] =	ssyncset.done $0x0  }
0x496: {  	s17 =	simm.s32 $0x1780;
	[sflag:s26] =	ssyncadd.s32 $0xFFFFD800  }
0x497: {  	[spmem:s2] =	stream.indirect.scatter.add.f32 [tilespmem:s6], [sflag:$0x8], $0x80, s17, s28, $0xb8;
	[tilespmem:$0x1FC00] =	vst v63  }
0x498: {  	s23 =	simm.s32 $0x900  }
0x499: {  	[tilespmem:s3], [sflag:$0x3] =	stream.indirect.gather [hbm4b:s1+s28], $0x80, s23, s28, $0xb8;
	[tilespmem:$0x1FC00] =	vst v63  }
0x49a: {  	_ =	swait.ge [sflag:s8], $0x2800  }
0x49b: {  	[sflag:s8] =	ssyncset.done $0x0  }
0x49c: {  	[sflag:s8] =	ssyncadd.s32 $0xFFFFD800  }
0x49d: {  	_ =	swait.ge [sflag:s7], $0x2800  }
0x49e: {  	[sflag:s7] =	ssyncset.done $0x0  }
0x49f: {  	s19 =	simm.s32 $0x1800;
	[sflag:s7] =	ssyncadd.s32 $0xFFFFD800  }
0x4a0: {  	[spmem:s2] =	stream.indirect.scatter.add.f32 [tilespmem:s29], [sflag:$0x5], $0x80, s19, s28, $0xb8;
	[tilespmem:$0x1FC00] =	vst v63  }
0x4a1: {  	s24 =	simm.s32 $0x980  }
0x4a2: {  	[tilespmem:s6], [sflag:$0x4] =	stream.indirect.gather [hbm4b:s1+s28], $0x80, s24, s28, $0xb8;
	[tilespmem:$0x1FC00] =	vst v63  }
0x4a3: {  	_ =	swait.ge [sflag:s10], $0x2800  }
0x4a4: {  	[sflag:s10] =	ssyncset.done $0x0  }
0x4a5: {  	[sflag:s10] =	ssyncadd.s32 $0xFFFFD800  }
0x4a6: {  	_ =	swait.ge [sflag:s11], $0x2800  }
0x4a7: {  	[sflag:s11] =	ssyncset.done $0x0  }
0x4a8: {  	s20 =	simm.s32 $0x1880;
	[sflag:s11] =	ssyncadd.s32 $0xFFFFD800  }
0x4a9: {  	[spmem:s2] =	stream.indirect.scatter.add.f32 [tilespmem:s31], [sflag:$0x6], $0x80, s20, s28, $0xb8;
	[tilespmem:$0x1FC00] =	vst v63  }
0x4aa: {  	s21 =	simm.s32 $0xA00  }
0x4ab: {  	[tilespmem:s29], [sflag:$0x1] =	stream.indirect.gather [hbm4b:s1+s28], $0x80, s21, s28, $0xb8;
	[tilespmem:$0x1FC00] =	vst v63  }
0x4ac: {  	_ =	swait.ge [sflag:s14], $0x2800  }
0x4ad: {  	[sflag:s14] =	ssyncset.done $0x0  }
0x4ae: {  	[sflag:s14] =	ssyncadd.s32 $0xFFFFD800  }
0x4af: {  	_ =	swait.ge [sflag:s15], $0x2800  }
0x4b0: {  	[sflag:s15] =	ssyncset.done $0x0  }
0x4b1: {  	s22 =	simm.s32 $0x1900;
	[sflag:s15] =	ssyncadd.s32 $0xFFFFD800  }
0x4b2: {  	[spmem:s2] =	stream.indirect.scatter.add.f32 [tilespmem:s3], [sflag:$0x7], $0x80, s22, s28, $0xb8;
	[tilespmem:$0x1FC00] =	vst v63  }
0x4b3: {  	s23 =	simm.s32 $0xA80  }
0x4b4: {  	[tilespmem:s31], [sflag:$0x2] =	stream.indirect.gather [hbm4b:s1+s28], $0x80, s23, s28, $0xb8;
	[tilespmem:$0x1FC00] =	vst v63  }
0x4b5: {  	_ =	swait.ge [sflag:s18], $0x2800  }
0x4b6: {  	[sflag:s18] =	ssyncset.done $0x0  }
0x4b7: {  	[sflag:s18] =	ssyncadd.s32 $0xFFFFD800  }
0x4b8: {  	_ =	swait.ge [sflag:s26], $0x2800  }
0x4b9: {  	[sflag:s26] =	ssyncset.done $0x0  }
0x4ba: {  	[sflag:s26] =	ssyncadd.s32 $0xFFFFD800  }
0x4bb: {  	[spmem:s2] =	stream.indirect.scatter.add.f32 [tilespmem:s6], [sflag:$0x8], $0x80, s0, s28, $0xb8;
	[tilespmem:$0x1FC00] =	vst v63  }
0x4bc: {  	s24 =	simm.s32 $0xB00  }
0x4bd: {  	[tilespmem:s3], [sflag:$0x3] =	stream.indirect.gather [hbm4b:s1+s28], $0x80, s24, s28, $0xb8;
	[tilespmem:$0x1FC00] =	vst v63  }
0x4be: {  	_ =	swait.ge [sflag:s8], $0x2800  }
0x4bf: {  	[sflag:s8] =	ssyncset.done $0x0  }
0x4c0: {  	[sflag:s8] =	ssyncadd.s32 $0xFFFFD800  }
0x4c1: {  	_ =	swait.ge [sflag:s7], $0x2800  }
0x4c2: {  	[sflag:s7] =	ssyncset.done $0x0  }
0x4c3: {  	[sflag:s7] =	ssyncadd.s32 $0xFFFFD800  }
0x4c4: {  	[spmem:s2] =	stream.indirect.scatter.add.f32 [tilespmem:s29], [sflag:$0x5], $0x80, s4, s28, $0xb8;
	[tilespmem:$0x1FC00] =	vst v63  }
0x4c5: {  	s4 =	simm.s32 $0xB80  }
0x4c6: {  	[tilespmem:s6], [sflag:$0x4] =	stream.indirect.gather [hbm4b:s1+s28], $0x80, s4, s28, $0xb8;
	[tilespmem:$0x1FC00] =	vst v63  }
0x4c7: {  	_ =	swait.ge [sflag:s10], $0x2800  }
0x4c8: {  	[sflag:s10] =	ssyncset.done $0x0  }
0x4c9: {  	[sflag:s10] =	ssyncadd.s32 $0xFFFFD800  }
0x4ca: {  	_ =	swait.ge [sflag:s11], $0x2800  }
0x4cb: {  	[sflag:s11] =	ssyncset.done $0x0  }
0x4cc: {  	[sflag:s11] =	ssyncadd.s32 $0xFFFFD800  }
0x4cd: {  	[spmem:s2] =	stream.indirect.scatter.add.f32 [tilespmem:s31], [sflag:$0x6], $0x80, s5, s28, $0xb8;
	[tilespmem:$0x1FC00] =	vst v63  }
0x4ce: {  	s9 =	simm.s32 $0xC00  }
0x4cf: {  	[tilespmem:s29], [sflag:$0x1] =	stream.indirect.gather [hbm4b:s1+s28], $0x80, s9, s28, $0xb8;
	[tilespmem:$0x1FC00] =	vst v63  }
0x4d0: {  	_ =	swait.ge [sflag:s14], $0x2800  }
0x4d1: {  	[sflag:s14] =	ssyncset.done $0x0  }
0x4d2: {  	[sflag:s14] =	ssyncadd.s32 $0xFFFFD800  }
0x4d3: {  	_ =	swait.ge [sflag:s15], $0x2800  }
0x4d4: {  	[sflag:s15] =	ssyncset.done $0x0  }
0x4d5: {  	s12 =	simm.s32 $0x1B00;
	[sflag:s15] =	ssyncadd.s32 $0xFFFFD800  }
0x4d6: {  	[spmem:s2] =	stream.indirect.scatter.add.f32 [tilespmem:s3], [sflag:$0x7], $0x80, s12, s28, $0xb8;
	[tilespmem:$0x1FC00] =	vst v63  }
0x4d7: {  	_ =	swait.ge [sflag:s18], $0x2800  }
0x4d8: {  	[sflag:s18] =	ssyncset.done $0x0  }
0x4d9: {  	[sflag:s18] =	ssyncadd.s32 $0xFFFFD800  }
0x4da: {  	_ =	swait.ge [sflag:s26], $0x2800  }
0x4db: {  	[sflag:s26] =	ssyncset.done $0x0  }
0x4dc: {  	s5 =	simm.s32 $0x1B80;
	[sflag:s26] =	ssyncadd.s32 $0xFFFFD800  }
0x4dd: {  	[spmem:s2] =	stream.indirect.scatter.add.f32 [tilespmem:s6], [sflag:$0x8], $0x80, s5, s28, $0xb8;
	[tilespmem:$0x1FC00] =	vst v63  }
0x4de: {  	_ =	swait.ge [sflag:s8], $0x2800  }
0x4df: {  	[sflag:s8] =	ssyncset.done $0x0  }
0x4e0: {  	[sflag:s8] =	ssyncadd.s32 $0xFFFFD800  }
0x4e1: {  	_ =	swait.ge [sflag:s7], $0x2800  }
0x4e2: {  	[sflag:s7] =	ssyncset.done $0x0  }
0x4e3: {  	s9 =	simm.s32 $0x1C00;
	[sflag:s7] =	ssyncadd.s32 $0xFFFFD800  }
0x4e4: {  	[spmem:s2] =	stream.indirect.scatter.add.f32 [tilespmem:s29], [sflag:$0x5], $0x80, s9, s28, $0xb8;
	[tilespmem:$0x1FC00] =	vst v63  }
0x4e5: {  	_ =	swait.ge [sflag:s11], $0x2800  }
0x4e6: {  	[sflag:s11] =	ssyncset.done $0x0  }
0x4e7: {  	[sflag:s11] =	ssyncadd.s32 $0xFFFFD800  }
0x4e8: {  	s12 =	stileid.u32;
	[bflag:$0x0] =	sbarrier.arrive $0xFFFF  }
0x4e9: {  	s22 =	simm.s32 $0x9;
	s19 =	sshll.u32 s12, $0x6;
	s13 =	rddreg [dreg:$0x5]  }
0x4ea: {  	s19 =	sor.u32 $0x1C09, s19;
	s17 =	rddreg [dreg:$0x17];
	s16 =	sshrl.u32 s13, $0x3  }
0x4eb: {  	[hbm:s17], [sflag:s19] =	dma.local [spmem:s16], $0x2780  }
0x4ec: {  	_ =	swait.ge [sflag:s22], $0x2780  }
0x4ed: {  	s23 =	rddreg [dreg:$0x19]  }
0x4ee: {  	s24 =	rddreg [dreg:$0x18];
	s4 =	sadd.s32 $0x1, s23  }
0x4ef: {  	p0 =	sne.s32 s4, s24  }
.Ltmp1:
0x4f0: {  	_ = 	snop;
	(pc) =	sbr.rel @p0 .LBB2_1-.Ltmp1, $3  }
0x4f1: {  	_ =	sdelay $0x1  }
0x4f2: {  	[sflag:s22] =	ssyncset.done $0x0  }
0x4f3: {  	s20 =	simm.s32 $0x100;
	s21 =	simm.s32 $0x80;
	[sflag:s22] =	ssyncadd.s32 $0xFFFFD880  }
0x4f4: {  	_ =	sfence.sel $0x180000  }
0x4f5: {  	[bflag:$0x0] =	sbarrier.arrive $0xFFFF  }
0x4f6: {  	_ =	strace $0x90000047  }
0x4f7: {  	s0 =	stileid.u32;
	[bflag:$0x2] =	sbarrier.arrive $0xFFFF  }
0x4f8: {  	p0 =	sne.s32 s0, $0x0;
	s0 =	rddreg [dreg:$0x4]  }
0x4f9: {  	s0 =	sadd.s32 @!p0 $0x100000, s0  }
0x4fa: {  	[sflag:s0] =	ssyncadd.tile.s32 @!p0 $0x1;
	_ =	shalt  }
.Lfunc_end2:
_tile_overlayer_lowered:
.L_overlay_start_2:
0x4fb: {  	(tag) =	ssettag $0x2  }
0x4fc: {  	s0 =	rddreg [dreg:$0x0];
	s2 =	stileid.u32  }
0x4fd: {  	s1 =	rddreg [dreg:$0x1];
	p0 =	sne.s32 s2, $0x0  }
0x4fe: {  	s3 =	rddreg [dreg:$0x2];
	[bflag:$0x3] =	sbarrier.arrive $0xFFFF;
	s2 =	simm.s32 @!p0 $0x1C09  }
0x4ff: {  	[timem:s3], [sflag:s2] =	dma.local @!p0 [hbm:s0], s1  }
0x500: {  	s0 =	simm.s32 @!p0 $0x9  }
0x501: {  	_ =	swait.ge @!p0 [sflag:s0], s1  }
0x502: {  	s1 =	ssub.s32 @!p0 $0x0, s1;
	[sflag:s0] =	ssyncset.done @!p0 $0x0  }
0x503: {  	[sflag:s0] =	ssyncadd.s32 @!p0 s1  }
0x504: {  	[bflag:$0x3] =	sbarrier.arrive $0xFFFF  }
0x505: {  	_ =	shalt  }

</sc_bundles>
